<compile_context>
chip_gen: v7x
topology: tpu7x:2x2x1
jax: 0.10.2.dev20260603
libtpu: 0.0.44.dev20260713+nightly
codegen_flags: <defaults>
</compile_context>

<pallas_src>
import functools

import jax
import jax.numpy as jnp
from jax import lax
from jax.experimental import pallas as pl
from jax.experimental.pallas import tpu as pltpu
from jax.experimental.pallas import tpu_sc as plsc

N_ROWS = 128
N_COLS = 32768
K_RANK = N_COLS // 2
L = 16
NC, NS = 2, 16
NW = NC * NS
ROWS_PER_W = N_ROWS // NW
NV = N_COLS // L

B1_BITS, B2_BITS, B3_BITS = 11, 10, 10
NB1, NB2, NB3 = 1 << B1_BITS, 1 << B2_BITS, 1 << B3_BITS
SIGN_MASK = 0x7FFFFFFF


def _bcast(s):
    return lax.broadcast_in_dim(s, (L,), ())


def _thr_body(x_hbm, thr_hbm, xbuf0, xbuf1, hist, cbuf, tbuf, sem0, sem1):
    c = lax.axis_index("c")
    s = lax.axis_index("s")
    wid = s * NC + c

    lane = lax.broadcasted_iota(jnp.int32, (L,), 0)
    zeros_i = jnp.zeros((L,), jnp.int32)
    ones_i = jnp.ones((L,), jnp.int32)

    @plsc.parallel_loop(0, NB1 // L, unroll=8)
    def zbody(i):
        hist[pl.ds(i * L, L)] = zeros_i

    def magnitude(xrow, i):
        raw = xrow[pl.ds(i * L, L)]
        u = raw & SIGN_MASK
        return raw, u

    def find_bin(nbins, kprime):

        @plsc.parallel_loop(
            0, nbins // L, unroll=2,
            carry=(jnp.int32(0), jnp.int32(0), jnp.int32(0)),
        )
        def mcarry(j, carry):
            total, nless, cbefore = carry
            acc = hist[pl.ds(j * L, L)]
            hist[pl.ds(j * L, L)] = zeros_i
            cum = jnp.cumsum(acc) + _bcast(total)
            mlt = cum < _bcast(kprime)
            nless = nless + jnp.sum(jnp.where(mlt, ones_i, zeros_i))
            cbefore = jnp.maximum(cbefore, jnp.max(jnp.where(mlt, cum, zeros_i)))
            total = jnp.max(cum)
            return total, nless, cbefore

        _, nless, cbefore = mcarry
        return nless, cbefore

    sems = (sem0, sem1)
    bufs = (xbuf0, xbuf1)

    def row_dma(r):
        row_base = (wid * ROWS_PER_W + r) * N_COLS
        return pltpu.async_copy(
            x_hbm.at[pl.ds(row_base, N_COLS)], bufs[r % 2], sems[r % 2])

    def do_row(r, xrow, thrvec):
        @plsc.parallel_loop(0, NV, unroll=8)
        def s1(i):
            _, u = magnitude(xrow, i)
            b = lax.shift_right_logical(u, B2_BITS + B3_BITS)
            plsc.addupdate_scatter(hist, [b], ones_i)

        kprime = jnp.int32(K_RANK)
        b1, cbefore = find_bin(NB1, kprime)
        kprime = kprime - cbefore

        b1v = _bcast(b1)

        @plsc.parallel_loop(0, NV, unroll=8, carry=jnp.zeros((L,), jnp.int32))
        def s2(i, posv):
            _, u = magnitude(xrow, i)
            p = lax.shift_right_logical(u, B2_BITS + B3_BITS)
            m = p == b1v
            plsc.store_compressed(cbuf.at[pl.ds(posv[0], L)], u, mask=m)
            return posv + plsc.all_reduce_population_count(m)

        n2 = s2[0]
        n2v = _bcast(n2)
        nv2 = lax.shift_right_logical(n2 + (L - 1), 4)

        @plsc.parallel_loop(0, nv2)
        def s2b(i):
            u = cbuf[pl.ds(i * L, L)]
            valid = (_bcast(i * L) + lane) < n2v
            b = lax.shift_right_logical(u, B3_BITS) & (NB2 - 1)
            plsc.addupdate_scatter(hist, [b], ones_i, mask=valid)

        b2, cbefore = find_bin(NB2, kprime)
        kprime = kprime - cbefore

        prefix2 = (b1 << B2_BITS) | b2
        p2v = _bcast(prefix2)

        @plsc.parallel_loop(0, nv2)
        def s3(i):
            u = cbuf[pl.ds(i * L, L)]
            valid = (_bcast(i * L) + lane) < n2v
            p = lax.shift_right_logical(u, B3_BITS)
            b = u & (NB3 - 1)
            plsc.addupdate_scatter(hist, [b], ones_i, mask=valid & (p == p2v))

        b3, _ = find_bin(NB3, kprime)

        thr = (prefix2 << B3_BITS) | b3
        return jnp.where(lane == _bcast(jnp.int32(r)), _bcast(thr), thrvec)

    thrvec = zeros_i
    pending = row_dma(0)
    for r in range(ROWS_PER_W):
        pending.wait()
        if r + 1 < ROWS_PER_W:
            pending = row_dma(r + 1)
        thrvec = do_row(r, bufs[r % 2], thrvec)
    tbuf[...] = thrvec
    pltpu.sync_copy(tbuf, thr_hbm.at[pl.ds(wid * L, L)])


_sc_thresholds = functools.partial(
    pl.kernel,
    out_type=jax.ShapeDtypeStruct((NW * L,), jnp.int32),
    mesh=plsc.VectorSubcoreMesh(
        core_axis_name="c", subcore_axis_name="s", num_cores=NC, num_subcores=NS
    ),
    scratch_types=[
        pltpu.VMEM((N_COLS,), jnp.int32),
        pltpu.VMEM((N_COLS,), jnp.int32),
        pltpu.VMEM((NB1,), jnp.int32),
        pltpu.VMEM((N_COLS,), jnp.int32),
        pltpu.VMEM((L,), jnp.int32),
        pltpu.SemaphoreType.DMA,
        pltpu.SemaphoreType.DMA,
    ],
    compiler_params=pltpu.CompilerParams(needs_layout_passes=False),
)(_thr_body)


BR, BC = 16, 32768


def _mask_body(thr_ref, x_ref, y_ref, m_ref):
    xb = x_ref[...]
    keep = jnp.abs(xb) >= thr_ref[...]
    y_ref[...] = jnp.where(keep, xb, 0.0)
    m_ref[...] = keep.astype(jnp.float32)


_apply_mask = pl.pallas_call(
    _mask_body,
    grid=(N_ROWS // BR, N_COLS // BC),
    in_specs=[
        pl.BlockSpec((BR, 1), lambda i, j: (i, 0)),
        pl.BlockSpec((BR, BC), lambda i, j: (i, j)),
    ],
    out_specs=[
        pl.BlockSpec((BR, BC), lambda i, j: (i, j)),
        pl.BlockSpec((BR, BC), lambda i, j: (i, j)),
    ],
    out_shape=[
        jax.ShapeDtypeStruct((N_ROWS, N_COLS), jnp.float32),
        jax.ShapeDtypeStruct((N_ROWS, N_COLS), jnp.float32),
    ],
)


@jax.jit
def kernel(x):
    xi = lax.bitcast_convert_type(x.reshape(-1), jnp.int32)
    thr_flat = _sc_thresholds(xi)
    thr_bits = thr_flat.reshape(NW, L)[:, :ROWS_PER_W].reshape(N_ROWS, 1)
    thr = lax.bitcast_convert_type(thr_bits, jnp.float32)
    y, m = _apply_mask(thr, x)
    return y, m

# --- scband reference (transcript-rebuilt; emitter-appended) ---
"""Pipeline reference for scband-top-ksparsifier-26611617366613 (READ-ONLY COPY).

The authoritative reference and input builder live on the scoring server;
editing this copy changes nothing except your own understanding.
"""

import jax, jax.numpy as jnp
import numpy as np

K_FRAC = 0.5

def setup_inputs(seed: int = 0) -> dict:
    key = jax.random.key(seed)
    x = jax.random.normal(key, (128, 32768), dtype=jnp.float32)
    return {"x": x}

def reference(x):
    # Faithful translation of TopKSparsifier.forward
    abs_x = jnp.abs(x)
    num_keep = int(K_FRAC * x.shape[-1])
    # torch.kthvalue(k=num_keep) returns the num_keep-th smallest value along dim
    sorted_abs = jnp.sort(abs_x, axis=-1)
    threshold = sorted_abs[..., num_keep - 1:num_keep]  # keepdim=True
    mask = (abs_x >= threshold).astype(jnp.float32)
    return (x * mask, mask)

if __name__ == "__main__":
    import jax
    _d = setup_inputs()
    print(jax.jit(kernel)(*tuple(_d.values())))

</pallas_src>

<mosaic_0001>
#map = affine_map<(d0, d1) -> (0)>
module attributes {stable_mosaic.version = 14 : i64} {
  func.func @_thr_body(%arg0: i32, %arg1: i32, %arg2: memref<4194304xi32, #tpu.memory_space<hbm>>, %arg3: memref<512xi32, #tpu.memory_space<hbm>>, %arg4: memref<32768xi32, #tpu.memory_space<vmem>>, %arg5: memref<32768xi32, #tpu.memory_space<vmem>>, %arg6: memref<2048xi32, #tpu.memory_space<vmem>>, %arg7: memref<32768xi32, #tpu.memory_space<vmem>>, %arg8: memref<16xi32, #tpu.memory_space<vmem>>, %arg9: memref<!tpu.dma_semaphore, #tpu.memory_space<semaphore_mem>>, %arg10: memref<!tpu.dma_semaphore, #tpu.memory_space<semaphore_mem>>) attributes {dimension_semantics = [#tpu.dimension_semantics<core_parallel>, #tpu.dimension_semantics<subcore_parallel>], iteration_bounds = array<i64: 2, 16>, scalar_prefetch = 0 : i64, scratch_operands = 7 : i64, tpu.core_type = #tpu.core_type<sc_vector_subcore>, window_params = [{transform_indices = #map}, {transform_indices = #map}]} {
    %mul3A = arith.constant 2 : i32
    %mul3A_0 = arith.muli %arg1, %mul3A : i32
    %add3A = arith.addi %mul3A_0, %arg0 : i32
    %iota3A = tpu.iota {dimensions = array<i32: 0>} : vector<16xi32>
    %broadcast_in_dim3A = arith.constant 0 : i32
    %broadcast_in_dim3A_1 = vector.broadcast %broadcast_in_dim3A : i32 to vector<16xi32>
    %broadcast_in_dim3A_2 = arith.constant 1 : i32
    %broadcast_in_dim3A_3 = vector.broadcast %broadcast_in_dim3A_2 : i32 to vector<16xi32>
    %parallel_loop3A = arith.constant 0 : i32
    %parallel_loop3A_4 = arith.constant 128 : i32
    %parallel_loop3A_5 = arith.constant 1 : i32
    scf.for %parallel_loop3A_271 = %parallel_loop3A to %parallel_loop3A_4 step %parallel_loop3A_5  : i32 {
      %parallel_loop3A_272 = arith.constant 16 : i32
      %parallel_loop3A_273 = arith.muli %parallel_loop3A_271, %parallel_loop3A_272 : i32
      %parallel_loop3A_274 = arith.index_cast %parallel_loop3A_273 : i32 to index
      %parallel_loop3A_275 = tpu.vector_load %arg6[%parallel_loop3A_274] {strides = array<i32>} : memref<2048xi32, #tpu.memory_space<vmem>>, vector<16xi32>,
      tpu.vector_store %arg6[%parallel_loop3A_274], %broadcast_in_dim3A_1 {strides = array<i32>} : memref<2048xi32, #tpu.memory_space<vmem>>, vector<16xi32>,
    } {sc.loop_unroll_factor = 8 : i64, sc.parallel_access}
    %mul3A_6 = arith.constant 4 : i32
    %mul3A_7 = arith.muli %add3A, %mul3A_6 : i32
    %add3A_8 = arith.constant 0 : i32
    %add3A_9 = arith.addi %mul3A_7, %add3A_8 : i32
    %mul3A_10 = arith.constant 32768 : i32
    %mul3A_11 = arith.muli %add3A_9, %mul3A_10 : i32
    %dma_start3A = tpu.memref_slice %arg2[%mul3A_11] : memref<4194304xi32, #tpu.memory_space<hbm>> -> memref<32768xi32, #tpu.memory_space<hbm>>
    %dma_start3A_12 = tpu.memref_slice %arg2[%mul3A_11] : memref<4194304xi32, #tpu.memory_space<hbm>> -> memref<32768xi32, #tpu.memory_space<hbm>>
    tpu.enqueue_dma source(%dma_start3A_12 : memref<32768xi32, #tpu.memory_space<hbm>>) target(%arg4 : memref<32768xi32, #tpu.memory_space<vmem>>) target_semaphore(%arg9 : memref<!tpu.dma_semaphore, #tpu.memory_space<semaphore_mem>>)
    %dma_wait3A = tpu.memref_slice %arg2[%mul3A_11] : memref<4194304xi32, #tpu.memory_space<hbm>> -> memref<32768xi32, #tpu.memory_space<hbm>>
    %dma_wait3A_13 = tpu.memref_slice %arg2[%mul3A_11] : memref<4194304xi32, #tpu.memory_space<hbm>> -> memref<32768xi32, #tpu.memory_space<hbm>>
    tpu.wait_dma2 semaphore(%arg9 : memref<!tpu.dma_semaphore, #tpu.memory_space<semaphore_mem>>) src(%dma_wait3A_13 : memref<32768xi32, #tpu.memory_space<hbm>>) dst(%arg4 : memref<32768xi32, #tpu.memory_space<vmem>>)
    %mul3A_14 = arith.constant 4 : i32
    %mul3A_15 = arith.muli %add3A, %mul3A_14 : i32
    %add3A_16 = arith.constant 1 : i32
    %add3A_17 = arith.addi %mul3A_15, %add3A_16 : i32
    %mul3A_18 = arith.constant 32768 : i32
    %mul3A_19 = arith.muli %add3A_17, %mul3A_18 : i32
    %dma_start3A_20 = tpu.memref_slice %arg2[%mul3A_19] : memref<4194304xi32, #tpu.memory_space<hbm>> -> memref<32768xi32, #tpu.memory_space<hbm>>
    %dma_start3A_21 = tpu.memref_slice %arg2[%mul3A_19] : memref<4194304xi32, #tpu.memory_space<hbm>> -> memref<32768xi32, #tpu.memory_space<hbm>>
    tpu.enqueue_dma source(%dma_start3A_21 : memref<32768xi32, #tpu.memory_space<hbm>>) target(%arg5 : memref<32768xi32, #tpu.memory_space<vmem>>) target_semaphore(%arg10 : memref<!tpu.dma_semaphore, #tpu.memory_space<semaphore_mem>>)
    %parallel_loop3A_22 = arith.constant 0 : i32
    %parallel_loop3A_23 = arith.constant 2048 : i32
    %parallel_loop3A_24 = arith.constant 1 : i32
    scf.for %parallel_loop3A_271 = %parallel_loop3A_22 to %parallel_loop3A_23 step %parallel_loop3A_24  : i32 {
      %parallel_loop3A_272 = arith.constant 16 : i32
      %parallel_loop3A_273 = arith.muli %parallel_loop3A_271, %parallel_loop3A_272 : i32
      %parallel_loop3A_274 = arith.index_cast %parallel_loop3A_273 : i32 to index
      %parallel_loop3A_275 = tpu.vector_load %arg4[%parallel_loop3A_274] {strides = array<i32>} : memref<32768xi32, #tpu.memory_space<vmem>>, vector<16xi32>,
      %parallel_loop3A_276 = arith.constant 2147483647 : i32
      %parallel_loop3A_277 = vector.broadcast %parallel_loop3A_276 : i32 to vector<16xi32>
      %parallel_loop3A_278 = arith.andi %parallel_loop3A_275, %parallel_loop3A_277 : vector<16xi32>
      %parallel_loop3A_279 = arith.constant 20 : i32
      %parallel_loop3A_280 = vector.broadcast %parallel_loop3A_279 : i32 to vector<16xi32>
      %parallel_loop3A_281 = arith.shrui %parallel_loop3A_278, %parallel_loop3A_280 : vector<16xi32>
      tpu.vector_store_idx %arg6[%parallel_loop3A_281], %broadcast_in_dim3A_3 {add = true} : memref<2048xi32, #tpu.memory_space<vmem>>[vector<16xi32>], vector<16xi32>,
    } {sc.loop_unroll_factor = 8 : i64, sc.parallel_access}
    %parallel_loop3A_25 = arith.constant 0 : i32
    %parallel_loop3A_26 = arith.constant 128 : i32
    %parallel_loop3A_27 = arith.constant 1 : i32
    %parallel_loop3A_28 = arith.constant 16384 : i32
    %parallel_loop3A_29 = arith.constant 0 : i32
    %parallel_loop3A_30 = arith.constant 0 : i32
    %parallel_loop3A_31 = arith.constant 0 : i32
    %parallel_loop3A_32:3 = scf.for %parallel_loop3A_271 = %parallel_loop3A_25 to %parallel_loop3A_26 step %parallel_loop3A_27 iter_args(%parallel_loop3A_272 = %parallel_loop3A_29, %parallel_loop3A_273 = %parallel_loop3A_30, %parallel_loop3A_274 = %parallel_loop3A_31) -> (i32, i32, i32)  : i32 {
      %parallel_loop3A_275 = arith.constant 16 : i32
      %parallel_loop3A_276 = arith.muli %parallel_loop3A_271, %parallel_loop3A_275 : i32
      %parallel_loop3A_277 = arith.index_cast %parallel_loop3A_276 : i32 to index
      %parallel_loop3A_278 = tpu.vector_load %arg6[%parallel_loop3A_277] {strides = array<i32>} : memref<2048xi32, #tpu.memory_space<vmem>>, vector<16xi32>,
      %parallel_loop3A_279 = arith.constant 16 : i32
      %parallel_loop3A_280 = arith.muli %parallel_loop3A_271, %parallel_loop3A_279 : i32
      %parallel_loop3A_281 = arith.index_cast %parallel_loop3A_280 : i32 to index
      %parallel_loop3A_282 = tpu.vector_load %arg6[%parallel_loop3A_281] {strides = array<i32>} : memref<2048xi32, #tpu.memory_space<vmem>>, vector<16xi32>,
      tpu.vector_store %arg6[%parallel_loop3A_281], %broadcast_in_dim3A_1 {strides = array<i32>} : memref<2048xi32, #tpu.memory_space<vmem>>, vector<16xi32>,
      %parallel_loop3A_283 = arith.constant true
      %parallel_loop3A_284 = vector.broadcast %parallel_loop3A_283 : i1 to vector<16xi1>
      %parallel_loop3A_285 = tpu.scan <sum>, %parallel_loop3A_278 masked %parallel_loop3A_284 : vector<16xi32>, vector<16xi1> -> vector<16xi32>
      %parallel_loop3A_286 = vector.broadcast %parallel_loop3A_272 : i32 to vector<16xi32>
      %parallel_loop3A_287 = arith.addi %parallel_loop3A_285, %parallel_loop3A_286 : vector<16xi32>
      %parallel_loop3A_288 = vector.broadcast %parallel_loop3A_28 : i32 to vector<16xi32>
      %parallel_loop3A_289 = arith.cmpi slt, %parallel_loop3A_287, %parallel_loop3A_288 : vector<16xi32>
      %parallel_loop3A_290 = arith.select %parallel_loop3A_289, %broadcast_in_dim3A_3, %broadcast_in_dim3A_1 : vector<16xi1>, vector<16xi32>
      %parallel_loop3A_291 = arith.constant true
      %parallel_loop3A_292 = vector.broadcast %parallel_loop3A_291 : i1 to vector<16xi1>
      %parallel_loop3A_293 = tpu.scan <sum>, %parallel_loop3A_290 masked %parallel_loop3A_292 : vector<16xi32>, vector<16xi1> -> vector<16xi32>
      %parallel_loop3A_294 = vector.extract %parallel_loop3A_293[15] : i32 from vector<16xi32>
      %parallel_loop3A_295 = arith.addi %parallel_loop3A_273, %parallel_loop3A_294 : i32
      %parallel_loop3A_296 = arith.select %parallel_loop3A_289, %parallel_loop3A_287, %broadcast_in_dim3A_1 : vector<16xi1>, vector<16xi32>
      %parallel_loop3A_297 = arith.constant true
      %parallel_loop3A_298 = vector.broadcast %parallel_loop3A_297 : i1 to vector<16xi1>
      %parallel_loop3A_299 = arith.constant -2147483648 : i32
      %parallel_loop3A_300 = vector.broadcast %parallel_loop3A_299 : i32 to vector<16xi32>
      %parallel_loop3A_301 = arith.xori %parallel_loop3A_296, %parallel_loop3A_300 : vector<16xi32>
      %parallel_loop3A_302 = tpu.scan <max>, %parallel_loop3A_301 masked %parallel_loop3A_298 : vector<16xi32>, vector<16xi1> -> vector<16xi32>
      %parallel_loop3A_303 = arith.xori %parallel_loop3A_302, %parallel_loop3A_300 : vector<16xi32>
      %parallel_loop3A_304 = vector.extract %parallel_loop3A_303[15] : i32 from vector<16xi32>
      %parallel_loop3A_305 = arith.maxsi %parallel_loop3A_274, %parallel_loop3A_304 : i32
      %parallel_loop3A_306 = arith.constant true
      %parallel_loop3A_307 = vector.broadcast %parallel_loop3A_306 : i1 to vector<16xi1>
      %parallel_loop3A_308 = arith.constant -2147483648 : i32
      %parallel_loop3A_309 = vector.broadcast %parallel_loop3A_308 : i32 to vector<16xi32>
      %parallel_loop3A_310 = arith.xori %parallel_loop3A_287, %parallel_loop3A_309 : vector<16xi32>
      %parallel_loop3A_311 = tpu.scan <max>, %parallel_loop3A_310 masked %parallel_loop3A_307 : vector<16xi32>, vector<16xi1> -> vector<16xi32>
      %parallel_loop3A_312 = arith.xori %parallel_loop3A_311, %parallel_loop3A_309 : vector<16xi32>
      %parallel_loop3A_313 = vector.extract %parallel_loop3A_312[15] : i32 from vector<16xi32>
      scf.yield %parallel_loop3A_313, %parallel_loop3A_295, %parallel_loop3A_305 : i32, i32, i32
    } {sc.loop_unroll_factor = 2 : i64, sc.parallel_access}
    %sub3A = arith.constant 16384 : i32
    %sub3A_33 = arith.subi %sub3A, %parallel_loop3A_32#2 : i32
    %broadcast_in_dim3A_34 = vector.broadcast %parallel_loop3A_32#1 : i32 to vector<16xi32>
    %broadcast_in_dim3A_35 = arith.constant 0 : i32
    %broadcast_in_dim3A_36 = vector.broadcast %broadcast_in_dim3A_35 : i32 to vector<16xi32>
    %parallel_loop3A_37 = arith.constant 0 : i32
    %parallel_loop3A_38 = arith.constant 2048 : i32
    %parallel_loop3A_39 = arith.constant 1 : i32
    %parallel_loop3A_40 = scf.for %parallel_loop3A_271 = %parallel_loop3A_37 to %parallel_loop3A_38 step %parallel_loop3A_39 iter_args(%parallel_loop3A_272 = %broadcast_in_dim3A_36) -> (vector<16xi32>)  : i32 {
      %parallel_loop3A_273 = arith.constant 16 : i32
      %parallel_loop3A_274 = arith.muli %parallel_loop3A_271, %parallel_loop3A_273 : i32
      %parallel_loop3A_275 = arith.index_cast %parallel_loop3A_274 : i32 to index
      %parallel_loop3A_276 = tpu.vector_load %arg4[%parallel_loop3A_275] {strides = array<i32>} : memref<32768xi32, #tpu.memory_space<vmem>>, vector<16xi32>,
      %parallel_loop3A_277 = arith.constant 2147483647 : i32
      %parallel_loop3A_278 = vector.broadcast %parallel_loop3A_277 : i32 to vector<16xi32>
      %parallel_loop3A_279 = arith.andi %parallel_loop3A_276, %parallel_loop3A_278 : vector<16xi32>
      %parallel_loop3A_280 = arith.constant 20 : i32
      %parallel_loop3A_281 = vector.broadcast %parallel_loop3A_280 : i32 to vector<16xi32>
      %parallel_loop3A_282 = arith.shrui %parallel_loop3A_279, %parallel_loop3A_281 : vector<16xi32>
      %parallel_loop3A_283 = arith.cmpi eq, %parallel_loop3A_282, %broadcast_in_dim3A_34 : vector<16xi32>
      %parallel_loop3A_284 = vector.extract_strided_slice %parallel_loop3A_272 {offsets = [0], sizes = [1], strides = [1]} : vector<16xi32> to vector<1xi32>
      %parallel_loop3A_285 = vector.extract %parallel_loop3A_284[0] : i32 from vector<1xi32>
      %parallel_loop3A_286 = arith.index_cast %parallel_loop3A_285 : i32 to index
      %parallel_loop3A_287 = tpu.vector_load %arg7[%parallel_loop3A_286] masked %parallel_loop3A_283 {strides = array<i32>} : memref<32768xi32, #tpu.memory_space<vmem>>, vector<16xi32>, vector<16xi1>
      tpu.vector_store %arg7[%parallel_loop3A_286], %parallel_loop3A_279 masked %parallel_loop3A_283 {strides = array<i32>} : memref<32768xi32, #tpu.memory_space<vmem>>, vector<16xi32>, vector<16xi1>
      %parallel_loop3A_288 = tpu.all_reduce %parallel_loop3A_283 {dim = 0 : i64, kind = #tpu.reduction_kind<sum>} : vector<16xi1> -> vector<16xi32>
      %parallel_loop3A_289 = arith.addi %parallel_loop3A_272, %parallel_loop3A_288 : vector<16xi32>
      scf.yield %parallel_loop3A_289 : vector<16xi32>
    } {sc.loop_unroll_factor = 8 : i64, sc.parallel_access}
    %slice3A = vector.extract_strided_slice %parallel_loop3A_40 {offsets = [0], sizes = [1], strides = [1]} : vector<16xi32> to vector<1xi32>
    %squeeze3A = vector.extract %slice3A[0] : i32 from vector<1xi32>
    %broadcast_in_dim3A_41 = vector.broadcast %squeeze3A : i32 to vector<16xi32>
    %add3A_42 = arith.constant 15 : i32
    %add3A_43 = arith.addi %squeeze3A, %add3A_42 : i32
    %shift_right_logical3A = arith.constant 4 : i32
    %shift_right_logical3A_44 = arith.shrui %add3A_43, %shift_right_logical3A : i32
    %parallel_loop3A_45 = arith.constant 0 : i32
    %parallel_loop3A_46 = arith.constant 1 : i32
    scf.for %parallel_loop3A_271 = %parallel_loop3A_45 to %shift_right_logical3A_44 step %parallel_loop3A_46  : i32 {
      %parallel_loop3A_272 = arith.constant 16 : i32
      %parallel_loop3A_273 = arith.muli %parallel_loop3A_271, %parallel_loop3A_272 : i32
      %parallel_loop3A_274 = arith.index_cast %parallel_loop3A_273 : i32 to index
      %parallel_loop3A_275 = tpu.vector_load %arg7[%parallel_loop3A_274] {strides = array<i32>} : memref<32768xi32, #tpu.memory_space<vmem>>, vector<16xi32>,
      %parallel_loop3A_276 = arith.constant 16 : i32
      %parallel_loop3A_277 = arith.muli %parallel_loop3A_271, %parallel_loop3A_276 : i32
      %parallel_loop3A_278 = vector.broadcast %parallel_loop3A_277 : i32 to vector<16xi32>
      %parallel_loop3A_279 = arith.addi %parallel_loop3A_278, %iota3A : vector<16xi32>
      %parallel_loop3A_280 = arith.cmpi slt, %parallel_loop3A_279, %broadcast_in_dim3A_41 : vector<16xi32>
      %parallel_loop3A_281 = arith.constant 10 : i32
      %parallel_loop3A_282 = vector.broadcast %parallel_loop3A_281 : i32 to vector<16xi32>
      %parallel_loop3A_283 = arith.shrui %parallel_loop3A_275, %parallel_loop3A_282 : vector<16xi32>
      %parallel_loop3A_284 = arith.constant 1023 : i32
      %parallel_loop3A_285 = vector.broadcast %parallel_loop3A_284 : i32 to vector<16xi32>
      %parallel_loop3A_286 = arith.andi %parallel_loop3A_283, %parallel_loop3A_285 : vector<16xi32>
      tpu.vector_store_idx %arg6[%parallel_loop3A_286], %broadcast_in_dim3A_3 masked %parallel_loop3A_280 {add = true} : memref<2048xi32, #tpu.memory_space<vmem>>[vector<16xi32>], vector<16xi32>, vector<16xi1>
    } {sc.loop_unroll_factor = 1 : i64, sc.parallel_access}
    %parallel_loop3A_47 = arith.constant 0 : i32
    %parallel_loop3A_48 = arith.constant 64 : i32
    %parallel_loop3A_49 = arith.constant 1 : i32
    %parallel_loop3A_50 = arith.constant 0 : i32
    %parallel_loop3A_51 = arith.constant 0 : i32
    %parallel_loop3A_52 = arith.constant 0 : i32
    %parallel_loop3A_53:3 = scf.for %parallel_loop3A_271 = %parallel_loop3A_47 to %parallel_loop3A_48 step %parallel_loop3A_49 iter_args(%parallel_loop3A_272 = %parallel_loop3A_50, %parallel_loop3A_273 = %parallel_loop3A_51, %parallel_loop3A_274 = %parallel_loop3A_52) -> (i32, i32, i32)  : i32 {
      %parallel_loop3A_275 = arith.constant 16 : i32
      %parallel_loop3A_276 = arith.muli %parallel_loop3A_271, %parallel_loop3A_275 : i32
      %parallel_loop3A_277 = arith.index_cast %parallel_loop3A_276 : i32 to index
      %parallel_loop3A_278 = tpu.vector_load %arg6[%parallel_loop3A_277] {strides = array<i32>} : memref<2048xi32, #tpu.memory_space<vmem>>, vector<16xi32>,
      %parallel_loop3A_279 = arith.constant 16 : i32
      %parallel_loop3A_280 = arith.muli %parallel_loop3A_271, %parallel_loop3A_279 : i32
      %parallel_loop3A_281 = arith.index_cast %parallel_loop3A_280 : i32 to index
      %parallel_loop3A_282 = tpu.vector_load %arg6[%parallel_loop3A_281] {strides = array<i32>} : memref<2048xi32, #tpu.memory_space<vmem>>, vector<16xi32>,
      tpu.vector_store %arg6[%parallel_loop3A_281], %broadcast_in_dim3A_1 {strides = array<i32>} : memref<2048xi32, #tpu.memory_space<vmem>>, vector<16xi32>,
      %parallel_loop3A_283 = arith.constant true
      %parallel_loop3A_284 = vector.broadcast %parallel_loop3A_283 : i1 to vector<16xi1>
      %parallel_loop3A_285 = tpu.scan <sum>, %parallel_loop3A_278 masked %parallel_loop3A_284 : vector<16xi32>, vector<16xi1> -> vector<16xi32>
      %parallel_loop3A_286 = vector.broadcast %parallel_loop3A_272 : i32 to vector<16xi32>
      %parallel_loop3A_287 = arith.addi %parallel_loop3A_285, %parallel_loop3A_286 : vector<16xi32>
      %parallel_loop3A_288 = vector.broadcast %sub3A_33 : i32 to vector<16xi32>
      %parallel_loop3A_289 = arith.cmpi slt, %parallel_loop3A_287, %parallel_loop3A_288 : vector<16xi32>
      %parallel_loop3A_290 = arith.select %parallel_loop3A_289, %broadcast_in_dim3A_3, %broadcast_in_dim3A_1 : vector<16xi1>, vector<16xi32>
      %parallel_loop3A_291 = arith.constant true
      %parallel_loop3A_292 = vector.broadcast %parallel_loop3A_291 : i1 to vector<16xi1>
      %parallel_loop3A_293 = tpu.scan <sum>, %parallel_loop3A_290 masked %parallel_loop3A_292 : vector<16xi32>, vector<16xi1> -> vector<16xi32>
      %parallel_loop3A_294 = vector.extract %parallel_loop3A_293[15] : i32 from vector<16xi32>
      %parallel_loop3A_295 = arith.addi %parallel_loop3A_273, %parallel_loop3A_294 : i32
      %parallel_loop3A_296 = arith.select %parallel_loop3A_289, %parallel_loop3A_287, %broadcast_in_dim3A_1 : vector<16xi1>, vector<16xi32>
      %parallel_loop3A_297 = arith.constant true
      %parallel_loop3A_298 = vector.broadcast %parallel_loop3A_297 : i1 to vector<16xi1>
      %parallel_loop3A_299 = arith.constant -2147483648 : i32
      %parallel_loop3A_300 = vector.broadcast %parallel_loop3A_299 : i32 to vector<16xi32>
      %parallel_loop3A_301 = arith.xori %parallel_loop3A_296, %parallel_loop3A_300 : vector<16xi32>
      %parallel_loop3A_302 = tpu.scan <max>, %parallel_loop3A_301 masked %parallel_loop3A_298 : vector<16xi32>, vector<16xi1> -> vector<16xi32>
      %parallel_loop3A_303 = arith.xori %parallel_loop3A_302, %parallel_loop3A_300 : vector<16xi32>
      %parallel_loop3A_304 = vector.extract %parallel_loop3A_303[15] : i32 from vector<16xi32>
      %parallel_loop3A_305 = arith.maxsi %parallel_loop3A_274, %parallel_loop3A_304 : i32
      %parallel_loop3A_306 = arith.constant true
      %parallel_loop3A_307 = vector.broadcast %parallel_loop3A_306 : i1 to vector<16xi1>
      %parallel_loop3A_308 = arith.constant -2147483648 : i32
      %parallel_loop3A_309 = vector.broadcast %parallel_loop3A_308 : i32 to vector<16xi32>
      %parallel_loop3A_310 = arith.xori %parallel_loop3A_287, %parallel_loop3A_309 : vector<16xi32>
      %parallel_loop3A_311 = tpu.scan <max>, %parallel_loop3A_310 masked %parallel_loop3A_307 : vector<16xi32>, vector<16xi1> -> vector<16xi32>
      %parallel_loop3A_312 = arith.xori %parallel_loop3A_311, %parallel_loop3A_309 : vector<16xi32>
      %parallel_loop3A_313 = vector.extract %parallel_loop3A_312[15] : i32 from vector<16xi32>
      scf.yield %parallel_loop3A_313, %parallel_loop3A_295, %parallel_loop3A_305 : i32, i32, i32
    } {sc.loop_unroll_factor = 2 : i64, sc.parallel_access}
    %sub3A_54 = arith.subi %sub3A_33, %parallel_loop3A_53#2 : i32
    %shift_left3A = arith.constant 10 : i32
    %shift_left3A_55 = arith.shli %parallel_loop3A_32#1, %shift_left3A : i32
    %or3A = arith.ori %shift_left3A_55, %parallel_loop3A_53#1 : i32
    %broadcast_in_dim3A_56 = vector.broadcast %or3A : i32 to vector<16xi32>
    %parallel_loop3A_57 = arith.constant 0 : i32
    %parallel_loop3A_58 = arith.constant 1 : i32
    scf.for %parallel_loop3A_271 = %parallel_loop3A_57 to %shift_right_logical3A_44 step %parallel_loop3A_58  : i32 {
      %parallel_loop3A_272 = arith.constant 16 : i32
      %parallel_loop3A_273 = arith.muli %parallel_loop3A_271, %parallel_loop3A_272 : i32
      %parallel_loop3A_274 = arith.index_cast %parallel_loop3A_273 : i32 to index
      %parallel_loop3A_275 = tpu.vector_load %arg7[%parallel_loop3A_274] {strides = array<i32>} : memref<32768xi32, #tpu.memory_space<vmem>>, vector<16xi32>,
      %parallel_loop3A_276 = arith.constant 16 : i32
      %parallel_loop3A_277 = arith.muli %parallel_loop3A_271, %parallel_loop3A_276 : i32
      %parallel_loop3A_278 = vector.broadcast %parallel_loop3A_277 : i32 to vector<16xi32>
      %parallel_loop3A_279 = arith.addi %parallel_loop3A_278, %iota3A : vector<16xi32>
      %parallel_loop3A_280 = arith.cmpi slt, %parallel_loop3A_279, %broadcast_in_dim3A_41 : vector<16xi32>
      %parallel_loop3A_281 = arith.constant 10 : i32
      %parallel_loop3A_282 = vector.broadcast %parallel_loop3A_281 : i32 to vector<16xi32>
      %parallel_loop3A_283 = arith.shrui %parallel_loop3A_275, %parallel_loop3A_282 : vector<16xi32>
      %parallel_loop3A_284 = arith.constant 1023 : i32
      %parallel_loop3A_285 = vector.broadcast %parallel_loop3A_284 : i32 to vector<16xi32>
      %parallel_loop3A_286 = arith.andi %parallel_loop3A_275, %parallel_loop3A_285 : vector<16xi32>
      %parallel_loop3A_287 = arith.cmpi eq, %parallel_loop3A_283, %broadcast_in_dim3A_56 : vector<16xi32>
      %parallel_loop3A_288 = arith.andi %parallel_loop3A_280, %parallel_loop3A_287 : vector<16xi1>
      tpu.vector_store_idx %arg6[%parallel_loop3A_286], %broadcast_in_dim3A_3 masked %parallel_loop3A_288 {add = true} : memref<2048xi32, #tpu.memory_space<vmem>>[vector<16xi32>], vector<16xi32>, vector<16xi1>
    } {sc.loop_unroll_factor = 1 : i64, sc.parallel_access}
    %parallel_loop3A_59 = arith.constant 0 : i32
    %parallel_loop3A_60 = arith.constant 64 : i32
    %parallel_loop3A_61 = arith.constant 1 : i32
    %parallel_loop3A_62 = arith.constant 0 : i32
    %parallel_loop3A_63 = arith.constant 0 : i32
    %parallel_loop3A_64 = arith.constant 0 : i32
    %parallel_loop3A_65:3 = scf.for %parallel_loop3A_271 = %parallel_loop3A_59 to %parallel_loop3A_60 step %parallel_loop3A_61 iter_args(%parallel_loop3A_272 = %parallel_loop3A_62, %parallel_loop3A_273 = %parallel_loop3A_63, %parallel_loop3A_274 = %parallel_loop3A_64) -> (i32, i32, i32)  : i32 {
      %parallel_loop3A_275 = arith.constant 16 : i32
      %parallel_loop3A_276 = arith.muli %parallel_loop3A_271, %parallel_loop3A_275 : i32
      %parallel_loop3A_277 = arith.index_cast %parallel_loop3A_276 : i32 to index
      %parallel_loop3A_278 = tpu.vector_load %arg6[%parallel_loop3A_277] {strides = array<i32>} : memref<2048xi32, #tpu.memory_space<vmem>>, vector<16xi32>,
      %parallel_loop3A_279 = arith.constant 16 : i32
      %parallel_loop3A_280 = arith.muli %parallel_loop3A_271, %parallel_loop3A_279 : i32
      %parallel_loop3A_281 = arith.index_cast %parallel_loop3A_280 : i32 to index
      %parallel_loop3A_282 = tpu.vector_load %arg6[%parallel_loop3A_281] {strides = array<i32>} : memref<2048xi32, #tpu.memory_space<vmem>>, vector<16xi32>,
      tpu.vector_store %arg6[%parallel_loop3A_281], %broadcast_in_dim3A_1 {strides = array<i32>} : memref<2048xi32, #tpu.memory_space<vmem>>, vector<16xi32>,
      %parallel_loop3A_283 = arith.constant true
      %parallel_loop3A_284 = vector.broadcast %parallel_loop3A_283 : i1 to vector<16xi1>
      %parallel_loop3A_285 = tpu.scan <sum>, %parallel_loop3A_278 masked %parallel_loop3A_284 : vector<16xi32>, vector<16xi1> -> vector<16xi32>
      %parallel_loop3A_286 = vector.broadcast %parallel_loop3A_272 : i32 to vector<16xi32>
      %parallel_loop3A_287 = arith.addi %parallel_loop3A_285, %parallel_loop3A_286 : vector<16xi32>
      %parallel_loop3A_288 = vector.broadcast %sub3A_54 : i32 to vector<16xi32>
      %parallel_loop3A_289 = arith.cmpi slt, %parallel_loop3A_287, %parallel_loop3A_288 : vector<16xi32>
      %parallel_loop3A_290 = arith.select %parallel_loop3A_289, %broadcast_in_dim3A_3, %broadcast_in_dim3A_1 : vector<16xi1>, vector<16xi32>
      %parallel_loop3A_291 = arith.constant true
      %parallel_loop3A_292 = vector.broadcast %parallel_loop3A_291 : i1 to vector<16xi1>
      %parallel_loop3A_293 = tpu.scan <sum>, %parallel_loop3A_290 masked %parallel_loop3A_292 : vector<16xi32>, vector<16xi1> -> vector<16xi32>
      %parallel_loop3A_294 = vector.extract %parallel_loop3A_293[15] : i32 from vector<16xi32>
      %parallel_loop3A_295 = arith.addi %parallel_loop3A_273, %parallel_loop3A_294 : i32
      %parallel_loop3A_296 = arith.select %parallel_loop3A_289, %parallel_loop3A_287, %broadcast_in_dim3A_1 : vector<16xi1>, vector<16xi32>
      %parallel_loop3A_297 = arith.constant true
      %parallel_loop3A_298 = vector.broadcast %parallel_loop3A_297 : i1 to vector<16xi1>
      %parallel_loop3A_299 = arith.constant -2147483648 : i32
      %parallel_loop3A_300 = vector.broadcast %parallel_loop3A_299 : i32 to vector<16xi32>
      %parallel_loop3A_301 = arith.xori %parallel_loop3A_296, %parallel_loop3A_300 : vector<16xi32>
      %parallel_loop3A_302 = tpu.scan <max>, %parallel_loop3A_301 masked %parallel_loop3A_298 : vector<16xi32>, vector<16xi1> -> vector<16xi32>
      %parallel_loop3A_303 = arith.xori %parallel_loop3A_302, %parallel_loop3A_300 : vector<16xi32>
      %parallel_loop3A_304 = vector.extract %parallel_loop3A_303[15] : i32 from vector<16xi32>
      %parallel_loop3A_305 = arith.maxsi %parallel_loop3A_274, %parallel_loop3A_304 : i32
      %parallel_loop3A_306 = arith.constant true
      %parallel_loop3A_307 = vector.broadcast %parallel_loop3A_306 : i1 to vector<16xi1>
      %parallel_loop3A_308 = arith.constant -2147483648 : i32
      %parallel_loop3A_309 = vector.broadcast %parallel_loop3A_308 : i32 to vector<16xi32>
      %parallel_loop3A_310 = arith.xori %parallel_loop3A_287, %parallel_loop3A_309 : vector<16xi32>
      %parallel_loop3A_311 = tpu.scan <max>, %parallel_loop3A_310 masked %parallel_loop3A_307 : vector<16xi32>, vector<16xi1> -> vector<16xi32>
      %parallel_loop3A_312 = arith.xori %parallel_loop3A_311, %parallel_loop3A_309 : vector<16xi32>
      %parallel_loop3A_313 = vector.extract %parallel_loop3A_312[15] : i32 from vector<16xi32>
      scf.yield %parallel_loop3A_313, %parallel_loop3A_295, %parallel_loop3A_305 : i32, i32, i32
    } {sc.loop_unroll_factor = 2 : i64, sc.parallel_access}
    %shift_left3A_66 = arith.constant 10 : i32
    %shift_left3A_67 = arith.shli %or3A, %shift_left3A_66 : i32
    %or3A_68 = arith.ori %shift_left3A_67, %parallel_loop3A_65#1 : i32
    %broadcast_in_dim3A_69 = arith.constant 0 : i32
    %broadcast_in_dim3A_70 = vector.broadcast %broadcast_in_dim3A_69 : i32 to vector<16xi32>
    %eq3A = arith.cmpi eq, %iota3A, %broadcast_in_dim3A_70 : vector<16xi32>
    %broadcast_in_dim3A_71 = vector.broadcast %or3A_68 : i32 to vector<16xi32>
    %select_n3A = arith.select %eq3A, %broadcast_in_dim3A_71, %broadcast_in_dim3A_1 : vector<16xi1>, vector<16xi32>
    %dma_wait3A_72 = tpu.memref_slice %arg2[%mul3A_19] : memref<4194304xi32, #tpu.memory_space<hbm>> -> memref<32768xi32, #tpu.memory_space<hbm>>
    %dma_wait3A_73 = tpu.memref_slice %arg2[%mul3A_19] : memref<4194304xi32, #tpu.memory_space<hbm>> -> memref<32768xi32, #tpu.memory_space<hbm>>
    tpu.wait_dma2 semaphore(%arg10 : memref<!tpu.dma_semaphore, #tpu.memory_space<semaphore_mem>>) src(%dma_wait3A_73 : memref<32768xi32, #tpu.memory_space<hbm>>) dst(%arg5 : memref<32768xi32, #tpu.memory_space<vmem>>)
    %mul3A_74 = arith.constant 4 : i32
    %mul3A_75 = arith.muli %add3A, %mul3A_74 : i32
    %add3A_76 = arith.constant 2 : i32
    %add3A_77 = arith.addi %mul3A_75, %add3A_76 : i32
    %mul3A_78 = arith.constant 32768 : i32
    %mul3A_79 = arith.muli %add3A_77, %mul3A_78 : i32
    %dma_start3A_80 = tpu.memref_slice %arg2[%mul3A_79] : memref<4194304xi32, #tpu.memory_space<hbm>> -> memref<32768xi32, #tpu.memory_space<hbm>>
    %dma_start3A_81 = tpu.memref_slice %arg2[%mul3A_79] : memref<4194304xi32, #tpu.memory_space<hbm>> -> memref<32768xi32, #tpu.memory_space<hbm>>
    tpu.enqueue_dma source(%dma_start3A_81 : memref<32768xi32, #tpu.memory_space<hbm>>) target(%arg4 : memref<32768xi32, #tpu.memory_space<vmem>>) target_semaphore(%arg9 : memref<!tpu.dma_semaphore, #tpu.memory_space<semaphore_mem>>)
    %parallel_loop3A_82 = arith.constant 0 : i32
    %parallel_loop3A_83 = arith.constant 2048 : i32
    %parallel_loop3A_84 = arith.constant 1 : i32
    scf.for %parallel_loop3A_271 = %parallel_loop3A_82 to %parallel_loop3A_83 step %parallel_loop3A_84  : i32 {
      %parallel_loop3A_272 = arith.constant 16 : i32
      %parallel_loop3A_273 = arith.muli %parallel_loop3A_271, %parallel_loop3A_272 : i32
      %parallel_loop3A_274 = arith.index_cast %parallel_loop3A_273 : i32 to index
      %parallel_loop3A_275 = tpu.vector_load %arg5[%parallel_loop3A_274] {strides = array<i32>} : memref<32768xi32, #tpu.memory_space<vmem>>, vector<16xi32>,
      %parallel_loop3A_276 = arith.constant 2147483647 : i32
      %parallel_loop3A_277 = vector.broadcast %parallel_loop3A_276 : i32 to vector<16xi32>
      %parallel_loop3A_278 = arith.andi %parallel_loop3A_275, %parallel_loop3A_277 : vector<16xi32>
      %parallel_loop3A_279 = arith.constant 20 : i32
      %parallel_loop3A_280 = vector.broadcast %parallel_loop3A_279 : i32 to vector<16xi32>
      %parallel_loop3A_281 = arith.shrui %parallel_loop3A_278, %parallel_loop3A_280 : vector<16xi32>
      tpu.vector_store_idx %arg6[%parallel_loop3A_281], %broadcast_in_dim3A_3 {add = true} : memref<2048xi32, #tpu.memory_space<vmem>>[vector<16xi32>], vector<16xi32>,
    } {sc.loop_unroll_factor = 8 : i64, sc.parallel_access}
    %parallel_loop3A_85 = arith.constant 0 : i32
    %parallel_loop3A_86 = arith.constant 128 : i32
    %parallel_loop3A_87 = arith.constant 1 : i32
    %parallel_loop3A_88 = arith.constant 16384 : i32
    %parallel_loop3A_89 = arith.constant 0 : i32
    %parallel_loop3A_90 = arith.constant 0 : i32
    %parallel_loop3A_91 = arith.constant 0 : i32
    %parallel_loop3A_92:3 = scf.for %parallel_loop3A_271 = %parallel_loop3A_85 to %parallel_loop3A_86 step %parallel_loop3A_87 iter_args(%parallel_loop3A_272 = %parallel_loop3A_89, %parallel_loop3A_273 = %parallel_loop3A_90, %parallel_loop3A_274 = %parallel_loop3A_91) -> (i32, i32, i32)  : i32 {
      %parallel_loop3A_275 = arith.constant 16 : i32
      %parallel_loop3A_276 = arith.muli %parallel_loop3A_271, %parallel_loop3A_275 : i32
      %parallel_loop3A_277 = arith.index_cast %parallel_loop3A_276 : i32 to index
      %parallel_loop3A_278 = tpu.vector_load %arg6[%parallel_loop3A_277] {strides = array<i32>} : memref<2048xi32, #tpu.memory_space<vmem>>, vector<16xi32>,
      %parallel_loop3A_279 = arith.constant 16 : i32
      %parallel_loop3A_280 = arith.muli %parallel_loop3A_271, %parallel_loop3A_279 : i32
      %parallel_loop3A_281 = arith.index_cast %parallel_loop3A_280 : i32 to index
      %parallel_loop3A_282 = tpu.vector_load %arg6[%parallel_loop3A_281] {strides = array<i32>} : memref<2048xi32, #tpu.memory_space<vmem>>, vector<16xi32>,
      tpu.vector_store %arg6[%parallel_loop3A_281], %broadcast_in_dim3A_1 {strides = array<i32>} : memref<2048xi32, #tpu.memory_space<vmem>>, vector<16xi32>,
      %parallel_loop3A_283 = arith.constant true
      %parallel_loop3A_284 = vector.broadcast %parallel_loop3A_283 : i1 to vector<16xi1>
      %parallel_loop3A_285 = tpu.scan <sum>, %parallel_loop3A_278 masked %parallel_loop3A_284 : vector<16xi32>, vector<16xi1> -> vector<16xi32>
      %parallel_loop3A_286 = vector.broadcast %parallel_loop3A_272 : i32 to vector<16xi32>
      %parallel_loop3A_287 = arith.addi %parallel_loop3A_285, %parallel_loop3A_286 : vector<16xi32>
      %parallel_loop3A_288 = vector.broadcast %parallel_loop3A_88 : i32 to vector<16xi32>
      %parallel_loop3A_289 = arith.cmpi slt, %parallel_loop3A_287, %parallel_loop3A_288 : vector<16xi32>
      %parallel_loop3A_290 = arith.select %parallel_loop3A_289, %broadcast_in_dim3A_3, %broadcast_in_dim3A_1 : vector<16xi1>, vector<16xi32>
      %parallel_loop3A_291 = arith.constant true
      %parallel_loop3A_292 = vector.broadcast %parallel_loop3A_291 : i1 to vector<16xi1>
      %parallel_loop3A_293 = tpu.scan <sum>, %parallel_loop3A_290 masked %parallel_loop3A_292 : vector<16xi32>, vector<16xi1> -> vector<16xi32>
      %parallel_loop3A_294 = vector.extract %parallel_loop3A_293[15] : i32 from vector<16xi32>
      %parallel_loop3A_295 = arith.addi %parallel_loop3A_273, %parallel_loop3A_294 : i32
      %parallel_loop3A_296 = arith.select %parallel_loop3A_289, %parallel_loop3A_287, %broadcast_in_dim3A_1 : vector<16xi1>, vector<16xi32>
      %parallel_loop3A_297 = arith.constant true
      %parallel_loop3A_298 = vector.broadcast %parallel_loop3A_297 : i1 to vector<16xi1>
      %parallel_loop3A_299 = arith.constant -2147483648 : i32
      %parallel_loop3A_300 = vector.broadcast %parallel_loop3A_299 : i32 to vector<16xi32>
      %parallel_loop3A_301 = arith.xori %parallel_loop3A_296, %parallel_loop3A_300 : vector<16xi32>
      %parallel_loop3A_302 = tpu.scan <max>, %parallel_loop3A_301 masked %parallel_loop3A_298 : vector<16xi32>, vector<16xi1> -> vector<16xi32>
      %parallel_loop3A_303 = arith.xori %parallel_loop3A_302, %parallel_loop3A_300 : vector<16xi32>
      %parallel_loop3A_304 = vector.extract %parallel_loop3A_303[15] : i32 from vector<16xi32>
      %parallel_loop3A_305 = arith.maxsi %parallel_loop3A_274, %parallel_loop3A_304 : i32
      %parallel_loop3A_306 = arith.constant true
      %parallel_loop3A_307 = vector.broadcast %parallel_loop3A_306 : i1 to vector<16xi1>
      %parallel_loop3A_308 = arith.constant -2147483648 : i32
      %parallel_loop3A_309 = vector.broadcast %parallel_loop3A_308 : i32 to vector<16xi32>
      %parallel_loop3A_310 = arith.xori %parallel_loop3A_287, %parallel_loop3A_309 : vector<16xi32>
      %parallel_loop3A_311 = tpu.scan <max>, %parallel_loop3A_310 masked %parallel_loop3A_307 : vector<16xi32>, vector<16xi1> -> vector<16xi32>
      %parallel_loop3A_312 = arith.xori %parallel_loop3A_311, %parallel_loop3A_309 : vector<16xi32>
      %parallel_loop3A_313 = vector.extract %parallel_loop3A_312[15] : i32 from vector<16xi32>
      scf.yield %parallel_loop3A_313, %parallel_loop3A_295, %parallel_loop3A_305 : i32, i32, i32
    } {sc.loop_unroll_factor = 2 : i64, sc.parallel_access}
    %sub3A_93 = arith.constant 16384 : i32
    %sub3A_94 = arith.subi %sub3A_93, %parallel_loop3A_92#2 : i32
    %broadcast_in_dim3A_95 = vector.broadcast %parallel_loop3A_92#1 : i32 to vector<16xi32>
    %broadcast_in_dim3A_96 = arith.constant 0 : i32
    %broadcast_in_dim3A_97 = vector.broadcast %broadcast_in_dim3A_96 : i32 to vector<16xi32>
    %parallel_loop3A_98 = arith.constant 0 : i32
    %parallel_loop3A_99 = arith.constant 2048 : i32
    %parallel_loop3A_100 = arith.constant 1 : i32
    %parallel_loop3A_101 = scf.for %parallel_loop3A_271 = %parallel_loop3A_98 to %parallel_loop3A_99 step %parallel_loop3A_100 iter_args(%parallel_loop3A_272 = %broadcast_in_dim3A_97) -> (vector<16xi32>)  : i32 {
      %parallel_loop3A_273 = arith.constant 16 : i32
      %parallel_loop3A_274 = arith.muli %parallel_loop3A_271, %parallel_loop3A_273 : i32
      %parallel_loop3A_275 = arith.index_cast %parallel_loop3A_274 : i32 to index
      %parallel_loop3A_276 = tpu.vector_load %arg5[%parallel_loop3A_275] {strides = array<i32>} : memref<32768xi32, #tpu.memory_space<vmem>>, vector<16xi32>,
      %parallel_loop3A_277 = arith.constant 2147483647 : i32
      %parallel_loop3A_278 = vector.broadcast %parallel_loop3A_277 : i32 to vector<16xi32>
      %parallel_loop3A_279 = arith.andi %parallel_loop3A_276, %parallel_loop3A_278 : vector<16xi32>
      %parallel_loop3A_280 = arith.constant 20 : i32
      %parallel_loop3A_281 = vector.broadcast %parallel_loop3A_280 : i32 to vector<16xi32>
      %parallel_loop3A_282 = arith.shrui %parallel_loop3A_279, %parallel_loop3A_281 : vector<16xi32>
      %parallel_loop3A_283 = arith.cmpi eq, %parallel_loop3A_282, %broadcast_in_dim3A_95 : vector<16xi32>
      %parallel_loop3A_284 = vector.extract_strided_slice %parallel_loop3A_272 {offsets = [0], sizes = [1], strides = [1]} : vector<16xi32> to vector<1xi32>
      %parallel_loop3A_285 = vector.extract %parallel_loop3A_284[0] : i32 from vector<1xi32>
      %parallel_loop3A_286 = arith.index_cast %parallel_loop3A_285 : i32 to index
      %parallel_loop3A_287 = tpu.vector_load %arg7[%parallel_loop3A_286] masked %parallel_loop3A_283 {strides = array<i32>} : memref<32768xi32, #tpu.memory_space<vmem>>, vector<16xi32>, vector<16xi1>
      tpu.vector_store %arg7[%parallel_loop3A_286], %parallel_loop3A_279 masked %parallel_loop3A_283 {strides = array<i32>} : memref<32768xi32, #tpu.memory_space<vmem>>, vector<16xi32>, vector<16xi1>
      %parallel_loop3A_288 = tpu.all_reduce %parallel_loop3A_283 {dim = 0 : i64, kind = #tpu.reduction_kind<sum>} : vector<16xi1> -> vector<16xi32>
      %parallel_loop3A_289 = arith.addi %parallel_loop3A_272, %parallel_loop3A_288 : vector<16xi32>
      scf.yield %parallel_loop3A_289 : vector<16xi32>
    } {sc.loop_unroll_factor = 8 : i64, sc.parallel_access}
    %slice3A_102 = vector.extract_strided_slice %parallel_loop3A_101 {offsets = [0], sizes = [1], strides = [1]} : vector<16xi32> to vector<1xi32>
    %squeeze3A_103 = vector.extract %slice3A_102[0] : i32 from vector<1xi32>
    %broadcast_in_dim3A_104 = vector.broadcast %squeeze3A_103 : i32 to vector<16xi32>
    %add3A_105 = arith.constant 15 : i32
    %add3A_106 = arith.addi %squeeze3A_103, %add3A_105 : i32
    %shift_right_logical3A_107 = arith.constant 4 : i32
    %shift_right_logical3A_108 = arith.shrui %add3A_106, %shift_right_logical3A_107 : i32
    %parallel_loop3A_109 = arith.constant 0 : i32
    %parallel_loop3A_110 = arith.constant 1 : i32
    scf.for %parallel_loop3A_271 = %parallel_loop3A_109 to %shift_right_logical3A_108 step %parallel_loop3A_110  : i32 {
      %parallel_loop3A_272 = arith.constant 16 : i32
      %parallel_loop3A_273 = arith.muli %parallel_loop3A_271, %parallel_loop3A_272 : i32
      %parallel_loop3A_274 = arith.index_cast %parallel_loop3A_273 : i32 to index
      %parallel_loop3A_275 = tpu.vector_load %arg7[%parallel_loop3A_274] {strides = array<i32>} : memref<32768xi32, #tpu.memory_space<vmem>>, vector<16xi32>,
      %parallel_loop3A_276 = arith.constant 16 : i32
      %parallel_loop3A_277 = arith.muli %parallel_loop3A_271, %parallel_loop3A_276 : i32
      %parallel_loop3A_278 = vector.broadcast %parallel_loop3A_277 : i32 to vector<16xi32>
      %parallel_loop3A_279 = arith.addi %parallel_loop3A_278, %iota3A : vector<16xi32>
      %parallel_loop3A_280 = arith.cmpi slt, %parallel_loop3A_279, %broadcast_in_dim3A_104 : vector<16xi32>
      %parallel_loop3A_281 = arith.constant 10 : i32
      %parallel_loop3A_282 = vector.broadcast %parallel_loop3A_281 : i32 to vector<16xi32>
      %parallel_loop3A_283 = arith.shrui %parallel_loop3A_275, %parallel_loop3A_282 : vector<16xi32>
      %parallel_loop3A_284 = arith.constant 1023 : i32
      %parallel_loop3A_285 = vector.broadcast %parallel_loop3A_284 : i32 to vector<16xi32>
      %parallel_loop3A_286 = arith.andi %parallel_loop3A_283, %parallel_loop3A_285 : vector<16xi32>
      tpu.vector_store_idx %arg6[%parallel_loop3A_286], %broadcast_in_dim3A_3 masked %parallel_loop3A_280 {add = true} : memref<2048xi32, #tpu.memory_space<vmem>>[vector<16xi32>], vector<16xi32>, vector<16xi1>
    } {sc.loop_unroll_factor = 1 : i64, sc.parallel_access}
    %parallel_loop3A_111 = arith.constant 0 : i32
    %parallel_loop3A_112 = arith.constant 64 : i32
    %parallel_loop3A_113 = arith.constant 1 : i32
    %parallel_loop3A_114 = arith.constant 0 : i32
    %parallel_loop3A_115 = arith.constant 0 : i32
    %parallel_loop3A_116 = arith.constant 0 : i32
    %parallel_loop3A_117:3 = scf.for %parallel_loop3A_271 = %parallel_loop3A_111 to %parallel_loop3A_112 step %parallel_loop3A_113 iter_args(%parallel_loop3A_272 = %parallel_loop3A_114, %parallel_loop3A_273 = %parallel_loop3A_115, %parallel_loop3A_274 = %parallel_loop3A_116) -> (i32, i32, i32)  : i32 {
      %parallel_loop3A_275 = arith.constant 16 : i32
      %parallel_loop3A_276 = arith.muli %parallel_loop3A_271, %parallel_loop3A_275 : i32
      %parallel_loop3A_277 = arith.index_cast %parallel_loop3A_276 : i32 to index
      %parallel_loop3A_278 = tpu.vector_load %arg6[%parallel_loop3A_277] {strides = array<i32>} : memref<2048xi32, #tpu.memory_space<vmem>>, vector<16xi32>,
      %parallel_loop3A_279 = arith.constant 16 : i32
      %parallel_loop3A_280 = arith.muli %parallel_loop3A_271, %parallel_loop3A_279 : i32
      %parallel_loop3A_281 = arith.index_cast %parallel_loop3A_280 : i32 to index
      %parallel_loop3A_282 = tpu.vector_load %arg6[%parallel_loop3A_281] {strides = array<i32>} : memref<2048xi32, #tpu.memory_space<vmem>>, vector<16xi32>,
      tpu.vector_store %arg6[%parallel_loop3A_281], %broadcast_in_dim3A_1 {strides = array<i32>} : memref<2048xi32, #tpu.memory_space<vmem>>, vector<16xi32>,
      %parallel_loop3A_283 = arith.constant true
      %parallel_loop3A_284 = vector.broadcast %parallel_loop3A_283 : i1 to vector<16xi1>
      %parallel_loop3A_285 = tpu.scan <sum>, %parallel_loop3A_278 masked %parallel_loop3A_284 : vector<16xi32>, vector<16xi1> -> vector<16xi32>
      %parallel_loop3A_286 = vector.broadcast %parallel_loop3A_272 : i32 to vector<16xi32>
      %parallel_loop3A_287 = arith.addi %parallel_loop3A_285, %parallel_loop3A_286 : vector<16xi32>
      %parallel_loop3A_288 = vector.broadcast %sub3A_94 : i32 to vector<16xi32>
      %parallel_loop3A_289 = arith.cmpi slt, %parallel_loop3A_287, %parallel_loop3A_288 : vector<16xi32>
      %parallel_loop3A_290 = arith.select %parallel_loop3A_289, %broadcast_in_dim3A_3, %broadcast_in_dim3A_1 : vector<16xi1>, vector<16xi32>
      %parallel_loop3A_291 = arith.constant true
      %parallel_loop3A_292 = vector.broadcast %parallel_loop3A_291 : i1 to vector<16xi1>
      %parallel_loop3A_293 = tpu.scan <sum>, %parallel_loop3A_290 masked %parallel_loop3A_292 : vector<16xi32>, vector<16xi1> -> vector<16xi32>
      %parallel_loop3A_294 = vector.extract %parallel_loop3A_293[15] : i32 from vector<16xi32>
      %parallel_loop3A_295 = arith.addi %parallel_loop3A_273, %parallel_loop3A_294 : i32
      %parallel_loop3A_296 = arith.select %parallel_loop3A_289, %parallel_loop3A_287, %broadcast_in_dim3A_1 : vector<16xi1>, vector<16xi32>
      %parallel_loop3A_297 = arith.constant true
      %parallel_loop3A_298 = vector.broadcast %parallel_loop3A_297 : i1 to vector<16xi1>
      %parallel_loop3A_299 = arith.constant -2147483648 : i32
      %parallel_loop3A_300 = vector.broadcast %parallel_loop3A_299 : i32 to vector<16xi32>
      %parallel_loop3A_301 = arith.xori %parallel_loop3A_296, %parallel_loop3A_300 : vector<16xi32>
      %parallel_loop3A_302 = tpu.scan <max>, %parallel_loop3A_301 masked %parallel_loop3A_298 : vector<16xi32>, vector<16xi1> -> vector<16xi32>
      %parallel_loop3A_303 = arith.xori %parallel_loop3A_302, %parallel_loop3A_300 : vector<16xi32>
      %parallel_loop3A_304 = vector.extract %parallel_loop3A_303[15] : i32 from vector<16xi32>
      %parallel_loop3A_305 = arith.maxsi %parallel_loop3A_274, %parallel_loop3A_304 : i32
      %parallel_loop3A_306 = arith.constant true
      %parallel_loop3A_307 = vector.broadcast %parallel_loop3A_306 : i1 to vector<16xi1>
      %parallel_loop3A_308 = arith.constant -2147483648 : i32
      %parallel_loop3A_309 = vector.broadcast %parallel_loop3A_308 : i32 to vector<16xi32>
      %parallel_loop3A_310 = arith.xori %parallel_loop3A_287, %parallel_loop3A_309 : vector<16xi32>
      %parallel_loop3A_311 = tpu.scan <max>, %parallel_loop3A_310 masked %parallel_loop3A_307 : vector<16xi32>, vector<16xi1> -> vector<16xi32>
      %parallel_loop3A_312 = arith.xori %parallel_loop3A_311, %parallel_loop3A_309 : vector<16xi32>
      %parallel_loop3A_313 = vector.extract %parallel_loop3A_312[15] : i32 from vector<16xi32>
      scf.yield %parallel_loop3A_313, %parallel_loop3A_295, %parallel_loop3A_305 : i32, i32, i32
    } {sc.loop_unroll_factor = 2 : i64, sc.parallel_access}
    %sub3A_118 = arith.subi %sub3A_94, %parallel_loop3A_117#2 : i32
    %shift_left3A_119 = arith.constant 10 : i32
    %shift_left3A_120 = arith.shli %parallel_loop3A_92#1, %shift_left3A_119 : i32
    %or3A_121 = arith.ori %shift_left3A_120, %parallel_loop3A_117#1 : i32
    %broadcast_in_dim3A_122 = vector.broadcast %or3A_121 : i32 to vector<16xi32>
    %parallel_loop3A_123 = arith.constant 0 : i32
    %parallel_loop3A_124 = arith.constant 1 : i32
    scf.for %parallel_loop3A_271 = %parallel_loop3A_123 to %shift_right_logical3A_108 step %parallel_loop3A_124  : i32 {
      %parallel_loop3A_272 = arith.constant 16 : i32
      %parallel_loop3A_273 = arith.muli %parallel_loop3A_271, %parallel_loop3A_272 : i32
      %parallel_loop3A_274 = arith.index_cast %parallel_loop3A_273 : i32 to index
      %parallel_loop3A_275 = tpu.vector_load %arg7[%parallel_loop3A_274] {strides = array<i32>} : memref<32768xi32, #tpu.memory_space<vmem>>, vector<16xi32>,
      %parallel_loop3A_276 = arith.constant 16 : i32
      %parallel_loop3A_277 = arith.muli %parallel_loop3A_271, %parallel_loop3A_276 : i32
      %parallel_loop3A_278 = vector.broadcast %parallel_loop3A_277 : i32 to vector<16xi32>
      %parallel_loop3A_279 = arith.addi %parallel_loop3A_278, %iota3A : vector<16xi32>
      %parallel_loop3A_280 = arith.cmpi slt, %parallel_loop3A_279, %broadcast_in_dim3A_104 : vector<16xi32>
      %parallel_loop3A_281 = arith.constant 10 : i32
      %parallel_loop3A_282 = vector.broadcast %parallel_loop3A_281 : i32 to vector<16xi32>
      %parallel_loop3A_283 = arith.shrui %parallel_loop3A_275, %parallel_loop3A_282 : vector<16xi32>
      %parallel_loop3A_284 = arith.constant 1023 : i32
      %parallel_loop3A_285 = vector.broadcast %parallel_loop3A_284 : i32 to vector<16xi32>
      %parallel_loop3A_286 = arith.andi %parallel_loop3A_275, %parallel_loop3A_285 : vector<16xi32>
      %parallel_loop3A_287 = arith.cmpi eq, %parallel_loop3A_283, %broadcast_in_dim3A_122 : vector<16xi32>
      %parallel_loop3A_288 = arith.andi %parallel_loop3A_280, %parallel_loop3A_287 : vector<16xi1>
      tpu.vector_store_idx %arg6[%parallel_loop3A_286], %broadcast_in_dim3A_3 masked %parallel_loop3A_288 {add = true} : memref<2048xi32, #tpu.memory_space<vmem>>[vector<16xi32>], vector<16xi32>, vector<16xi1>
    } {sc.loop_unroll_factor = 1 : i64, sc.parallel_access}
    %parallel_loop3A_125 = arith.constant 0 : i32
    %parallel_loop3A_126 = arith.constant 64 : i32
    %parallel_loop3A_127 = arith.constant 1 : i32
    %parallel_loop3A_128 = arith.constant 0 : i32
    %parallel_loop3A_129 = arith.constant 0 : i32
    %parallel_loop3A_130 = arith.constant 0 : i32
    %parallel_loop3A_131:3 = scf.for %parallel_loop3A_271 = %parallel_loop3A_125 to %parallel_loop3A_126 step %parallel_loop3A_127 iter_args(%parallel_loop3A_272 = %parallel_loop3A_128, %parallel_loop3A_273 = %parallel_loop3A_129, %parallel_loop3A_274 = %parallel_loop3A_130) -> (i32, i32, i32)  : i32 {
      %parallel_loop3A_275 = arith.constant 16 : i32
      %parallel_loop3A_276 = arith.muli %parallel_loop3A_271, %parallel_loop3A_275 : i32
      %parallel_loop3A_277 = arith.index_cast %parallel_loop3A_276 : i32 to index
      %parallel_loop3A_278 = tpu.vector_load %arg6[%parallel_loop3A_277] {strides = array<i32>} : memref<2048xi32, #tpu.memory_space<vmem>>, vector<16xi32>,
      %parallel_loop3A_279 = arith.constant 16 : i32
      %parallel_loop3A_280 = arith.muli %parallel_loop3A_271, %parallel_loop3A_279 : i32
      %parallel_loop3A_281 = arith.index_cast %parallel_loop3A_280 : i32 to index
      %parallel_loop3A_282 = tpu.vector_load %arg6[%parallel_loop3A_281] {strides = array<i32>} : memref<2048xi32, #tpu.memory_space<vmem>>, vector<16xi32>,
      tpu.vector_store %arg6[%parallel_loop3A_281], %broadcast_in_dim3A_1 {strides = array<i32>} : memref<2048xi32, #tpu.memory_space<vmem>>, vector<16xi32>,
      %parallel_loop3A_283 = arith.constant true
      %parallel_loop3A_284 = vector.broadcast %parallel_loop3A_283 : i1 to vector<16xi1>
      %parallel_loop3A_285 = tpu.scan <sum>, %parallel_loop3A_278 masked %parallel_loop3A_284 : vector<16xi32>, vector<16xi1> -> vector<16xi32>
      %parallel_loop3A_286 = vector.broadcast %parallel_loop3A_272 : i32 to vector<16xi32>
      %parallel_loop3A_287 = arith.addi %parallel_loop3A_285, %parallel_loop3A_286 : vector<16xi32>
      %parallel_loop3A_288 = vector.broadcast %sub3A_118 : i32 to vector<16xi32>
      %parallel_loop3A_289 = arith.cmpi slt, %parallel_loop3A_287, %parallel_loop3A_288 : vector<16xi32>
      %parallel_loop3A_290 = arith.select %parallel_loop3A_289, %broadcast_in_dim3A_3, %broadcast_in_dim3A_1 : vector<16xi1>, vector<16xi32>
      %parallel_loop3A_291 = arith.constant true
      %parallel_loop3A_292 = vector.broadcast %parallel_loop3A_291 : i1 to vector<16xi1>
      %parallel_loop3A_293 = tpu.scan <sum>, %parallel_loop3A_290 masked %parallel_loop3A_292 : vector<16xi32>, vector<16xi1> -> vector<16xi32>
      %parallel_loop3A_294 = vector.extract %parallel_loop3A_293[15] : i32 from vector<16xi32>
      %parallel_loop3A_295 = arith.addi %parallel_loop3A_273, %parallel_loop3A_294 : i32
      %parallel_loop3A_296 = arith.select %parallel_loop3A_289, %parallel_loop3A_287, %broadcast_in_dim3A_1 : vector<16xi1>, vector<16xi32>
      %parallel_loop3A_297 = arith.constant true
      %parallel_loop3A_298 = vector.broadcast %parallel_loop3A_297 : i1 to vector<16xi1>
      %parallel_loop3A_299 = arith.constant -2147483648 : i32
      %parallel_loop3A_300 = vector.broadcast %parallel_loop3A_299 : i32 to vector<16xi32>
      %parallel_loop3A_301 = arith.xori %parallel_loop3A_296, %parallel_loop3A_300 : vector<16xi32>
      %parallel_loop3A_302 = tpu.scan <max>, %parallel_loop3A_301 masked %parallel_loop3A_298 : vector<16xi32>, vector<16xi1> -> vector<16xi32>
      %parallel_loop3A_303 = arith.xori %parallel_loop3A_302, %parallel_loop3A_300 : vector<16xi32>
      %parallel_loop3A_304 = vector.extract %parallel_loop3A_303[15] : i32 from vector<16xi32>
      %parallel_loop3A_305 = arith.maxsi %parallel_loop3A_274, %parallel_loop3A_304 : i32
      %parallel_loop3A_306 = arith.constant true
      %parallel_loop3A_307 = vector.broadcast %parallel_loop3A_306 : i1 to vector<16xi1>
      %parallel_loop3A_308 = arith.constant -2147483648 : i32
      %parallel_loop3A_309 = vector.broadcast %parallel_loop3A_308 : i32 to vector<16xi32>
      %parallel_loop3A_310 = arith.xori %parallel_loop3A_287, %parallel_loop3A_309 : vector<16xi32>
      %parallel_loop3A_311 = tpu.scan <max>, %parallel_loop3A_310 masked %parallel_loop3A_307 : vector<16xi32>, vector<16xi1> -> vector<16xi32>
      %parallel_loop3A_312 = arith.xori %parallel_loop3A_311, %parallel_loop3A_309 : vector<16xi32>
      %parallel_loop3A_313 = vector.extract %parallel_loop3A_312[15] : i32 from vector<16xi32>
      scf.yield %parallel_loop3A_313, %parallel_loop3A_295, %parallel_loop3A_305 : i32, i32, i32
    } {sc.loop_unroll_factor = 2 : i64, sc.parallel_access}
    %shift_left3A_132 = arith.constant 10 : i32
    %shift_left3A_133 = arith.shli %or3A_121, %shift_left3A_132 : i32
    %or3A_134 = arith.ori %shift_left3A_133, %parallel_loop3A_131#1 : i32
    %broadcast_in_dim3A_135 = arith.constant 1 : i32
    %broadcast_in_dim3A_136 = vector.broadcast %broadcast_in_dim3A_135 : i32 to vector<16xi32>
    %eq3A_137 = arith.cmpi eq, %iota3A, %broadcast_in_dim3A_136 : vector<16xi32>
    %broadcast_in_dim3A_138 = vector.broadcast %or3A_134 : i32 to vector<16xi32>
    %select_n3A_139 = arith.select %eq3A_137, %broadcast_in_dim3A_138, %select_n3A : vector<16xi1>, vector<16xi32>
    %dma_wait3A_140 = tpu.memref_slice %arg2[%mul3A_79] : memref<4194304xi32, #tpu.memory_space<hbm>> -> memref<32768xi32, #tpu.memory_space<hbm>>
    %dma_wait3A_141 = tpu.memref_slice %arg2[%mul3A_79] : memref<4194304xi32, #tpu.memory_space<hbm>> -> memref<32768xi32, #tpu.memory_space<hbm>>
    tpu.wait_dma2 semaphore(%arg9 : memref<!tpu.dma_semaphore, #tpu.memory_space<semaphore_mem>>) src(%dma_wait3A_141 : memref<32768xi32, #tpu.memory_space<hbm>>) dst(%arg4 : memref<32768xi32, #tpu.memory_space<vmem>>)
    %mul3A_142 = arith.constant 4 : i32
    %mul3A_143 = arith.muli %add3A, %mul3A_142 : i32
    %add3A_144 = arith.constant 3 : i32
    %add3A_145 = arith.addi %mul3A_143, %add3A_144 : i32
    %mul3A_146 = arith.constant 32768 : i32
    %mul3A_147 = arith.muli %add3A_145, %mul3A_146 : i32
    %dma_start3A_148 = tpu.memref_slice %arg2[%mul3A_147] : memref<4194304xi32, #tpu.memory_space<hbm>> -> memref<32768xi32, #tpu.memory_space<hbm>>
    %dma_start3A_149 = tpu.memref_slice %arg2[%mul3A_147] : memref<4194304xi32, #tpu.memory_space<hbm>> -> memref<32768xi32, #tpu.memory_space<hbm>>
    tpu.enqueue_dma source(%dma_start3A_149 : memref<32768xi32, #tpu.memory_space<hbm>>) target(%arg5 : memref<32768xi32, #tpu.memory_space<vmem>>) target_semaphore(%arg10 : memref<!tpu.dma_semaphore, #tpu.memory_space<semaphore_mem>>)
    %parallel_loop3A_150 = arith.constant 0 : i32
    %parallel_loop3A_151 = arith.constant 2048 : i32
    %parallel_loop3A_152 = arith.constant 1 : i32
    scf.for %parallel_loop3A_271 = %parallel_loop3A_150 to %parallel_loop3A_151 step %parallel_loop3A_152  : i32 {
      %parallel_loop3A_272 = arith.constant 16 : i32
      %parallel_loop3A_273 = arith.muli %parallel_loop3A_271, %parallel_loop3A_272 : i32
      %parallel_loop3A_274 = arith.index_cast %parallel_loop3A_273 : i32 to index
      %parallel_loop3A_275 = tpu.vector_load %arg4[%parallel_loop3A_274] {strides = array<i32>} : memref<32768xi32, #tpu.memory_space<vmem>>, vector<16xi32>,
      %parallel_loop3A_276 = arith.constant 2147483647 : i32
      %parallel_loop3A_277 = vector.broadcast %parallel_loop3A_276 : i32 to vector<16xi32>
      %parallel_loop3A_278 = arith.andi %parallel_loop3A_275, %parallel_loop3A_277 : vector<16xi32>
      %parallel_loop3A_279 = arith.constant 20 : i32
      %parallel_loop3A_280 = vector.broadcast %parallel_loop3A_279 : i32 to vector<16xi32>
      %parallel_loop3A_281 = arith.shrui %parallel_loop3A_278, %parallel_loop3A_280 : vector<16xi32>
      tpu.vector_store_idx %arg6[%parallel_loop3A_281], %broadcast_in_dim3A_3 {add = true} : memref<2048xi32, #tpu.memory_space<vmem>>[vector<16xi32>], vector<16xi32>,
    } {sc.loop_unroll_factor = 8 : i64, sc.parallel_access}
    %parallel_loop3A_153 = arith.constant 0 : i32
    %parallel_loop3A_154 = arith.constant 128 : i32
    %parallel_loop3A_155 = arith.constant 1 : i32
    %parallel_loop3A_156 = arith.constant 16384 : i32
    %parallel_loop3A_157 = arith.constant 0 : i32
    %parallel_loop3A_158 = arith.constant 0 : i32
    %parallel_loop3A_159 = arith.constant 0 : i32
    %parallel_loop3A_160:3 = scf.for %parallel_loop3A_271 = %parallel_loop3A_153 to %parallel_loop3A_154 step %parallel_loop3A_155 iter_args(%parallel_loop3A_272 = %parallel_loop3A_157, %parallel_loop3A_273 = %parallel_loop3A_158, %parallel_loop3A_274 = %parallel_loop3A_159) -> (i32, i32, i32)  : i32 {
      %parallel_loop3A_275 = arith.constant 16 : i32
      %parallel_loop3A_276 = arith.muli %parallel_loop3A_271, %parallel_loop3A_275 : i32
      %parallel_loop3A_277 = arith.index_cast %parallel_loop3A_276 : i32 to index
      %parallel_loop3A_278 = tpu.vector_load %arg6[%parallel_loop3A_277] {strides = array<i32>} : memref<2048xi32, #tpu.memory_space<vmem>>, vector<16xi32>,
      %parallel_loop3A_279 = arith.constant 16 : i32
      %parallel_loop3A_280 = arith.muli %parallel_loop3A_271, %parallel_loop3A_279 : i32
      %parallel_loop3A_281 = arith.index_cast %parallel_loop3A_280 : i32 to index
      %parallel_loop3A_282 = tpu.vector_load %arg6[%parallel_loop3A_281] {strides = array<i32>} : memref<2048xi32, #tpu.memory_space<vmem>>, vector<16xi32>,
      tpu.vector_store %arg6[%parallel_loop3A_281], %broadcast_in_dim3A_1 {strides = array<i32>} : memref<2048xi32, #tpu.memory_space<vmem>>, vector<16xi32>,
      %parallel_loop3A_283 = arith.constant true
      %parallel_loop3A_284 = vector.broadcast %parallel_loop3A_283 : i1 to vector<16xi1>
      %parallel_loop3A_285 = tpu.scan <sum>, %parallel_loop3A_278 masked %parallel_loop3A_284 : vector<16xi32>, vector<16xi1> -> vector<16xi32>
      %parallel_loop3A_286 = vector.broadcast %parallel_loop3A_272 : i32 to vector<16xi32>
      %parallel_loop3A_287 = arith.addi %parallel_loop3A_285, %parallel_loop3A_286 : vector<16xi32>
      %parallel_loop3A_288 = vector.broadcast %parallel_loop3A_156 : i32 to vector<16xi32>
      %parallel_loop3A_289 = arith.cmpi slt, %parallel_loop3A_287, %parallel_loop3A_288 : vector<16xi32>
      %parallel_loop3A_290 = arith.select %parallel_loop3A_289, %broadcast_in_dim3A_3, %broadcast_in_dim3A_1 : vector<16xi1>, vector<16xi32>
      %parallel_loop3A_291 = arith.constant true
      %parallel_loop3A_292 = vector.broadcast %parallel_loop3A_291 : i1 to vector<16xi1>
      %parallel_loop3A_293 = tpu.scan <sum>, %parallel_loop3A_290 masked %parallel_loop3A_292 : vector<16xi32>, vector<16xi1> -> vector<16xi32>
      %parallel_loop3A_294 = vector.extract %parallel_loop3A_293[15] : i32 from vector<16xi32>
      %parallel_loop3A_295 = arith.addi %parallel_loop3A_273, %parallel_loop3A_294 : i32
      %parallel_loop3A_296 = arith.select %parallel_loop3A_289, %parallel_loop3A_287, %broadcast_in_dim3A_1 : vector<16xi1>, vector<16xi32>
      %parallel_loop3A_297 = arith.constant true
      %parallel_loop3A_298 = vector.broadcast %parallel_loop3A_297 : i1 to vector<16xi1>
      %parallel_loop3A_299 = arith.constant -2147483648 : i32
      %parallel_loop3A_300 = vector.broadcast %parallel_loop3A_299 : i32 to vector<16xi32>
      %parallel_loop3A_301 = arith.xori %parallel_loop3A_296, %parallel_loop3A_300 : vector<16xi32>
      %parallel_loop3A_302 = tpu.scan <max>, %parallel_loop3A_301 masked %parallel_loop3A_298 : vector<16xi32>, vector<16xi1> -> vector<16xi32>
      %parallel_loop3A_303 = arith.xori %parallel_loop3A_302, %parallel_loop3A_300 : vector<16xi32>
      %parallel_loop3A_304 = vector.extract %parallel_loop3A_303[15] : i32 from vector<16xi32>
      %parallel_loop3A_305 = arith.maxsi %parallel_loop3A_274, %parallel_loop3A_304 : i32
      %parallel_loop3A_306 = arith.constant true
      %parallel_loop3A_307 = vector.broadcast %parallel_loop3A_306 : i1 to vector<16xi1>
      %parallel_loop3A_308 = arith.constant -2147483648 : i32
      %parallel_loop3A_309 = vector.broadcast %parallel_loop3A_308 : i32 to vector<16xi32>
      %parallel_loop3A_310 = arith.xori %parallel_loop3A_287, %parallel_loop3A_309 : vector<16xi32>
      %parallel_loop3A_311 = tpu.scan <max>, %parallel_loop3A_310 masked %parallel_loop3A_307 : vector<16xi32>, vector<16xi1> -> vector<16xi32>
      %parallel_loop3A_312 = arith.xori %parallel_loop3A_311, %parallel_loop3A_309 : vector<16xi32>
      %parallel_loop3A_313 = vector.extract %parallel_loop3A_312[15] : i32 from vector<16xi32>
      scf.yield %parallel_loop3A_313, %parallel_loop3A_295, %parallel_loop3A_305 : i32, i32, i32
    } {sc.loop_unroll_factor = 2 : i64, sc.parallel_access}
    %sub3A_161 = arith.constant 16384 : i32
    %sub3A_162 = arith.subi %sub3A_161, %parallel_loop3A_160#2 : i32
    %broadcast_in_dim3A_163 = vector.broadcast %parallel_loop3A_160#1 : i32 to vector<16xi32>
    %broadcast_in_dim3A_164 = arith.constant 0 : i32
    %broadcast_in_dim3A_165 = vector.broadcast %broadcast_in_dim3A_164 : i32 to vector<16xi32>
    %parallel_loop3A_166 = arith.constant 0 : i32
    %parallel_loop3A_167 = arith.constant 2048 : i32
    %parallel_loop3A_168 = arith.constant 1 : i32
    %parallel_loop3A_169 = scf.for %parallel_loop3A_271 = %parallel_loop3A_166 to %parallel_loop3A_167 step %parallel_loop3A_168 iter_args(%parallel_loop3A_272 = %broadcast_in_dim3A_165) -> (vector<16xi32>)  : i32 {
      %parallel_loop3A_273 = arith.constant 16 : i32
      %parallel_loop3A_274 = arith.muli %parallel_loop3A_271, %parallel_loop3A_273 : i32
      %parallel_loop3A_275 = arith.index_cast %parallel_loop3A_274 : i32 to index
      %parallel_loop3A_276 = tpu.vector_load %arg4[%parallel_loop3A_275] {strides = array<i32>} : memref<32768xi32, #tpu.memory_space<vmem>>, vector<16xi32>,
      %parallel_loop3A_277 = arith.constant 2147483647 : i32
      %parallel_loop3A_278 = vector.broadcast %parallel_loop3A_277 : i32 to vector<16xi32>
      %parallel_loop3A_279 = arith.andi %parallel_loop3A_276, %parallel_loop3A_278 : vector<16xi32>
      %parallel_loop3A_280 = arith.constant 20 : i32
      %parallel_loop3A_281 = vector.broadcast %parallel_loop3A_280 : i32 to vector<16xi32>
      %parallel_loop3A_282 = arith.shrui %parallel_loop3A_279, %parallel_loop3A_281 : vector<16xi32>
      %parallel_loop3A_283 = arith.cmpi eq, %parallel_loop3A_282, %broadcast_in_dim3A_163 : vector<16xi32>
      %parallel_loop3A_284 = vector.extract_strided_slice %parallel_loop3A_272 {offsets = [0], sizes = [1], strides = [1]} : vector<16xi32> to vector<1xi32>
      %parallel_loop3A_285 = vector.extract %parallel_loop3A_284[0] : i32 from vector<1xi32>
      %parallel_loop3A_286 = arith.index_cast %parallel_loop3A_285 : i32 to index
      %parallel_loop3A_287 = tpu.vector_load %arg7[%parallel_loop3A_286] masked %parallel_loop3A_283 {strides = array<i32>} : memref<32768xi32, #tpu.memory_space<vmem>>, vector<16xi32>, vector<16xi1>
      tpu.vector_store %arg7[%parallel_loop3A_286], %parallel_loop3A_279 masked %parallel_loop3A_283 {strides = array<i32>} : memref<32768xi32, #tpu.memory_space<vmem>>, vector<16xi32>, vector<16xi1>
      %parallel_loop3A_288 = tpu.all_reduce %parallel_loop3A_283 {dim = 0 : i64, kind = #tpu.reduction_kind<sum>} : vector<16xi1> -> vector<16xi32>
      %parallel_loop3A_289 = arith.addi %parallel_loop3A_272, %parallel_loop3A_288 : vector<16xi32>
      scf.yield %parallel_loop3A_289 : vector<16xi32>
    } {sc.loop_unroll_factor = 8 : i64, sc.parallel_access}
    %slice3A_170 = vector.extract_strided_slice %parallel_loop3A_169 {offsets = [0], sizes = [1], strides = [1]} : vector<16xi32> to vector<1xi32>
    %squeeze3A_171 = vector.extract %slice3A_170[0] : i32 from vector<1xi32>
    %broadcast_in_dim3A_172 = vector.broadcast %squeeze3A_171 : i32 to vector<16xi32>
    %add3A_173 = arith.constant 15 : i32
    %add3A_174 = arith.addi %squeeze3A_171, %add3A_173 : i32
    %shift_right_logical3A_175 = arith.constant 4 : i32
    %shift_right_logical3A_176 = arith.shrui %add3A_174, %shift_right_logical3A_175 : i32
    %parallel_loop3A_177 = arith.constant 0 : i32
    %parallel_loop3A_178 = arith.constant 1 : i32
    scf.for %parallel_loop3A_271 = %parallel_loop3A_177 to %shift_right_logical3A_176 step %parallel_loop3A_178  : i32 {
      %parallel_loop3A_272 = arith.constant 16 : i32
      %parallel_loop3A_273 = arith.muli %parallel_loop3A_271, %parallel_loop3A_272 : i32
      %parallel_loop3A_274 = arith.index_cast %parallel_loop3A_273 : i32 to index
      %parallel_loop3A_275 = tpu.vector_load %arg7[%parallel_loop3A_274] {strides = array<i32>} : memref<32768xi32, #tpu.memory_space<vmem>>, vector<16xi32>,
      %parallel_loop3A_276 = arith.constant 16 : i32
      %parallel_loop3A_277 = arith.muli %parallel_loop3A_271, %parallel_loop3A_276 : i32
      %parallel_loop3A_278 = vector.broadcast %parallel_loop3A_277 : i32 to vector<16xi32>
      %parallel_loop3A_279 = arith.addi %parallel_loop3A_278, %iota3A : vector<16xi32>
      %parallel_loop3A_280 = arith.cmpi slt, %parallel_loop3A_279, %broadcast_in_dim3A_172 : vector<16xi32>
      %parallel_loop3A_281 = arith.constant 10 : i32
      %parallel_loop3A_282 = vector.broadcast %parallel_loop3A_281 : i32 to vector<16xi32>
      %parallel_loop3A_283 = arith.shrui %parallel_loop3A_275, %parallel_loop3A_282 : vector<16xi32>
      %parallel_loop3A_284 = arith.constant 1023 : i32
      %parallel_loop3A_285 = vector.broadcast %parallel_loop3A_284 : i32 to vector<16xi32>
      %parallel_loop3A_286 = arith.andi %parallel_loop3A_283, %parallel_loop3A_285 : vector<16xi32>
      tpu.vector_store_idx %arg6[%parallel_loop3A_286], %broadcast_in_dim3A_3 masked %parallel_loop3A_280 {add = true} : memref<2048xi32, #tpu.memory_space<vmem>>[vector<16xi32>], vector<16xi32>, vector<16xi1>
    } {sc.loop_unroll_factor = 1 : i64, sc.parallel_access}
    %parallel_loop3A_179 = arith.constant 0 : i32
    %parallel_loop3A_180 = arith.constant 64 : i32
    %parallel_loop3A_181 = arith.constant 1 : i32
    %parallel_loop3A_182 = arith.constant 0 : i32
    %parallel_loop3A_183 = arith.constant 0 : i32
    %parallel_loop3A_184 = arith.constant 0 : i32
    %parallel_loop3A_185:3 = scf.for %parallel_loop3A_271 = %parallel_loop3A_179 to %parallel_loop3A_180 step %parallel_loop3A_181 iter_args(%parallel_loop3A_272 = %parallel_loop3A_182, %parallel_loop3A_273 = %parallel_loop3A_183, %parallel_loop3A_274 = %parallel_loop3A_184) -> (i32, i32, i32)  : i32 {
      %parallel_loop3A_275 = arith.constant 16 : i32
      %parallel_loop3A_276 = arith.muli %parallel_loop3A_271, %parallel_loop3A_275 : i32
      %parallel_loop3A_277 = arith.index_cast %parallel_loop3A_276 : i32 to index
      %parallel_loop3A_278 = tpu.vector_load %arg6[%parallel_loop3A_277] {strides = array<i32>} : memref<2048xi32, #tpu.memory_space<vmem>>, vector<16xi32>,
      %parallel_loop3A_279 = arith.constant 16 : i32
      %parallel_loop3A_280 = arith.muli %parallel_loop3A_271, %parallel_loop3A_279 : i32
      %parallel_loop3A_281 = arith.index_cast %parallel_loop3A_280 : i32 to index
      %parallel_loop3A_282 = tpu.vector_load %arg6[%parallel_loop3A_281] {strides = array<i32>} : memref<2048xi32, #tpu.memory_space<vmem>>, vector<16xi32>,
      tpu.vector_store %arg6[%parallel_loop3A_281], %broadcast_in_dim3A_1 {strides = array<i32>} : memref<2048xi32, #tpu.memory_space<vmem>>, vector<16xi32>,
      %parallel_loop3A_283 = arith.constant true
      %parallel_loop3A_284 = vector.broadcast %parallel_loop3A_283 : i1 to vector<16xi1>
      %parallel_loop3A_285 = tpu.scan <sum>, %parallel_loop3A_278 masked %parallel_loop3A_284 : vector<16xi32>, vector<16xi1> -> vector<16xi32>
      %parallel_loop3A_286 = vector.broadcast %parallel_loop3A_272 : i32 to vector<16xi32>
      %parallel_loop3A_287 = arith.addi %parallel_loop3A_285, %parallel_loop3A_286 : vector<16xi32>
      %parallel_loop3A_288 = vector.broadcast %sub3A_162 : i32 to vector<16xi32>
      %parallel_loop3A_289 = arith.cmpi slt, %parallel_loop3A_287, %parallel_loop3A_288 : vector<16xi32>
      %parallel_loop3A_290 = arith.select %parallel_loop3A_289, %broadcast_in_dim3A_3, %broadcast_in_dim3A_1 : vector<16xi1>, vector<16xi32>
      %parallel_loop3A_291 = arith.constant true
      %parallel_loop3A_292 = vector.broadcast %parallel_loop3A_291 : i1 to vector<16xi1>
      %parallel_loop3A_293 = tpu.scan <sum>, %parallel_loop3A_290 masked %parallel_loop3A_292 : vector<16xi32>, vector<16xi1> -> vector<16xi32>
      %parallel_loop3A_294 = vector.extract %parallel_loop3A_293[15] : i32 from vector<16xi32>
      %parallel_loop3A_295 = arith.addi %parallel_loop3A_273, %parallel_loop3A_294 : i32
      %parallel_loop3A_296 = arith.select %parallel_loop3A_289, %parallel_loop3A_287, %broadcast_in_dim3A_1 : vector<16xi1>, vector<16xi32>
      %parallel_loop3A_297 = arith.constant true
      %parallel_loop3A_298 = vector.broadcast %parallel_loop3A_297 : i1 to vector<16xi1>
      %parallel_loop3A_299 = arith.constant -2147483648 : i32
      %parallel_loop3A_300 = vector.broadcast %parallel_loop3A_299 : i32 to vector<16xi32>
      %parallel_loop3A_301 = arith.xori %parallel_loop3A_296, %parallel_loop3A_300 : vector<16xi32>
      %parallel_loop3A_302 = tpu.scan <max>, %parallel_loop3A_301 masked %parallel_loop3A_298 : vector<16xi32>, vector<16xi1> -> vector<16xi32>
      %parallel_loop3A_303 = arith.xori %parallel_loop3A_302, %parallel_loop3A_300 : vector<16xi32>
      %parallel_loop3A_304 = vector.extract %parallel_loop3A_303[15] : i32 from vector<16xi32>
      %parallel_loop3A_305 = arith.maxsi %parallel_loop3A_274, %parallel_loop3A_304 : i32
      %parallel_loop3A_306 = arith.constant true
      %parallel_loop3A_307 = vector.broadcast %parallel_loop3A_306 : i1 to vector<16xi1>
      %parallel_loop3A_308 = arith.constant -2147483648 : i32
      %parallel_loop3A_309 = vector.broadcast %parallel_loop3A_308 : i32 to vector<16xi32>
      %parallel_loop3A_310 = arith.xori %parallel_loop3A_287, %parallel_loop3A_309 : vector<16xi32>
      %parallel_loop3A_311 = tpu.scan <max>, %parallel_loop3A_310 masked %parallel_loop3A_307 : vector<16xi32>, vector<16xi1> -> vector<16xi32>
      %parallel_loop3A_312 = arith.xori %parallel_loop3A_311, %parallel_loop3A_309 : vector<16xi32>
      %parallel_loop3A_313 = vector.extract %parallel_loop3A_312[15] : i32 from vector<16xi32>
      scf.yield %parallel_loop3A_313, %parallel_loop3A_295, %parallel_loop3A_305 : i32, i32, i32
    } {sc.loop_unroll_factor = 2 : i64, sc.parallel_access}
    %sub3A_186 = arith.subi %sub3A_162, %parallel_loop3A_185#2 : i32
    %shift_left3A_187 = arith.constant 10 : i32
    %shift_left3A_188 = arith.shli %parallel_loop3A_160#1, %shift_left3A_187 : i32
    %or3A_189 = arith.ori %shift_left3A_188, %parallel_loop3A_185#1 : i32
    %broadcast_in_dim3A_190 = vector.broadcast %or3A_189 : i32 to vector<16xi32>
    %parallel_loop3A_191 = arith.constant 0 : i32
    %parallel_loop3A_192 = arith.constant 1 : i32
    scf.for %parallel_loop3A_271 = %parallel_loop3A_191 to %shift_right_logical3A_176 step %parallel_loop3A_192  : i32 {
      %parallel_loop3A_272 = arith.constant 16 : i32
      %parallel_loop3A_273 = arith.muli %parallel_loop3A_271, %parallel_loop3A_272 : i32
      %parallel_loop3A_274 = arith.index_cast %parallel_loop3A_273 : i32 to index
      %parallel_loop3A_275 = tpu.vector_load %arg7[%parallel_loop3A_274] {strides = array<i32>} : memref<32768xi32, #tpu.memory_space<vmem>>, vector<16xi32>,
      %parallel_loop3A_276 = arith.constant 16 : i32
      %parallel_loop3A_277 = arith.muli %parallel_loop3A_271, %parallel_loop3A_276 : i32
      %parallel_loop3A_278 = vector.broadcast %parallel_loop3A_277 : i32 to vector<16xi32>
      %parallel_loop3A_279 = arith.addi %parallel_loop3A_278, %iota3A : vector<16xi32>
      %parallel_loop3A_280 = arith.cmpi slt, %parallel_loop3A_279, %broadcast_in_dim3A_172 : vector<16xi32>
      %parallel_loop3A_281 = arith.constant 10 : i32
      %parallel_loop3A_282 = vector.broadcast %parallel_loop3A_281 : i32 to vector<16xi32>
      %parallel_loop3A_283 = arith.shrui %parallel_loop3A_275, %parallel_loop3A_282 : vector<16xi32>
      %parallel_loop3A_284 = arith.constant 1023 : i32
      %parallel_loop3A_285 = vector.broadcast %parallel_loop3A_284 : i32 to vector<16xi32>
      %parallel_loop3A_286 = arith.andi %parallel_loop3A_275, %parallel_loop3A_285 : vector<16xi32>
      %parallel_loop3A_287 = arith.cmpi eq, %parallel_loop3A_283, %broadcast_in_dim3A_190 : vector<16xi32>
      %parallel_loop3A_288 = arith.andi %parallel_loop3A_280, %parallel_loop3A_287 : vector<16xi1>
      tpu.vector_store_idx %arg6[%parallel_loop3A_286], %broadcast_in_dim3A_3 masked %parallel_loop3A_288 {add = true} : memref<2048xi32, #tpu.memory_space<vmem>>[vector<16xi32>], vector<16xi32>, vector<16xi1>
    } {sc.loop_unroll_factor = 1 : i64, sc.parallel_access}
    %parallel_loop3A_193 = arith.constant 0 : i32
    %parallel_loop3A_194 = arith.constant 64 : i32
    %parallel_loop3A_195 = arith.constant 1 : i32
    %parallel_loop3A_196 = arith.constant 0 : i32
    %parallel_loop3A_197 = arith.constant 0 : i32
    %parallel_loop3A_198 = arith.constant 0 : i32
    %parallel_loop3A_199:3 = scf.for %parallel_loop3A_271 = %parallel_loop3A_193 to %parallel_loop3A_194 step %parallel_loop3A_195 iter_args(%parallel_loop3A_272 = %parallel_loop3A_196, %parallel_loop3A_273 = %parallel_loop3A_197, %parallel_loop3A_274 = %parallel_loop3A_198) -> (i32, i32, i32)  : i32 {
      %parallel_loop3A_275 = arith.constant 16 : i32
      %parallel_loop3A_276 = arith.muli %parallel_loop3A_271, %parallel_loop3A_275 : i32
      %parallel_loop3A_277 = arith.index_cast %parallel_loop3A_276 : i32 to index
      %parallel_loop3A_278 = tpu.vector_load %arg6[%parallel_loop3A_277] {strides = array<i32>} : memref<2048xi32, #tpu.memory_space<vmem>>, vector<16xi32>,
      %parallel_loop3A_279 = arith.constant 16 : i32
      %parallel_loop3A_280 = arith.muli %parallel_loop3A_271, %parallel_loop3A_279 : i32
      %parallel_loop3A_281 = arith.index_cast %parallel_loop3A_280 : i32 to index
      %parallel_loop3A_282 = tpu.vector_load %arg6[%parallel_loop3A_281] {strides = array<i32>} : memref<2048xi32, #tpu.memory_space<vmem>>, vector<16xi32>,
      tpu.vector_store %arg6[%parallel_loop3A_281], %broadcast_in_dim3A_1 {strides = array<i32>} : memref<2048xi32, #tpu.memory_space<vmem>>, vector<16xi32>,
      %parallel_loop3A_283 = arith.constant true
      %parallel_loop3A_284 = vector.broadcast %parallel_loop3A_283 : i1 to vector<16xi1>
      %parallel_loop3A_285 = tpu.scan <sum>, %parallel_loop3A_278 masked %parallel_loop3A_284 : vector<16xi32>, vector<16xi1> -> vector<16xi32>
      %parallel_loop3A_286 = vector.broadcast %parallel_loop3A_272 : i32 to vector<16xi32>
      %parallel_loop3A_287 = arith.addi %parallel_loop3A_285, %parallel_loop3A_286 : vector<16xi32>
      %parallel_loop3A_288 = vector.broadcast %sub3A_186 : i32 to vector<16xi32>
      %parallel_loop3A_289 = arith.cmpi slt, %parallel_loop3A_287, %parallel_loop3A_288 : vector<16xi32>
      %parallel_loop3A_290 = arith.select %parallel_loop3A_289, %broadcast_in_dim3A_3, %broadcast_in_dim3A_1 : vector<16xi1>, vector<16xi32>
      %parallel_loop3A_291 = arith.constant true
      %parallel_loop3A_292 = vector.broadcast %parallel_loop3A_291 : i1 to vector<16xi1>
      %parallel_loop3A_293 = tpu.scan <sum>, %parallel_loop3A_290 masked %parallel_loop3A_292 : vector<16xi32>, vector<16xi1> -> vector<16xi32>
      %parallel_loop3A_294 = vector.extract %parallel_loop3A_293[15] : i32 from vector<16xi32>
      %parallel_loop3A_295 = arith.addi %parallel_loop3A_273, %parallel_loop3A_294 : i32
      %parallel_loop3A_296 = arith.select %parallel_loop3A_289, %parallel_loop3A_287, %broadcast_in_dim3A_1 : vector<16xi1>, vector<16xi32>
      %parallel_loop3A_297 = arith.constant true
      %parallel_loop3A_298 = vector.broadcast %parallel_loop3A_297 : i1 to vector<16xi1>
      %parallel_loop3A_299 = arith.constant -2147483648 : i32
      %parallel_loop3A_300 = vector.broadcast %parallel_loop3A_299 : i32 to vector<16xi32>
      %parallel_loop3A_301 = arith.xori %parallel_loop3A_296, %parallel_loop3A_300 : vector<16xi32>
      %parallel_loop3A_302 = tpu.scan <max>, %parallel_loop3A_301 masked %parallel_loop3A_298 : vector<16xi32>, vector<16xi1> -> vector<16xi32>
      %parallel_loop3A_303 = arith.xori %parallel_loop3A_302, %parallel_loop3A_300 : vector<16xi32>
      %parallel_loop3A_304 = vector.extract %parallel_loop3A_303[15] : i32 from vector<16xi32>
      %parallel_loop3A_305 = arith.maxsi %parallel_loop3A_274, %parallel_loop3A_304 : i32
      %parallel_loop3A_306 = arith.constant true
      %parallel_loop3A_307 = vector.broadcast %parallel_loop3A_306 : i1 to vector<16xi1>
      %parallel_loop3A_308 = arith.constant -2147483648 : i32
      %parallel_loop3A_309 = vector.broadcast %parallel_loop3A_308 : i32 to vector<16xi32>
      %parallel_loop3A_310 = arith.xori %parallel_loop3A_287, %parallel_loop3A_309 : vector<16xi32>
      %parallel_loop3A_311 = tpu.scan <max>, %parallel_loop3A_310 masked %parallel_loop3A_307 : vector<16xi32>, vector<16xi1> -> vector<16xi32>
      %parallel_loop3A_312 = arith.xori %parallel_loop3A_311, %parallel_loop3A_309 : vector<16xi32>
      %parallel_loop3A_313 = vector.extract %parallel_loop3A_312[15] : i32 from vector<16xi32>
      scf.yield %parallel_loop3A_313, %parallel_loop3A_295, %parallel_loop3A_305 : i32, i32, i32
    } {sc.loop_unroll_factor = 2 : i64, sc.parallel_access}
    %shift_left3A_200 = arith.constant 10 : i32
    %shift_left3A_201 = arith.shli %or3A_189, %shift_left3A_200 : i32
    %or3A_202 = arith.ori %shift_left3A_201, %parallel_loop3A_199#1 : i32
    %broadcast_in_dim3A_203 = arith.constant 2 : i32
    %broadcast_in_dim3A_204 = vector.broadcast %broadcast_in_dim3A_203 : i32 to vector<16xi32>
    %eq3A_205 = arith.cmpi eq, %iota3A, %broadcast_in_dim3A_204 : vector<16xi32>
    %broadcast_in_dim3A_206 = vector.broadcast %or3A_202 : i32 to vector<16xi32>
    %select_n3A_207 = arith.select %eq3A_205, %broadcast_in_dim3A_206, %select_n3A_139 : vector<16xi1>, vector<16xi32>
    %dma_wait3A_208 = tpu.memref_slice %arg2[%mul3A_147] : memref<4194304xi32, #tpu.memory_space<hbm>> -> memref<32768xi32, #tpu.memory_space<hbm>>
    %dma_wait3A_209 = tpu.memref_slice %arg2[%mul3A_147] : memref<4194304xi32, #tpu.memory_space<hbm>> -> memref<32768xi32, #tpu.memory_space<hbm>>
    tpu.wait_dma2 semaphore(%arg10 : memref<!tpu.dma_semaphore, #tpu.memory_space<semaphore_mem>>) src(%dma_wait3A_209 : memref<32768xi32, #tpu.memory_space<hbm>>) dst(%arg5 : memref<32768xi32, #tpu.memory_space<vmem>>)
    %parallel_loop3A_210 = arith.constant 0 : i32
    %parallel_loop3A_211 = arith.constant 2048 : i32
    %parallel_loop3A_212 = arith.constant 1 : i32
    scf.for %parallel_loop3A_271 = %parallel_loop3A_210 to %parallel_loop3A_211 step %parallel_loop3A_212  : i32 {
      %parallel_loop3A_272 = arith.constant 16 : i32
      %parallel_loop3A_273 = arith.muli %parallel_loop3A_271, %parallel_loop3A_272 : i32
      %parallel_loop3A_274 = arith.index_cast %parallel_loop3A_273 : i32 to index
      %parallel_loop3A_275 = tpu.vector_load %arg5[%parallel_loop3A_274] {strides = array<i32>} : memref<32768xi32, #tpu.memory_space<vmem>>, vector<16xi32>,
      %parallel_loop3A_276 = arith.constant 2147483647 : i32
      %parallel_loop3A_277 = vector.broadcast %parallel_loop3A_276 : i32 to vector<16xi32>
      %parallel_loop3A_278 = arith.andi %parallel_loop3A_275, %parallel_loop3A_277 : vector<16xi32>
      %parallel_loop3A_279 = arith.constant 20 : i32
      %parallel_loop3A_280 = vector.broadcast %parallel_loop3A_279 : i32 to vector<16xi32>
      %parallel_loop3A_281 = arith.shrui %parallel_loop3A_278, %parallel_loop3A_280 : vector<16xi32>
      tpu.vector_store_idx %arg6[%parallel_loop3A_281], %broadcast_in_dim3A_3 {add = true} : memref<2048xi32, #tpu.memory_space<vmem>>[vector<16xi32>], vector<16xi32>,
    } {sc.loop_unroll_factor = 8 : i64, sc.parallel_access}
    %parallel_loop3A_213 = arith.constant 0 : i32
    %parallel_loop3A_214 = arith.constant 128 : i32
    %parallel_loop3A_215 = arith.constant 1 : i32
    %parallel_loop3A_216 = arith.constant 16384 : i32
    %parallel_loop3A_217 = arith.constant 0 : i32
    %parallel_loop3A_218 = arith.constant 0 : i32
    %parallel_loop3A_219 = arith.constant 0 : i32
    %parallel_loop3A_220:3 = scf.for %parallel_loop3A_271 = %parallel_loop3A_213 to %parallel_loop3A_214 step %parallel_loop3A_215 iter_args(%parallel_loop3A_272 = %parallel_loop3A_217, %parallel_loop3A_273 = %parallel_loop3A_218, %parallel_loop3A_274 = %parallel_loop3A_219) -> (i32, i32, i32)  : i32 {
      %parallel_loop3A_275 = arith.constant 16 : i32
      %parallel_loop3A_276 = arith.muli %parallel_loop3A_271, %parallel_loop3A_275 : i32
      %parallel_loop3A_277 = arith.index_cast %parallel_loop3A_276 : i32 to index
      %parallel_loop3A_278 = tpu.vector_load %arg6[%parallel_loop3A_277] {strides = array<i32>} : memref<2048xi32, #tpu.memory_space<vmem>>, vector<16xi32>,
      %parallel_loop3A_279 = arith.constant 16 : i32
      %parallel_loop3A_280 = arith.muli %parallel_loop3A_271, %parallel_loop3A_279 : i32
      %parallel_loop3A_281 = arith.index_cast %parallel_loop3A_280 : i32 to index
      %parallel_loop3A_282 = tpu.vector_load %arg6[%parallel_loop3A_281] {strides = array<i32>} : memref<2048xi32, #tpu.memory_space<vmem>>, vector<16xi32>,
      tpu.vector_store %arg6[%parallel_loop3A_281], %broadcast_in_dim3A_1 {strides = array<i32>} : memref<2048xi32, #tpu.memory_space<vmem>>, vector<16xi32>,
      %parallel_loop3A_283 = arith.constant true
      %parallel_loop3A_284 = vector.broadcast %parallel_loop3A_283 : i1 to vector<16xi1>
      %parallel_loop3A_285 = tpu.scan <sum>, %parallel_loop3A_278 masked %parallel_loop3A_284 : vector<16xi32>, vector<16xi1> -> vector<16xi32>
      %parallel_loop3A_286 = vector.broadcast %parallel_loop3A_272 : i32 to vector<16xi32>
      %parallel_loop3A_287 = arith.addi %parallel_loop3A_285, %parallel_loop3A_286 : vector<16xi32>
      %parallel_loop3A_288 = vector.broadcast %parallel_loop3A_216 : i32 to vector<16xi32>
      %parallel_loop3A_289 = arith.cmpi slt, %parallel_loop3A_287, %parallel_loop3A_288 : vector<16xi32>
      %parallel_loop3A_290 = arith.select %parallel_loop3A_289, %broadcast_in_dim3A_3, %broadcast_in_dim3A_1 : vector<16xi1>, vector<16xi32>
      %parallel_loop3A_291 = arith.constant true
      %parallel_loop3A_292 = vector.broadcast %parallel_loop3A_291 : i1 to vector<16xi1>
      %parallel_loop3A_293 = tpu.scan <sum>, %parallel_loop3A_290 masked %parallel_loop3A_292 : vector<16xi32>, vector<16xi1> -> vector<16xi32>
      %parallel_loop3A_294 = vector.extract %parallel_loop3A_293[15] : i32 from vector<16xi32>
      %parallel_loop3A_295 = arith.addi %parallel_loop3A_273, %parallel_loop3A_294 : i32
      %parallel_loop3A_296 = arith.select %parallel_loop3A_289, %parallel_loop3A_287, %broadcast_in_dim3A_1 : vector<16xi1>, vector<16xi32>
      %parallel_loop3A_297 = arith.constant true
      %parallel_loop3A_298 = vector.broadcast %parallel_loop3A_297 : i1 to vector<16xi1>
      %parallel_loop3A_299 = arith.constant -2147483648 : i32
      %parallel_loop3A_300 = vector.broadcast %parallel_loop3A_299 : i32 to vector<16xi32>
      %parallel_loop3A_301 = arith.xori %parallel_loop3A_296, %parallel_loop3A_300 : vector<16xi32>
      %parallel_loop3A_302 = tpu.scan <max>, %parallel_loop3A_301 masked %parallel_loop3A_298 : vector<16xi32>, vector<16xi1> -> vector<16xi32>
      %parallel_loop3A_303 = arith.xori %parallel_loop3A_302, %parallel_loop3A_300 : vector<16xi32>
      %parallel_loop3A_304 = vector.extract %parallel_loop3A_303[15] : i32 from vector<16xi32>
      %parallel_loop3A_305 = arith.maxsi %parallel_loop3A_274, %parallel_loop3A_304 : i32
      %parallel_loop3A_306 = arith.constant true
      %parallel_loop3A_307 = vector.broadcast %parallel_loop3A_306 : i1 to vector<16xi1>
      %parallel_loop3A_308 = arith.constant -2147483648 : i32
      %parallel_loop3A_309 = vector.broadcast %parallel_loop3A_308 : i32 to vector<16xi32>
      %parallel_loop3A_310 = arith.xori %parallel_loop3A_287, %parallel_loop3A_309 : vector<16xi32>
      %parallel_loop3A_311 = tpu.scan <max>, %parallel_loop3A_310 masked %parallel_loop3A_307 : vector<16xi32>, vector<16xi1> -> vector<16xi32>
      %parallel_loop3A_312 = arith.xori %parallel_loop3A_311, %parallel_loop3A_309 : vector<16xi32>
      %parallel_loop3A_313 = vector.extract %parallel_loop3A_312[15] : i32 from vector<16xi32>
      scf.yield %parallel_loop3A_313, %parallel_loop3A_295, %parallel_loop3A_305 : i32, i32, i32
    } {sc.loop_unroll_factor = 2 : i64, sc.parallel_access}
    %sub3A_221 = arith.constant 16384 : i32
    %sub3A_222 = arith.subi %sub3A_221, %parallel_loop3A_220#2 : i32
    %broadcast_in_dim3A_223 = vector.broadcast %parallel_loop3A_220#1 : i32 to vector<16xi32>
    %broadcast_in_dim3A_224 = arith.constant 0 : i32
    %broadcast_in_dim3A_225 = vector.broadcast %broadcast_in_dim3A_224 : i32 to vector<16xi32>
    %parallel_loop3A_226 = arith.constant 0 : i32
    %parallel_loop3A_227 = arith.constant 2048 : i32
    %parallel_loop3A_228 = arith.constant 1 : i32
    %parallel_loop3A_229 = scf.for %parallel_loop3A_271 = %parallel_loop3A_226 to %parallel_loop3A_227 step %parallel_loop3A_228 iter_args(%parallel_loop3A_272 = %broadcast_in_dim3A_225) -> (vector<16xi32>)  : i32 {
      %parallel_loop3A_273 = arith.constant 16 : i32
      %parallel_loop3A_274 = arith.muli %parallel_loop3A_271, %parallel_loop3A_273 : i32
      %parallel_loop3A_275 = arith.index_cast %parallel_loop3A_274 : i32 to index
      %parallel_loop3A_276 = tpu.vector_load %arg5[%parallel_loop3A_275] {strides = array<i32>} : memref<32768xi32, #tpu.memory_space<vmem>>, vector<16xi32>,
      %parallel_loop3A_277 = arith.constant 2147483647 : i32
      %parallel_loop3A_278 = vector.broadcast %parallel_loop3A_277 : i32 to vector<16xi32>
      %parallel_loop3A_279 = arith.andi %parallel_loop3A_276, %parallel_loop3A_278 : vector<16xi32>
      %parallel_loop3A_280 = arith.constant 20 : i32
      %parallel_loop3A_281 = vector.broadcast %parallel_loop3A_280 : i32 to vector<16xi32>
      %parallel_loop3A_282 = arith.shrui %parallel_loop3A_279, %parallel_loop3A_281 : vector<16xi32>
      %parallel_loop3A_283 = arith.cmpi eq, %parallel_loop3A_282, %broadcast_in_dim3A_223 : vector<16xi32>
      %parallel_loop3A_284 = vector.extract_strided_slice %parallel_loop3A_272 {offsets = [0], sizes = [1], strides = [1]} : vector<16xi32> to vector<1xi32>
      %parallel_loop3A_285 = vector.extract %parallel_loop3A_284[0] : i32 from vector<1xi32>
      %parallel_loop3A_286 = arith.index_cast %parallel_loop3A_285 : i32 to index
      %parallel_loop3A_287 = tpu.vector_load %arg7[%parallel_loop3A_286] masked %parallel_loop3A_283 {strides = array<i32>} : memref<32768xi32, #tpu.memory_space<vmem>>, vector<16xi32>, vector<16xi1>
      tpu.vector_store %arg7[%parallel_loop3A_286], %parallel_loop3A_279 masked %parallel_loop3A_283 {strides = array<i32>} : memref<32768xi32, #tpu.memory_space<vmem>>, vector<16xi32>, vector<16xi1>
      %parallel_loop3A_288 = tpu.all_reduce %parallel_loop3A_283 {dim = 0 : i64, kind = #tpu.reduction_kind<sum>} : vector<16xi1> -> vector<16xi32>
      %parallel_loop3A_289 = arith.addi %parallel_loop3A_272, %parallel_loop3A_288 : vector<16xi32>
      scf.yield %parallel_loop3A_289 : vector<16xi32>
    } {sc.loop_unroll_factor = 8 : i64, sc.parallel_access}
    %slice3A_230 = vector.extract_strided_slice %parallel_loop3A_229 {offsets = [0], sizes = [1], strides = [1]} : vector<16xi32> to vector<1xi32>
    %squeeze3A_231 = vector.extract %slice3A_230[0] : i32 from vector<1xi32>
    %broadcast_in_dim3A_232 = vector.broadcast %squeeze3A_231 : i32 to vector<16xi32>
    %add3A_233 = arith.constant 15 : i32
    %add3A_234 = arith.addi %squeeze3A_231, %add3A_233 : i32
    %shift_right_logical3A_235 = arith.constant 4 : i32
    %shift_right_logical3A_236 = arith.shrui %add3A_234, %shift_right_logical3A_235 : i32
    %parallel_loop3A_237 = arith.constant 0 : i32
    %parallel_loop3A_238 = arith.constant 1 : i32
    scf.for %parallel_loop3A_271 = %parallel_loop3A_237 to %shift_right_logical3A_236 step %parallel_loop3A_238  : i32 {
      %parallel_loop3A_272 = arith.constant 16 : i32
      %parallel_loop3A_273 = arith.muli %parallel_loop3A_271, %parallel_loop3A_272 : i32
      %parallel_loop3A_274 = arith.index_cast %parallel_loop3A_273 : i32 to index
      %parallel_loop3A_275 = tpu.vector_load %arg7[%parallel_loop3A_274] {strides = array<i32>} : memref<32768xi32, #tpu.memory_space<vmem>>, vector<16xi32>,
      %parallel_loop3A_276 = arith.constant 16 : i32
      %parallel_loop3A_277 = arith.muli %parallel_loop3A_271, %parallel_loop3A_276 : i32
      %parallel_loop3A_278 = vector.broadcast %parallel_loop3A_277 : i32 to vector<16xi32>
      %parallel_loop3A_279 = arith.addi %parallel_loop3A_278, %iota3A : vector<16xi32>
      %parallel_loop3A_280 = arith.cmpi slt, %parallel_loop3A_279, %broadcast_in_dim3A_232 : vector<16xi32>
      %parallel_loop3A_281 = arith.constant 10 : i32
      %parallel_loop3A_282 = vector.broadcast %parallel_loop3A_281 : i32 to vector<16xi32>
      %parallel_loop3A_283 = arith.shrui %parallel_loop3A_275, %parallel_loop3A_282 : vector<16xi32>
      %parallel_loop3A_284 = arith.constant 1023 : i32
      %parallel_loop3A_285 = vector.broadcast %parallel_loop3A_284 : i32 to vector<16xi32>
      %parallel_loop3A_286 = arith.andi %parallel_loop3A_283, %parallel_loop3A_285 : vector<16xi32>
      tpu.vector_store_idx %arg6[%parallel_loop3A_286], %broadcast_in_dim3A_3 masked %parallel_loop3A_280 {add = true} : memref<2048xi32, #tpu.memory_space<vmem>>[vector<16xi32>], vector<16xi32>, vector<16xi1>
    } {sc.loop_unroll_factor = 1 : i64, sc.parallel_access}
    %parallel_loop3A_239 = arith.constant 0 : i32
    %parallel_loop3A_240 = arith.constant 64 : i32
    %parallel_loop3A_241 = arith.constant 1 : i32
    %parallel_loop3A_242 = arith.constant 0 : i32
    %parallel_loop3A_243 = arith.constant 0 : i32
    %parallel_loop3A_244 = arith.constant 0 : i32
    %parallel_loop3A_245:3 = scf.for %parallel_loop3A_271 = %parallel_loop3A_239 to %parallel_loop3A_240 step %parallel_loop3A_241 iter_args(%parallel_loop3A_272 = %parallel_loop3A_242, %parallel_loop3A_273 = %parallel_loop3A_243, %parallel_loop3A_274 = %parallel_loop3A_244) -> (i32, i32, i32)  : i32 {
      %parallel_loop3A_275 = arith.constant 16 : i32
      %parallel_loop3A_276 = arith.muli %parallel_loop3A_271, %parallel_loop3A_275 : i32
      %parallel_loop3A_277 = arith.index_cast %parallel_loop3A_276 : i32 to index
      %parallel_loop3A_278 = tpu.vector_load %arg6[%parallel_loop3A_277] {strides = array<i32>} : memref<2048xi32, #tpu.memory_space<vmem>>, vector<16xi32>,
      %parallel_loop3A_279 = arith.constant 16 : i32
      %parallel_loop3A_280 = arith.muli %parallel_loop3A_271, %parallel_loop3A_279 : i32
      %parallel_loop3A_281 = arith.index_cast %parallel_loop3A_280 : i32 to index
      %parallel_loop3A_282 = tpu.vector_load %arg6[%parallel_loop3A_281] {strides = array<i32>} : memref<2048xi32, #tpu.memory_space<vmem>>, vector<16xi32>,
      tpu.vector_store %arg6[%parallel_loop3A_281], %broadcast_in_dim3A_1 {strides = array<i32>} : memref<2048xi32, #tpu.memory_space<vmem>>, vector<16xi32>,
      %parallel_loop3A_283 = arith.constant true
      %parallel_loop3A_284 = vector.broadcast %parallel_loop3A_283 : i1 to vector<16xi1>
      %parallel_loop3A_285 = tpu.scan <sum>, %parallel_loop3A_278 masked %parallel_loop3A_284 : vector<16xi32>, vector<16xi1> -> vector<16xi32>
      %parallel_loop3A_286 = vector.broadcast %parallel_loop3A_272 : i32 to vector<16xi32>
      %parallel_loop3A_287 = arith.addi %parallel_loop3A_285, %parallel_loop3A_286 : vector<16xi32>
      %parallel_loop3A_288 = vector.broadcast %sub3A_222 : i32 to vector<16xi32>
      %parallel_loop3A_289 = arith.cmpi slt, %parallel_loop3A_287, %parallel_loop3A_288 : vector<16xi32>
      %parallel_loop3A_290 = arith.select %parallel_loop3A_289, %broadcast_in_dim3A_3, %broadcast_in_dim3A_1 : vector<16xi1>, vector<16xi32>
      %parallel_loop3A_291 = arith.constant true
      %parallel_loop3A_292 = vector.broadcast %parallel_loop3A_291 : i1 to vector<16xi1>
      %parallel_loop3A_293 = tpu.scan <sum>, %parallel_loop3A_290 masked %parallel_loop3A_292 : vector<16xi32>, vector<16xi1> -> vector<16xi32>
      %parallel_loop3A_294 = vector.extract %parallel_loop3A_293[15] : i32 from vector<16xi32>
      %parallel_loop3A_295 = arith.addi %parallel_loop3A_273, %parallel_loop3A_294 : i32
      %parallel_loop3A_296 = arith.select %parallel_loop3A_289, %parallel_loop3A_287, %broadcast_in_dim3A_1 : vector<16xi1>, vector<16xi32>
      %parallel_loop3A_297 = arith.constant true
      %parallel_loop3A_298 = vector.broadcast %parallel_loop3A_297 : i1 to vector<16xi1>
      %parallel_loop3A_299 = arith.constant -2147483648 : i32
      %parallel_loop3A_300 = vector.broadcast %parallel_loop3A_299 : i32 to vector<16xi32>
      %parallel_loop3A_301 = arith.xori %parallel_loop3A_296, %parallel_loop3A_300 : vector<16xi32>
      %parallel_loop3A_302 = tpu.scan <max>, %parallel_loop3A_301 masked %parallel_loop3A_298 : vector<16xi32>, vector<16xi1> -> vector<16xi32>
      %parallel_loop3A_303 = arith.xori %parallel_loop3A_302, %parallel_loop3A_300 : vector<16xi32>
      %parallel_loop3A_304 = vector.extract %parallel_loop3A_303[15] : i32 from vector<16xi32>
      %parallel_loop3A_305 = arith.maxsi %parallel_loop3A_274, %parallel_loop3A_304 : i32
      %parallel_loop3A_306 = arith.constant true
      %parallel_loop3A_307 = vector.broadcast %parallel_loop3A_306 : i1 to vector<16xi1>
      %parallel_loop3A_308 = arith.constant -2147483648 : i32
      %parallel_loop3A_309 = vector.broadcast %parallel_loop3A_308 : i32 to vector<16xi32>
      %parallel_loop3A_310 = arith.xori %parallel_loop3A_287, %parallel_loop3A_309 : vector<16xi32>
      %parallel_loop3A_311 = tpu.scan <max>, %parallel_loop3A_310 masked %parallel_loop3A_307 : vector<16xi32>, vector<16xi1> -> vector<16xi32>
      %parallel_loop3A_312 = arith.xori %parallel_loop3A_311, %parallel_loop3A_309 : vector<16xi32>
      %parallel_loop3A_313 = vector.extract %parallel_loop3A_312[15] : i32 from vector<16xi32>
      scf.yield %parallel_loop3A_313, %parallel_loop3A_295, %parallel_loop3A_305 : i32, i32, i32
    } {sc.loop_unroll_factor = 2 : i64, sc.parallel_access}
    %sub3A_246 = arith.subi %sub3A_222, %parallel_loop3A_245#2 : i32
    %shift_left3A_247 = arith.constant 10 : i32
    %shift_left3A_248 = arith.shli %parallel_loop3A_220#1, %shift_left3A_247 : i32
    %or3A_249 = arith.ori %shift_left3A_248, %parallel_loop3A_245#1 : i32
    %broadcast_in_dim3A_250 = vector.broadcast %or3A_249 : i32 to vector<16xi32>
    %parallel_loop3A_251 = arith.constant 0 : i32
    %parallel_loop3A_252 = arith.constant 1 : i32
    scf.for %parallel_loop3A_271 = %parallel_loop3A_251 to %shift_right_logical3A_236 step %parallel_loop3A_252  : i32 {
      %parallel_loop3A_272 = arith.constant 16 : i32
      %parallel_loop3A_273 = arith.muli %parallel_loop3A_271, %parallel_loop3A_272 : i32
      %parallel_loop3A_274 = arith.index_cast %parallel_loop3A_273 : i32 to index
      %parallel_loop3A_275 = tpu.vector_load %arg7[%parallel_loop3A_274] {strides = array<i32>} : memref<32768xi32, #tpu.memory_space<vmem>>, vector<16xi32>,
      %parallel_loop3A_276 = arith.constant 16 : i32
      %parallel_loop3A_277 = arith.muli %parallel_loop3A_271, %parallel_loop3A_276 : i32
      %parallel_loop3A_278 = vector.broadcast %parallel_loop3A_277 : i32 to vector<16xi32>
      %parallel_loop3A_279 = arith.addi %parallel_loop3A_278, %iota3A : vector<16xi32>
      %parallel_loop3A_280 = arith.cmpi slt, %parallel_loop3A_279, %broadcast_in_dim3A_232 : vector<16xi32>
      %parallel_loop3A_281 = arith.constant 10 : i32
      %parallel_loop3A_282 = vector.broadcast %parallel_loop3A_281 : i32 to vector<16xi32>
      %parallel_loop3A_283 = arith.shrui %parallel_loop3A_275, %parallel_loop3A_282 : vector<16xi32>
      %parallel_loop3A_284 = arith.constant 1023 : i32
      %parallel_loop3A_285 = vector.broadcast %parallel_loop3A_284 : i32 to vector<16xi32>
      %parallel_loop3A_286 = arith.andi %parallel_loop3A_275, %parallel_loop3A_285 : vector<16xi32>
      %parallel_loop3A_287 = arith.cmpi eq, %parallel_loop3A_283, %broadcast_in_dim3A_250 : vector<16xi32>
      %parallel_loop3A_288 = arith.andi %parallel_loop3A_280, %parallel_loop3A_287 : vector<16xi1>
      tpu.vector_store_idx %arg6[%parallel_loop3A_286], %broadcast_in_dim3A_3 masked %parallel_loop3A_288 {add = true} : memref<2048xi32, #tpu.memory_space<vmem>>[vector<16xi32>], vector<16xi32>, vector<16xi1>
    } {sc.loop_unroll_factor = 1 : i64, sc.parallel_access}
    %parallel_loop3A_253 = arith.constant 0 : i32
    %parallel_loop3A_254 = arith.constant 64 : i32
    %parallel_loop3A_255 = arith.constant 1 : i32
    %parallel_loop3A_256 = arith.constant 0 : i32
    %parallel_loop3A_257 = arith.constant 0 : i32
    %parallel_loop3A_258 = arith.constant 0 : i32
    %parallel_loop3A_259:3 = scf.for %parallel_loop3A_271 = %parallel_loop3A_253 to %parallel_loop3A_254 step %parallel_loop3A_255 iter_args(%parallel_loop3A_272 = %parallel_loop3A_256, %parallel_loop3A_273 = %parallel_loop3A_257, %parallel_loop3A_274 = %parallel_loop3A_258) -> (i32, i32, i32)  : i32 {
      %parallel_loop3A_275 = arith.constant 16 : i32
      %parallel_loop3A_276 = arith.muli %parallel_loop3A_271, %parallel_loop3A_275 : i32
      %parallel_loop3A_277 = arith.index_cast %parallel_loop3A_276 : i32 to index
      %parallel_loop3A_278 = tpu.vector_load %arg6[%parallel_loop3A_277] {strides = array<i32>} : memref<2048xi32, #tpu.memory_space<vmem>>, vector<16xi32>,
      %parallel_loop3A_279 = arith.constant 16 : i32
      %parallel_loop3A_280 = arith.muli %parallel_loop3A_271, %parallel_loop3A_279 : i32
      %parallel_loop3A_281 = arith.index_cast %parallel_loop3A_280 : i32 to index
      %parallel_loop3A_282 = tpu.vector_load %arg6[%parallel_loop3A_281] {strides = array<i32>} : memref<2048xi32, #tpu.memory_space<vmem>>, vector<16xi32>,
      tpu.vector_store %arg6[%parallel_loop3A_281], %broadcast_in_dim3A_1 {strides = array<i32>} : memref<2048xi32, #tpu.memory_space<vmem>>, vector<16xi32>,
      %parallel_loop3A_283 = arith.constant true
      %parallel_loop3A_284 = vector.broadcast %parallel_loop3A_283 : i1 to vector<16xi1>
      %parallel_loop3A_285 = tpu.scan <sum>, %parallel_loop3A_278 masked %parallel_loop3A_284 : vector<16xi32>, vector<16xi1> -> vector<16xi32>
      %parallel_loop3A_286 = vector.broadcast %parallel_loop3A_272 : i32 to vector<16xi32>
      %parallel_loop3A_287 = arith.addi %parallel_loop3A_285, %parallel_loop3A_286 : vector<16xi32>
      %parallel_loop3A_288 = vector.broadcast %sub3A_246 : i32 to vector<16xi32>
      %parallel_loop3A_289 = arith.cmpi slt, %parallel_loop3A_287, %parallel_loop3A_288 : vector<16xi32>
      %parallel_loop3A_290 = arith.select %parallel_loop3A_289, %broadcast_in_dim3A_3, %broadcast_in_dim3A_1 : vector<16xi1>, vector<16xi32>
      %parallel_loop3A_291 = arith.constant true
      %parallel_loop3A_292 = vector.broadcast %parallel_loop3A_291 : i1 to vector<16xi1>
      %parallel_loop3A_293 = tpu.scan <sum>, %parallel_loop3A_290 masked %parallel_loop3A_292 : vector<16xi32>, vector<16xi1> -> vector<16xi32>
      %parallel_loop3A_294 = vector.extract %parallel_loop3A_293[15] : i32 from vector<16xi32>
      %parallel_loop3A_295 = arith.addi %parallel_loop3A_273, %parallel_loop3A_294 : i32
      %parallel_loop3A_296 = arith.select %parallel_loop3A_289, %parallel_loop3A_287, %broadcast_in_dim3A_1 : vector<16xi1>, vector<16xi32>
      %parallel_loop3A_297 = arith.constant true
      %parallel_loop3A_298 = vector.broadcast %parallel_loop3A_297 : i1 to vector<16xi1>
      %parallel_loop3A_299 = arith.constant -2147483648 : i32
      %parallel_loop3A_300 = vector.broadcast %parallel_loop3A_299 : i32 to vector<16xi32>
      %parallel_loop3A_301 = arith.xori %parallel_loop3A_296, %parallel_loop3A_300 : vector<16xi32>
      %parallel_loop3A_302 = tpu.scan <max>, %parallel_loop3A_301 masked %parallel_loop3A_298 : vector<16xi32>, vector<16xi1> -> vector<16xi32>
      %parallel_loop3A_303 = arith.xori %parallel_loop3A_302, %parallel_loop3A_300 : vector<16xi32>
      %parallel_loop3A_304 = vector.extract %parallel_loop3A_303[15] : i32 from vector<16xi32>
      %parallel_loop3A_305 = arith.maxsi %parallel_loop3A_274, %parallel_loop3A_304 : i32
      %parallel_loop3A_306 = arith.constant true
      %parallel_loop3A_307 = vector.broadcast %parallel_loop3A_306 : i1 to vector<16xi1>
      %parallel_loop3A_308 = arith.constant -2147483648 : i32
      %parallel_loop3A_309 = vector.broadcast %parallel_loop3A_308 : i32 to vector<16xi32>
      %parallel_loop3A_310 = arith.xori %parallel_loop3A_287, %parallel_loop3A_309 : vector<16xi32>
      %parallel_loop3A_311 = tpu.scan <max>, %parallel_loop3A_310 masked %parallel_loop3A_307 : vector<16xi32>, vector<16xi1> -> vector<16xi32>
      %parallel_loop3A_312 = arith.xori %parallel_loop3A_311, %parallel_loop3A_309 : vector<16xi32>
      %parallel_loop3A_313 = vector.extract %parallel_loop3A_312[15] : i32 from vector<16xi32>
      scf.yield %parallel_loop3A_313, %parallel_loop3A_295, %parallel_loop3A_305 : i32, i32, i32
    } {sc.loop_unroll_factor = 2 : i64, sc.parallel_access}
    %shift_left3A_260 = arith.constant 10 : i32
    %shift_left3A_261 = arith.shli %or3A_249, %shift_left3A_260 : i32
    %or3A_262 = arith.ori %shift_left3A_261, %parallel_loop3A_259#1 : i32
    %broadcast_in_dim3A_263 = arith.constant 3 : i32
    %broadcast_in_dim3A_264 = vector.broadcast %broadcast_in_dim3A_263 : i32 to vector<16xi32>
    %eq3A_265 = arith.cmpi eq, %iota3A, %broadcast_in_dim3A_264 : vector<16xi32>
    %broadcast_in_dim3A_266 = vector.broadcast %or3A_262 : i32 to vector<16xi32>
    %select_n3A_267 = arith.select %eq3A_265, %broadcast_in_dim3A_266, %select_n3A_207 : vector<16xi1>, vector<16xi32>
    %swap3A = arith.constant 0 : index
    %swap3A_268 = tpu.vector_load %arg8[%swap3A] {strides = array<i32>} : memref<16xi32, #tpu.memory_space<vmem>>, vector<16xi32>,
    tpu.vector_store %arg8[%swap3A], %select_n3A_267 {strides = array<i32>} : memref<16xi32, #tpu.memory_space<vmem>>, vector<16xi32>,
    %mul3A_269 = arith.constant 16 : i32
    %mul3A_270 = arith.muli %add3A, %mul3A_269 : i32
    "tpu.region"() ({
      %run_scoped3A = tpu.sem_alloc : memref<!tpu.dma_semaphore, #tpu.memory_space<semaphore_mem>>
      %dma_start3A_271 = tpu.memref_slice %arg3[%mul3A_270] : memref<512xi32, #tpu.memory_space<hbm>> -> memref<16xi32, #tpu.memory_space<hbm>>
      %dma_start3A_272 = tpu.memref_slice %arg3[%mul3A_270] : memref<512xi32, #tpu.memory_space<hbm>> -> memref<16xi32, #tpu.memory_space<hbm>>
      tpu.enqueue_dma source(%arg8 : memref<16xi32, #tpu.memory_space<vmem>>) target(%dma_start3A_272 : memref<16xi32, #tpu.memory_space<hbm>>) target_semaphore(%run_scoped3A : memref<!tpu.dma_semaphore, #tpu.memory_space<semaphore_mem>>)
      %dma_wait3A_273 = tpu.memref_slice %arg3[%mul3A_270] : memref<512xi32, #tpu.memory_space<hbm>> -> memref<16xi32, #tpu.memory_space<hbm>>
      %dma_wait3A_274 = tpu.memref_slice %arg3[%mul3A_270] : memref<512xi32, #tpu.memory_space<hbm>> -> memref<16xi32, #tpu.memory_space<hbm>>
      tpu.wait_dma2 semaphore(%run_scoped3A : memref<!tpu.dma_semaphore, #tpu.memory_space<semaphore_mem>>) src(%arg8 : memref<16xi32, #tpu.memory_space<vmem>>) dst(%dma_wait3A_274 : memref<16xi32, #tpu.memory_space<hbm>>)
      tpu.yield
    }) : () -> ()
    return
  }
}

module attributes {stable_mosaic.version = 14 : i64} {
  func.func @_mask_body(%arg0: i32, %arg1: i32, %arg2: memref<16x1xf32, #tpu.memory_space<vmem>>, %arg3: memref<16x32768xf32, #tpu.memory_space<vmem>>, %arg4: memref<16x32768xf32, #tpu.memory_space<vmem>>, %arg5: memref<16x32768xf32, #tpu.memory_space<vmem>>) attributes {dimension_semantics = [#tpu.dimension_semantics<arbitrary>, #tpu.dimension_semantics<arbitrary>], iteration_bounds = array<i64: 8, 1>, scalar_prefetch = 0 : i64, scratch_operands = 0 : i64, tpu.core_type = #tpu.core_type<tc>, window_params = [{transform_indices = @transform_0, window_bounds = array<i64: 16, 1>}, {transform_indices = @transform_1, window_bounds = array<i64: 16, 32768>}, {transform_indices = @transform_2, window_bounds = array<i64: 16, 32768>}, {transform_indices = @transform_3, window_bounds = array<i64: 16, 32768>}]} {
    %get3A = arith.constant 0 : index
    %get3A_0 = arith.constant 0 : index
    %get3A_1 = vector.load %arg3[%get3A, %get3A_0] : memref<16x32768xf32, #tpu.memory_space<vmem>>, vector<16x32768xf32>
    %abs3A = math.absf %get3A_1 : vector<16x32768xf32>
    %get3A_2 = arith.constant 0 : index
    %get3A_3 = arith.constant 0 : index
    %get3A_4 = vector.load %arg2[%get3A_2, %get3A_3] : memref<16x1xf32, #tpu.memory_space<vmem>>, vector<16x1xf32>
    %ge3A = vector.broadcast %get3A_4 : vector<16x1xf32> to vector<16x32768xf32>
    %ge3A_5 = arith.cmpf oge, %abs3A, %ge3A : vector<16x32768xf32>
    %jit3A = arith.constant 0.000000e+00 : f32
    %broadcast_in_dim3A = vector.broadcast %jit3A : f32 to vector<16x32768xf32>
    %select_n3A = arith.select %ge3A_5, %get3A_1, %broadcast_in_dim3A : vector<16x32768xi1>, vector<16x32768xf32>
    %swap3A = arith.constant 0 : index
    %swap3A_6 = arith.constant 0 : index
    %swap3A_7 = vector.load %arg4[%swap3A, %swap3A_6] : memref<16x32768xf32, #tpu.memory_space<vmem>>, vector<16x32768xf32>
    tpu.vector_store %arg4[%swap3A, %swap3A_6], %select_n3A {strides = array<i32>} : memref<16x32768xf32, #tpu.memory_space<vmem>>, vector<16x32768xf32>,
    %convert_element_type3A = arith.extui %ge3A_5 : vector<16x32768xi1> to vector<16x32768xi32>
    %convert_element_type3A_8 = arith.sitofp %convert_element_type3A : vector<16x32768xi32> to vector<16x32768xf32>
    %swap3A_9 = arith.constant 0 : index
    %swap3A_10 = arith.constant 0 : index
    %swap3A_11 = vector.load %arg5[%swap3A_9, %swap3A_10] : memref<16x32768xf32, #tpu.memory_space<vmem>>, vector<16x32768xf32>
    tpu.vector_store %arg5[%swap3A_9, %swap3A_10], %convert_element_type3A_8 {strides = array<i32>} : memref<16x32768xf32, #tpu.memory_space<vmem>>, vector<16x32768xf32>,
    return
  }
  func.func @transform_0(%arg0: i32, %arg1: i32) -> (i32, i32) {
    %c0_i32 = arith.constant 0 : i32
    %c0_i32_0 = arith.constant 0 : i32
    return %arg0, %c0_i32 : i32, i32
  }
  func.func @transform_1(%arg0: i32, %arg1: i32) -> (i32, i32) {
    %c0_i32 = arith.constant 0 : i32
    return %arg0, %arg1 : i32, i32
  }
  func.func @transform_2(%arg0: i32, %arg1: i32) -> (i32, i32) {
    %c0_i32 = arith.constant 0 : i32
    return %arg0, %arg1 : i32, i32
  }
  func.func @transform_3(%arg0: i32, %arg1: i32) -> (i32, i32) {
    %c0_i32 = arith.constant 0 : i32
    return %arg0, %arg1 : i32, i32
  }
}

</mosaic_0001>

<sc_bundles>
// kernel: kernel.4.cloned.1.call-start
scs
__scs_entry_jumppad:
0x0: {  	(pc) =	sbr.rel $0x88, $3  }
0x1: {  	(tag) =	ssettag $0x0;
	lr =	simm.s32 $0x1  }
0x2: {  	[smem:$0x3FA0] =	sst lr;
	_ =	strace $0xD0000000  }
0x3: {  	_ = 	snop  }
0x4: {  	_ = 	snop  }
0x5: {  	_ = 	snop  }
0x6: {  	_ = 	snop  }
0x7: {  	_ = 	snop  }
__scs_overlays_trampoline_lowered:
0x8: {  	[smem:$0x3FAF] =	sst s0  }
0x9: {  	[smem:$0x3FB0] =	sst s1  }
0xa: {  	[smem:$0x3FB1] =	sst s2  }
0xb: {  	[smem:$0x3FB2] =	sst s3  }
0xc: {  	[smem:$0x3FB3] =	sst s4  }
0xd: {  	[smem:$0x3FB4] =	sst s5  }
0xe: {  	[smem:$0x3FB5] =	sst s6  }
0xf: {  	[smem:$0x3FB6] =	sst s7  }
0x10: {  	[smem:$0x3FB7] =	sst s8  }
0x11: {  	[smem:$0x3FB8] =	sst s9;
	s0 =	simm.s32 @!p0 $0x0  }
0x12: {  	s1 =	sld [smem:$0x3F9E];
	s0 =	simm.s32 @p0 $0x1  }
0x13: {  	[smem:$0x3FB9] =	sst s0;
	s0 =	simm.s32 @!p1 $0x0  }
0x14: {  	s2 =	sld [smem:$0x3F9D];
	s0 =	simm.s32 @p1 $0x1  }
0x15: {  	[smem:$0x3FBA] =	sst s0;
	s0 =	simm.s32 @!p2 $0x0  }
0x16: {  	s3 =	sld [smem:$0x3FDB];
	s0 =	simm.s32 @p2 $0x1  }
0x17: {  	s4 =	simm.s32 $0x1BF5;
	[smem:$0x3FBC] =	sst s0  }
0x18: {  	s0 =	sld [smem:$0x3F9F];
	_ =	swait.ge [sflag:s4], $0x0  }
0x19: {  	s7 =	sld [smem:$0x3FA0]  }
0x1a: {  	s8 =	sadd.s32 $0xFFFFE003, lr  }
0x1b: {  	s9 =	sadd.s32 $0xFFFFFEF7, lr;
	s5 =	simm.s32 $0xFFFFFFFF;
	p2 =	slt.u32 s8, $0xFFFFF086  }
0x1c: {  	p1 =	slt.u32 s9, $0xF7A;
	s5 =	simm.s32 @!p2 $0x0  }
0x1d: {  	s5 =	simm.s32 @p1 $0x1;
	p0 =	seq.s32 s7, s2  }
0x1e: {  	s7 =	smul.u32 @!p0 $0xF7A, s2;
	p2 =	seq.s32 @!p0 s5, $0x0  }
0x1f: {  	s9 =	smul.u32 $0xF7A, s1;
	s8 =	simm.s32 @!p0 $0x1BF5;
	p2 =	por !p2, p0  }
0x20: {  	[sflag:s8] =	ssyncset.s32 @!p0 $0xFFFFF086;
	s6 =	sadd.s32 @!p0 s3, s7;
	s7 =	simm.s32 @!p0 $0x108  }
0x21: {  	s3 =	sadd.s32 s3, s9;
	s6 =	sadd.s32 @!p0 $0x88, s6;
	s7 =	simm.s32 @p2 $0x1082  }
0x22: {  	[simem:s7], [sflag:s8] =	dma.local @!p0 [hbm:s6], $0xF7A  }
0x23: {  	s9 =	sor.u32 $0xD0000000, s2;
	s6 =	simm.s32 $0x108;
	_ =	swait.ge @!p0 [sflag:s8], $0x0  }
0x24: {  	s3 =	sadd.s32 $0x88, s3;
	s6 =	simm.s32 @!p1 $0x1082;
	[sflag:s4] =	ssyncset.s32 $0xFFFFF086  }
0x25: {  	[simem:s6], [sflag:s4] =	dma.local [hbm:s3], $0xF7A  }
0x26: {  	[smem:$0x3FA0] =	sst s1;
	(tag) =	ssettag s2;
	_ =	strace s9  }
0x27: {  	s1 =	sld [smem:$0x3FB0]  }
0x28: {  	s2 =	sld [smem:$0x3FB1]  }
0x29: {  	s4 =	sld [smem:$0x3FB3]  }
0x2a: {  	p0 =	seq.s32 s5, $0x0;
	s5 =	sld [smem:$0x3FB4]  }
0x2b: {  	s6 =	sld [smem:$0x3FB5]  }
0x2c: {  	s7 =	sld [smem:$0x3FB6]  }
0x2d: {  	s3 =	simm.s32 $0x108;
	s8 =	sld [smem:$0x3FB7]  }
0x2e: {  	s3 =	simm.s32 @!p0 $0x1082;
	s9 =	sld [smem:$0x3FB8]  }
0x2f: {  	lr =	sadd.s32 s0, s3;
	s0 =	sld [smem:$0x3FAF]  }
0x30: {  	s3 =	sld [smem:$0x3FB2]  }
0x31: {  	[smem:$0x3FBB] =	sst s10  }
0x32: {  	s10 =	sld [smem:$0x3FB9];
	_ =	sdelay $0x3  }
0x33: {  	p0 =	seq.s32 s10, $0x1;
	s10 =	sld [smem:$0x3FBB];
	_ =	sdelay $0x3  }
0x34: {  	[smem:$0x3FBB] =	sst s10  }
0x35: {  	s10 =	sld [smem:$0x3FBA];
	_ =	sdelay $0x3  }
0x36: {  	p1 =	seq.s32 s10, $0x1;
	s10 =	sld [smem:$0x3FBB];
	_ =	sdelay $0x3  }
0x37: {  	[smem:$0x3FBB] =	sst s10  }
0x38: {  	s10 =	sld [smem:$0x3FBC]  }
0x39: {  	_ = 	snop;
	(pc) =	sbr.ind lr, $3  }
0x3a: {  	_ = 	snop  }
0x3b: {  	_ = 	snop  }
0x3c: {  	p2 =	seq.s32 s10, $0x1;
	s10 =	sld [smem:$0x3FBB]  }
0x3d: {  	_ =	shalt  }
0x3e: {  	_ =	shalt  }
0x3f: {  	_ =	shalt  }
0x40: {  	_ =	shalt  }
0x41: {  	_ =	shalt  }
0x42: {  	_ =	shalt  }
0x43: {  	_ =	shalt  }
0x44: {  	_ =	shalt  }
0x45: {  	_ =	shalt  }
0x46: {  	_ =	shalt  }
0x47: {  	_ =	shalt  }
0x48: {  	_ =	shalt  }
0x49: {  	_ =	shalt  }
0x4a: {  	_ =	shalt  }
0x4b: {  	_ =	shalt  }
0x4c: {  	_ =	shalt  }
0x4d: {  	_ =	shalt  }
0x4e: {  	_ =	shalt  }
0x4f: {  	_ =	shalt  }
0x50: {  	_ =	shalt  }
0x51: {  	_ =	shalt  }
0x52: {  	_ =	shalt  }
0x53: {  	_ =	shalt  }
0x54: {  	_ =	shalt  }
0x55: {  	_ =	shalt  }
0x56: {  	_ =	shalt  }
0x57: {  	_ =	shalt  }
0x58: {  	_ =	shalt  }
0x59: {  	_ =	shalt  }
0x5a: {  	_ =	shalt  }
0x5b: {  	_ =	shalt  }
0x5c: {  	_ =	shalt  }
0x5d: {  	_ =	shalt  }
0x5e: {  	_ =	shalt  }
0x5f: {  	_ =	shalt  }
0x60: {  	_ =	shalt  }
0x61: {  	_ =	shalt  }
0x62: {  	_ =	shalt  }
0x63: {  	_ =	shalt  }
0x64: {  	_ =	shalt  }
0x65: {  	_ =	shalt  }
0x66: {  	_ =	shalt  }
0x67: {  	_ =	shalt  }
0x68: {  	_ =	shalt  }
0x69: {  	_ =	shalt  }
0x6a: {  	_ =	shalt  }
0x6b: {  	_ =	shalt  }
0x6c: {  	_ =	shalt  }
0x6d: {  	_ =	shalt  }
0x6e: {  	_ =	shalt  }
0x6f: {  	_ =	shalt  }
0x70: {  	_ =	shalt  }
0x71: {  	_ =	shalt  }
0x72: {  	_ =	shalt  }
0x73: {  	_ =	shalt  }
0x74: {  	_ =	shalt  }
0x75: {  	_ =	shalt  }
0x76: {  	_ =	shalt  }
0x77: {  	_ =	shalt  }
0x78: {  	_ =	shalt  }
0x79: {  	_ =	shalt  }
0x7a: {  	_ =	shalt  }
0x7b: {  	_ =	shalt  }
0x7c: {  	_ =	shalt  }
0x7d: {  	_ =	shalt  }
0x7e: {  	_ =	shalt  }
0x7f: {  	_ =	shalt  }
0x80: {  	_ =	shalt  }
0x81: {  	_ =	shalt  }
0x82: {  	_ =	shalt  }
0x83: {  	_ =	shalt  }
0x84: {  	_ =	shalt  }
0x85: {  	_ =	shalt  }
0x86: {  	_ =	shalt  }
0x87: {  	_ =	shalt  }
.Lfunc_end0:
.L_simem_size_0:
called_computation_lowered:
.L_overlay_start_0:
0x88: {  	s2 =	sld [smem:$0x3FD9]  }
0x89: {  	s3 =	sld [smem:$0x3FFE];
	_ =	sdelay $0x1  }
0x8a: {  	s1 =	srdreg.scid  }
0x8b: {  	s0 =	sand.u32 $0x1, s1  }
0x8c: {  	s15 =	sshll.u32 s0, $0xA;
	s2 =	sadd.s32 s3, s2  }
0x8d: {  	s2 =	sadd.s32 s2, s15  }
0x8e: {  	[smem:$0x3FC7] =	sst s2  }
0x8f: {  	_ = 	snop  }
0x90: {  	s2 =	sld [smem:$0x3FD0];
	_ =	sdelay $0x2  }
0x91: {  	s16 =	simm.s32 $0xA;
	s4 =	simm.s32 $0x10  }
0x92: {  	[smem:s4], [sflag:s16] =	dma.local [hbm:s2], $0x1  }
0x93: {  	_ =	swait.eq [sflag:s16], $0x1  }
0x94: {  	[sflag:s16] =	ssyncset.done $0x0  }
0x95: {  	s17 =	sld [smem:$0x10];
	[sflag:s16] =	ssyncadd.s32 $0xFFFFFFFF  }
0x96: {  	s18 =	sld [smem:$0x11];
	(tm) =	ssettm $0x1  }
0x97: {  	s19 =	sld [smem:$0x3FFB];
	_ =	sdelay $0x3  }
0x98: {  	_ =	strace s19  }
0x99: {  	s4 =	sld [smem:$0x3FFC];
	_ =	sdelay $0x3  }
0x9a: {  	_ =	strace s4  }
0x9b: {  	s4 =	sld [smem:$0x3FFD];
	_ =	sdelay $0x3  }
0x9c: {  	_ =	strace s4  }
0x9d: {  	_ =	strace $0x8FFFFFFF  }
0x9e: {  	s20 =	sld [smem:$0x3FDB];
	_ =	sdelay $0x1  }
0x9f: {  	s5 =	simm.s32 $_scs_section_size  }
0xa0: {  	s6 =	simm.s32 $_size__tile_overlayer_lowered;
	s7 =	simm.s32 $_tile_overlayer_lowered  }
0xa1: {  	s23 =	simm.s32 $0x1BFF;
	s22 =	sshll.u32 s7, $0x1;
	s4 =	sadd.s32 s5, s20  }
0xa2: {  	s8 =	simm.s32 $0x0;
	s21 =	sshll.u32 s6, $0x1;
	s6 =	sadd.s32 s22, s4  }
0xa3: {  	[timem:s8], [sflag:s23] =	dma.local [hbm:s6], s21  }
0xa4: {  	_ =	swait.ge [sflag:s23], s21  }
0xa5: {  	s5 =	ssub.s32 $0x0, s21;
	[sflag:s23] =	ssyncset.done $0x0  }
0xa6: {  	[sflag:s23] =	ssyncadd.s32 s5;
	_ =	sdelay $0x1  }
0xa7: {  	s24 =	simm.s32 $0x1B8B  }
0xa8: {  	_ =	swait.ge [sflag:s24], $0x1  }
0xa9: {  	[sflag:s24] =	ssyncset.done $0x0  }
0xaa: {  	s25 =	simm.s32 $0x1B8E;
	[sflag:s24] =	ssyncadd.s32 $0xFFFFFFFF  }
0xab: {  	s26 =	simm.s32 $execute0_lowered;
	[smem:$0x3FD2] =	sst s25  }
0xac: {  	s5 =	sshll.u32 s26, $0x1;
	_ =	strace $0x80000046;
	[dreg:$0x1] =	wrdreg $0xFFFFFFFF  }
0xad: {  	s28 =	simm.s32 $_size_execute0_lowered;
	s4 =	sadd.s32 s4, s5;
	[dreg:$0x0] =	wrdreg $0x0  }
0xae: {  	s5 =	sshll.u32 s28, $0x1;
	[dreg:$0x2] =	wrdreg s4  }
0xaf: {  	[dreg:$0x3] =	wrdreg s5  }
0xb0: {  	[dreg:$0x4] =	wrdreg $0xC0  }
0xb1: {  	_ =	task [dreg:s8], $0x5FFFF  }
0xb2: {  	[dreg:$0x1] =	wrdreg $0xFFFFFFFF  }
0xb3: {  	[dreg:$0x0] =	wrdreg $0x60  }
0xb4: {  	[dreg:$0x2] =	wrdreg s18  }
0xb5: {  	[dreg:$0x3] =	wrdreg s17  }
0xb6: {  	[dreg:$0x4] =	wrdreg $0x9  }
0xb7: {  	_ =	task.clear_ibuf [dreg:s8], $0x5FFFF;
	_ =	strace $0x90000046  }
0xb8: {  	s29 =	simm.s32 $0x9;
	_ =	strace $0x80000048  }
0xb9: {  	_ =	swait.ge [sflag:s29], $0x1  }
0xba: {  	[sflag:s29] =	ssyncadd.s32 $0xFFFFFFFF  }
0xbb: {  	_ =	strace $0x90000048  }
0xbc: {  	_ =	sfence  }
0xbd: {  	s30 =	sld [smem:$0x0];
	_ =	sdelay $0x2  }
0xbe: {  	s31 =	sshll.u32 s1, $0xD;
	s1 =	sshrl.u32 s1, $0x2  }
0xbf: {  	s3 =	sand.u32 $0x4000, s31;
	s1 =	sadd.s32 s1, s30  }
0xc0: {  	s0 =	sor.u32 s3, s0;
	s1 =	sshll.u32 s1, $0x11  }
0xc1: {  	s0 =	sor.u32 s1, s0  }
0xc2: {  	s0 =	sadd.s32 $0x8F2B, s0  }
0xc3: {  	[sflag:s0] =	ssyncadd.remote.s32 $0x1  }
0xc4: {  	_ =	sfence.sel $0xFFFF  }
0xc5: {  	[dreg:$0x0] =	wrdreg $0xFFFFFFFF;
	(pc) =	sbr.abs _section_cstart, $3  }
0xc6: {  	[dreg:$0x1] =	wrdreg $0xFFFFFFFF  }
0xc7: {  	_ =	task.clear_ibuf [dreg:s8], $0x2FFFF;
	_ =	strace $0x9FFFFFFF  }
0xc8: {  	(tm) =	ssettm $0x7FFFFFFF  }
0xc9: {  	_ =	shalt  }
tec
execute0_lowered:
.L_overlay_start_1:
0x0: {  	(tag) =	ssettag $0x1  }
0x1: {  	s3 =	rddreg [dreg:$0x0];
	s1 =	srdreg.scid  }
0x2: {  	s0 =	stileid.u32;
	s7 =	rddreg [dreg:$0x1];
	s10 =	simm.s32 $0x8000  }
0x3: {  	s11 =	simm.s32 $0x10000;
	s12 =	simm.s32 $0x2;
	s13 =	simm.s32 $0x18800  }
0x4: {  	s14 =	simm.s32 $0x3;
	s4 =	sand.u32 $0x1, s1;
	s2 =	sshll.u32 s0, $0x1  }
0x5: {  	s15 =	simm.s32 $0x0;
	s1 =	rddreg [dreg:$0x2];
	s8 =	sor.u32 s4, s2  }
0x6: {  	s2 =	simm.s32 $0x0;
	s4 =	ssub.s32 $0x2, s4;
	s5 =	sshll.u32 s8, $0xE  }
0x7: {  	[smem:$0x7FF] =	sst s2;
	s6 =	sshrl.u32 s4, $0x1;
	s8 =	sshll.u32 s8, $0x1  }
0x8: {  	s3 =	sadd.s32 s3, s5;
	_ =	strace $0x80000047;
	s9 =	ssub.s32 s4, s6  }
0x9: {  	v0 =	vimm.s32 $0x0;
	s7 =	sadd.s32 s7, s8;
	s4 =	sadd.s32 $0x1000, s3;
	s5 =	sadd.s32 $0x2000, s3  }
0xa: {  	v1 =	vimm.s32 $0x1;
	vm0 =	vcmask $0x300;
	v2 =	vlaneseq.u32;
	s6 =	sadd.s32 $0x3000, s3;
	s8 =	smax.u32 s9, $0x1;
	s9 =	simm.s32 $0x1  }
.LBB2_1:
0xb: {  	s16 =	simm.s32 $0x10040  }
0xc: {  	[tilespmem:s16+$0xFFFFFFC0] =	vst v0  }
0xd: {  	[tilespmem:s16+$0x30] =	vst v0  }
0xe: {  	[tilespmem:s16+$0x20] =	vst v0  }
0xf: {  	[tilespmem:s16+$0x10] =	vst v0  }
0x10: {  	[tilespmem:s16+$0x0] =	vst v0  }
0x11: {  	[tilespmem:s16+$0xFFFFFFF0] =	vst v0  }
0x12: {  	s17 =	simm.s32 $0x0;
	[tilespmem:s16+$0xFFFFFFE0] =	vst v0  }
.LBB2_2:
0x13: {  	s17 =	sadd.s32 $0x8, s17;
	[tilespmem:s16+$0xFFFFFFD0] =	vst v0;
	s16 =	sadd.s32 $0x80, s16  }
0x14: {  	[tilespmem:s16+$0xFFFFFFC0] =	vst v0;
	p0 =	slt.u32 s17, $0x78  }
0x15: {  	[tilespmem:s16+$0x30] =	vst v0  }
.Ltmp0:
0x16: {  	[tilespmem:s16+$0x20] =	vst v0;
	(pc) =	sbr.rel @p0 .LBB2_2-.Ltmp0, $4  }
0x17: {  	[tilespmem:s16+$0x10] =	vst v0  }
0x18: {  	[tilespmem:s16+$0x0] =	vst v0  }
0x19: {  	[tilespmem:s16+$0xFFFFFFF0] =	vst v0  }
0x1a: {  	[tilespmem:s16+$0xFFFFFFE0] =	vst v0  }
0x1b: {  	[tilespmem:s16+$0xFFFFFFD0] =	vst v0  }
0x1c: {  	[tilespmem:s2], [sflag:$0x1] =	stream.linear.gather [hbm4b:s3+s2], $0x8000, $0x38;
	[tilespmem:$0x18880] =	vst v63  }
0x1d: {  	_ =	swait.ge [sflag:s9], $0x8000  }
0x1e: {  	[sflag:s9] =	ssyncset.done $0x0  }
0x1f: {  	s31 =	simm.s32 $0x40;
	[sflag:s9] =	ssyncadd.s32 $0xFFFF8000  }
0x20: {  	[tilespmem:s10], [sflag:$0x2] =	stream.linear.gather [hbm4b:s4+s2], $0x8000, $0x38;
	[tilespmem:$0x18880] =	vst v63  }
0x21: {  	v3 =	vld [tilespmem:s31+$0x30]  }
0x22: {  	v4 =	vld [tilespmem:s31+$0xFFFFFFD0]  }
0x23: {  	v5 =	vld [tilespmem:s31+$0xFFFFFFE0]  }
0x24: {  	v6 =	vld [tilespmem:s31+$0xFFFFFFF0]  }
0x25: {  	v7 =	vld [tilespmem:s31+$0x0]  }
0x26: {  	v3 =	vshrl.u32 v3, $0x14  }
0x27: {  	v4 =	vshrl.u32 v4, $0x14;
	v3 =	vand.u32 $0x7FF, v3  }
0x28: {  	v8 =	vld [tilespmem:s31+$0x10];
	v5 =	vshrl.u32 v5, $0x14;
	v4 =	vand.u32 $0x7FF, v4  }
0x29: {  	v9 =	vld [tilespmem:s31+$0x20];
	v6 =	vshrl.u32 v6, $0x14;
	v5 =	vand.u32 $0x7FF, v5  }
0x2a: {  	v10 =	vld [tilespmem:s31+$0xFFFFFFC0];
	v7 =	vshrl.u32 v7, $0x14;
	v6 =	vand.u32 $0x7FF, v6  }
0x2b: {  	v7 =	vand.u32 $0x7FF, v7  }
0x2c: {  	[tilespmem:v3+s11+$0x0] =	vst.idx.add.s32.msk $0xffff, v1  }
0x2d: {  	[tilespmem:v4+s11+$0x0] =	vst.idx.add.s32.msk $0xffff, v1  }
0x2e: {  	[tilespmem:v5+s11+$0x0] =	vst.idx.add.s32.msk $0xffff, v1  }
0x2f: {  	v3 =	vshrl.u32 v8, $0x14;
	v4 =	vshrl.u32 v9, $0x14;
	v5 =	vshrl.u32 v10, $0x14;
	[tilespmem:v6+s11+$0x0] =	vst.idx.add.s32.msk $0xffff, v1  }
0x30: {  	s17 =	simm.s32 $0x0;
	s16 =	simm.s32 $0x10010;
	s18 =	simm.s32 $0xC0;
	[tilespmem:v7+s11+$0x0] =	vst.idx.add.s32.msk $0xffff, v1;
	v3 =	vand.u32 $0x7FF, v3;
	v4 =	vand.u32 $0x7FF, v4;
	v5 =	vand.u32 $0x7FF, v5  }
.LBB2_4:
0x31: {  	v6 =	vld [tilespmem:s18+$0x30];
	s17 =	sadd.s32 $0x8, s17  }
0x32: {  	v7 =	vld [tilespmem:s18+$0xFFFFFFD0];
	p0 =	slt.u32 s17, $0x7F8  }
0x33: {  	v8 =	vld [tilespmem:s18+$0xFFFFFFE0]  }
0x34: {  	v9 =	vld [tilespmem:s18+$0xFFFFFFF0]  }
0x35: {  	v10 =	vld [tilespmem:s18+$0x0]  }
0x36: {  	v11 =	vld [tilespmem:s18+$0x10];
	v6 =	vshrl.u32 v6, $0x14  }
0x37: {  	v7 =	vshrl.u32 v7, $0x14;
	v12 =	vld [tilespmem:s18+$0x20];
	v6 =	vand.u32 $0x7FF, v6  }
0x38: {  	v13 =	vld [tilespmem:s18+$0xFFFFFFC0];
	v7 =	vand.u32 $0x7FF, v7;
	v8 =	vshrl.u32 v8, $0x14  }
0x39: {  	v8 =	vand.u32 $0x7FF, v8;
	v9 =	vshrl.u32 v9, $0x14;
	[tilespmem:v5+s11+$0x0] =	vst.idx.add.s32.msk $0xffff, v1  }
0x3a: {  	v9 =	vand.u32 $0x7FF, v9;
	v5 =	vshrl.u32 v10, $0x14;
	[tilespmem:v3+s11+$0x0] =	vst.idx.add.s32.msk $0xffff, v1  }
0x3b: {  	v10 =	vand.u32 $0x7FF, v5;
	v3 =	vshrl.u32 v11, $0x14;
	[tilespmem:v4+s11+$0x0] =	vst.idx.add.s32.msk $0xffff, v1  }
.Ltmp1:
0x3c: {  	s20 =	simm.s32 $0x0;
	v3 =	vand.u32 $0x7FF, v3;
	v4 =	vshrl.u32 v12, $0x14;
	[tilespmem:v6+s11+$0x0] =	vst.idx.add.s32.msk $0xffff, v1;
	(pc) =	sbr.rel @p0 .LBB2_4-.Ltmp1, $4  }
0x3d: {  	v5 =	vshrl.u32 v13, $0x14;
	[tilespmem:v7+s11+$0x0] =	vst.idx.add.s32.msk $0xffff, v1;
	v4 =	vand.u32 $0x7FF, v4  }
0x3e: {  	v5 =	vand.u32 $0x7FF, v5;
	[tilespmem:v8+s11+$0x0] =	vst.idx.add.s32.msk $0xffff, v1  }
0x3f: {  	[tilespmem:v9+s11+$0x0] =	vst.idx.add.s32.msk $0xffff, v1  }
0x40: {  	s18 =	sadd.s32 $0x80, s18;
	[tilespmem:v10+s11+$0x0] =	vst.idx.add.s32.msk $0xffff, v1  }
0x41: {  	_ =	sdelay $0x3  }
0x42: {  	[tilespmem:v5+s11+$0x0] =	vst.idx.add.s32.msk $0xffff, v1  }
0x43: {  	[tilespmem:v3+s11+$0x0] =	vst.idx.add.s32.msk $0xffff, v1  }
0x44: {  	[tilespmem:v4+s11+$0x0] =	vst.idx.add.s32.msk $0xffff, v1  }
0x45: {  	v3 =	vld [tilespmem:s16+$0xFFFFFFF0];
	_ =	sdelay $0x4  }
0x46: {  	(xrf0) =	vadd.scan.msk.s32 $0xffff, v3;
	_ =	sdelay $0x5  }
0x47: {  	v3, _, _ =	vpop (xrf0)  }
0x48: {  	v3 =	vadd.s32 s20, v3  }
0x49: {  	v4 =	vxor.u32 $0x80000000, v3  }
0x4a: {  	(xrf0) =	vmax.scan.msk.u32 $0xffff, v4;
	_ =	sdelay $0x5  }
0x4b: {  	v5, _, _ =	vpop (xrf0)  }
0x4c: {  	vm1 =	vlt.s32 v3, $0x4000;
	(v2sf) =	vpush v5, $0xF  }
0x4d: {  	v3 =	vnsel vm1, $0x80000000, v4  }
0x4e: {  	(xrf0) =	vmax.scan.msk.u32 $0xffff, v3  }
0x4f: {  	v3 =	vsel vm1, $0x1, v0  }
0x50: {  	(xrf0) =	vadd.scan.msk.s32 $0xffff, v3  }
0x51: {  	v3 =	vld [tilespmem:s16+$0x0];
	_ =	sdelay $0x2  }
0x52: {  	v4, _, _ =	vpop (xrf0)  }
0x53: {  	(v2sf) =	vpush v4, $0xF  }
0x54: {  	(xrf0) =	vadd.scan.msk.s32 $0xffff, v3;
	v4, _, _ =	vpop (xrf0)  }
0x55: {  	(v2sf) =	vpush v4, $0xF;
	_ =	sdelay $0x3  }
0x56: {  	s17 =	spop (v2sf)  }
0x57: {  	v3, _, _ =	vpop (xrf0);
	s17 =	sxor.u32 $0x80000000, s17  }
0x58: {  	v3 =	vadd.s32 s17, v3  }
0x59: {  	vm1 =	vlt.s32 v3, $0x4000;
	v3 =	vxor.u32 $0x80000000, v3  }
0x5a: {  	v4 =	vnsel vm1, $0x80000000, v3;
	(xrf0) =	vmax.scan.msk.u32 $0xffff, v3  }
0x5b: {  	v3 =	vsel vm1, $0x1, v0;
	(xrf0) =	vmax.scan.msk.u32 $0xffff, v4  }
0x5c: {  	(xrf0) =	vadd.scan.msk.s32 $0xffff, v3;
	_ =	sdelay $0x2  }
0x5d: {  	s31 =	spop (v2sf)  }
0x5e: {  	s18 =	sxor.u32 $0x80000000, s31;
	v3, _, _ =	vpop (xrf0)  }
0x5f: {  	[tilespmem:s16+$0xFFFFFFF0] =	vst v0;
	p0 =	slt.s32 s18, $0x0;
	s19 =	spop (v2sf);
	v4, _, _ =	vpop (xrf0);
	(v2sf) =	vpush v3, $0xF  }
0x60: {  	[tilespmem:s16+$0x0] =	vst v0;
	s17 =	simm.s32 $0x0;
	s18 =	smov.u32 @p0 s20;
	s19 =	sadd.s32 $0x0, s19;
	v3, _, _ =	vpop (xrf0);
	(v2sf) =	vpush v4, $0xF  }
.LBB2_6:
0x61: {  	s17 =	sadd.s32 $0x2, s17;
	(v2sf) =	vpush v3, $0xF  }
0x62: {  	p0 =	slt.u32 s17, $0x7E  }
0x63: {  	s16 =	sadd.s32 $0x20, s16  }
0x64: {  	v3 =	vld [tilespmem:s16+$0xFFFFFFF0];
	[tilespmem:s16+$0xFFFFFFF0] =	vst v0;
	_ =	sdelay $0x4  }
0x65: {  	(xrf0) =	vadd.scan.msk.s32 $0xffff, v3;
	_ =	sdelay $0x4  }
0x66: {  	s20 =	spop (v2sf)  }
0x67: {  	v3, _, _ =	vpop (xrf0);
	s20 =	sxor.u32 $0x80000000, s20;
	s21 =	spop (v2sf)  }
0x68: {  	v3 =	vadd.s32 s20, v3;
	s20 =	sxor.u32 $0x80000000, s21;
	s21 =	spop (v2sf)  }
0x69: {  	vm1 =	vlt.s32 v3, $0x4000;
	v3 =	vxor.u32 $0x80000000, v3;
	s19 =	sadd.s32 s21, s19;
	p1 =	sgt.s32 s18, s20  }
0x6a: {  	v4 =	vsel vm1, $0x1, v0;
	v5 =	vnsel vm1, $0x80000000, v3;
	(xrf0) =	vmax.scan.msk.u32 $0xffff, v3;
	s20 =	smov.u32 @p1 s18  }
0x6b: {  	(xrf0) =	vmax.scan.msk.u32 $0xffff, v5  }
0x6c: {  	(xrf0) =	vadd.scan.msk.s32 $0xffff, v4;
	_ =	sdelay $0x3  }
0x6d: {  	v3, _, _ =	vpop (xrf0)  }
0x6e: {  	v4, _, _ =	vpop (xrf0);
	(v2sf) =	vpush v3, $0xF  }
0x6f: {  	v3, _, _ =	vpop (xrf0);
	(v2sf) =	vpush v4, $0xF  }
0x70: {  	(v2sf) =	vpush v3, $0xF;
	_ =	sdelay $0x2  }
0x71: {  	v3 =	vld [tilespmem:s16+$0x0];
	[tilespmem:s16+$0x0] =	vst v0;
	_ =	sdelay $0x4  }
0x72: {  	(xrf0) =	vadd.scan.msk.s32 $0xffff, v3;
	_ =	sdelay $0x4  }
0x73: {  	s18 =	spop (v2sf)  }
0x74: {  	s21 =	sxor.u32 $0x80000000, s18;
	s18 =	spop (v2sf);
	v3, _, _ =	vpop (xrf0)  }
0x75: {  	s18 =	sxor.u32 $0x80000000, s18;
	v3 =	vadd.s32 s21, v3;
	s21 =	spop (v2sf)  }
0x76: {  	s19 =	sadd.s32 s19, s21;
	p1 =	sgt.s32 s20, s18;
	vm1 =	vlt.s32 v3, $0x4000;
	v3 =	vxor.u32 $0x80000000, v3  }
0x77: {  	s18 =	smov.u32 @p1 s20;
	v4 =	vsel vm1, $0x1, v0;
	v5 =	vnsel vm1, $0x80000000, v3;
	(xrf0) =	vmax.scan.msk.u32 $0xffff, v3  }
0x78: {  	(xrf0) =	vmax.scan.msk.u32 $0xffff, v5  }
0x79: {  	(xrf0) =	vadd.scan.msk.s32 $0xffff, v4;
	_ =	sdelay $0x1  }
.Ltmp2:
0x7a: {  	(pc) =	sbr.rel @p0 .LBB2_6-.Ltmp2, $4  }
0x7b: {  	_ = 	snop  }
0x7c: {  	v3, _, _ =	vpop (xrf0)  }
0x7d: {  	v4, _, _ =	vpop (xrf0);
	(v2sf) =	vpush v3, $0xF  }
0x7e: {  	v3, _, _ =	vpop (xrf0);
	(v2sf) =	vpush v4, $0xF  }
0x7f: {  	(v2sf) =	vpush v3, $0xF;
	_ =	sdelay $0x7  }
0x80: {  	s20 =	simm.s32 $0x40  }
0x81: {  	v5 =	vld [tilespmem:s20+$0xFFFFFFD0];
	_ =	sdelay $0x1  }
0x82: {  	v4 =	vld [tilespmem:s20+$0xFFFFFFC0]  }
0x83: {  	v6 =	vld [tilespmem:s20+$0xFFFFFFE0]  }
0x84: {  	v9 =	vld [tilespmem:s20+$0xFFFFFFF0];
	s16 =	spop (v2sf)  }
0x85: {  	v14 =	vand.u32 $0x7FFFFFFF, v5;
	v5 =	vld [tilespmem:s20+$0x10];
	s17 =	spop (v2sf)  }
0x86: {  	s16 =	spop (v2sf)  }
0x87: {  	v8 =	vimm.s32 $0x0;
	v7 =	vld [tilespmem:s20+$0x0];
	v13 =	vand.u32 $0x7FFFFFFF, v4;
	s16 =	sadd.s32 s16, s19  }
0x88: {  	(v2sf) =	vpush v8, $0x0;
	v4 =	vshrl.u32 v13, $0x14;
	v3 =	vmov s16  }
0x89: {  	v16 =	vand.u32 $0x7FFFFFFF, v6;
	vm7 =	veq.s32 v4, v3;
	v4 =	vshrl.u32 v14, $0x14  }
0x8a: {  	v18 =	vand.u32 $0x7FFFFFFF, v9;
	v5 =	vand.u32 $0x7FFFFFFF, v5;
	vm3 =	veq.s32 v4, v3  }
0x8b: {  	v6 =	vmpcnt.ones.xlane vm7;
	v4 =	vshrl.u32 v16, $0x14;
	v10 =	vmpcnt.ones.xlane vm3  }
0x8c: {  	vm5 =	veq.s32 v4, v3;
	v4 =	vand.u32 $0x7FFFFFFF, v7;
	vm10 =	vmmov vm3  }
0x8d: {  	v7 =	vld [tilespmem:s20+$0x20];
	v6 =	vadd.s32 v8, v6;
	v8 =	vmpcnt.ones.xlane vm5;
	v12 =	vshrl.u32 v4, $0x14  }
0x8e: {  	v11 =	vld [tilespmem:s20+$0x30];
	v9 =	vadd.s32 v6, v10;
	v10 =	vshrl.u32 v18, $0x14;
	(v2sf) =	vpush v6, $0x0  }
0x8f: {  	vm11 =	vmmov vm5;
	(v2sf) =	vpush v9, $0x0;
	vm9 =	veq.s32 v10, v3  }
0x90: {  	vm1 =	veq.s32 v12, v3;
	v8 =	vadd.s32 v9, v8;
	v10 =	vmpcnt.ones.xlane vm9  }
0x91: {  	v9 =	vshrl.u32 v5, $0x14;
	v12 =	vmpcnt.ones.xlane vm1;
	(v2sf) =	vpush v8, $0x0  }
0x92: {  	vm2 =	veq.s32 v9, v3;
	v6 =	vand.u32 $0x7FFFFFFF, v7;
	v8 =	vadd.s32 v8, v10  }
0x93: {  	s19 =	simm.s32 $0xC0;
	v7 =	vand.u32 $0x7FFFFFFF, v11;
	v9 =	vshrl.u32 v6, $0x14;
	(v2sf) =	vpush v8, $0x0  }
0x94: {  	vm4 =	vmmov vm1;
	v11 =	vld [tilespmem:s19+$0xFFFFFFC0];
	vm6 =	veq.s32 v9, v3;
	v9 =	vshrl.u32 v7, $0x14  }
0x95: {  	vm1 =	vmmov vm2;
	v10 =	vmpcnt.ones.xlane vm2;
	vm8 =	veq.s32 v9, v3;
	v9 =	vld [tilespmem:s19+$0xFFFFFFD0]  }
0x96: {  	v19 =	vld [tilespmem:s19+$0xFFFFFFE0];
	v8 =	vadd.s32 v8, v12;
	v15 =	vmpcnt.ones.xlane vm6;
	vm2 =	vmmov vm6  }
0x97: {  	v10 =	vadd.s32 v8, v10;
	(v2sf) =	vpush v8, $0x0;
	v17 =	vmpcnt.ones.xlane vm8  }
0x98: {  	v12 =	vld [tilespmem:s19+$0x0];
	vm3 =	vmmov vm8;
	(v2sf) =	vpush v10, $0x0;
	v8 =	vadd.s32 v10, v15  }
0x99: {  	v15 =	vld [tilespmem:s19+$0xFFFFFFF0];
	v10 =	vand.u32 $0x7FFFFFFF, v11;
	v11 =	vadd.s32 v8, v17;
	(v2sf) =	vpush v8, $0x0  }
0x9a: {  	v17 =	vshrl.u32 v10, $0x14;
	(v2sf) =	vpush v11, $0x0;
	v8 =	vand.u32 $0x7FFFFFFF, v9  }
0x9b: {  	vm5 =	veq.s32 v17, v3;
	v9 =	vand.u32 $0x7FFFFFFF, v19;
	v19 =	vld [tilespmem:s19+$0x10];
	v17 =	vshrl.u32 v8, $0x14  }
0x9c: {  	s28 =	spop (v2sf);
	v20 =	vmpcnt.ones.xlane vm5;
	vm8 =	veq.s32 v17, v3;
	v17 =	vshrl.u32 v9, $0x14  }
0x9d: {  	v22 =	vld [tilespmem:s19+$0x20];
	v12 =	vand.u32 $0x7FFFFFFF, v12;
	v21 =	vmpcnt.ones.xlane vm8;
	vm6 =	veq.s32 v17, v3;
	s29 =	spop (v2sf)  }
0x9e: {  	v17 =	vadd.s32 v11, v20;
	v11 =	vand.u32 $0x7FFFFFFF, v15;
	v20 =	vmpcnt.ones.xlane vm6;
	s30 =	spop (v2sf)  }
0x9f: {  	(v2sf) =	vpush v17, $0x0;
	v21 =	vadd.s32 v17, v21;
	v17 =	vshrl.u32 v11, $0x14;
	[tilespmem:s30+$0x10800] =	vst.msk vm11, v16;
	v16 =	vld [tilespmem:s19+$0x30]  }
0xa0: {  	s17 =	sxor.u32 $0x80000000, s17;
	[tilespmem:s28+$0x10800] =	vst.msk vm7, v13;
	v13 =	vand.u32 $0x7FFFFFFF, v19;
	v15 =	vadd.s32 v21, v20;
	(v2sf) =	vpush v21, $0x0  }
0xa1: {  	p0 =	sgt.s32 s18, s17;
	[tilespmem:s29+$0x10800] =	vst.msk vm10, v14;
	v19 =	vshrl.u32 v12, $0x14;
	s31 =	spop (v2sf);
	vm7 =	veq.s32 v17, v3;
	(v2sf) =	vpush v15, $0x0  }
0xa2: {  	s17 =	smov.u32 @p0 s18;
	s18 =	simm.s32 $0x8;
	v14 =	vand.u32 $0x7FFFFFFF, v22;
	v17 =	vshrl.u32 v13, $0x14;
	[tilespmem:s31+$0x10800] =	vst.msk vm9, v18;
	v18 =	vmpcnt.ones.xlane vm7;
	s20 =	spop (v2sf)  }
.LBB2_8:
0xa3: {  	s18 =	sadd.s32 $0x8, s18;
	vm9 =	veq.s32 v19, v3;
	vm10 =	veq.s32 v17, v3;
	v17 =	vshrl.u32 v14, $0x14  }
0xa4: {  	p0 =	slt.u32 s18, $0x7F8;
	v15 =	vadd.s32 v15, v18;
	v18 =	vmpcnt.ones.xlane vm10;
	v16 =	vand.u32 $0x7FFFFFFF, v16  }
0xa5: {  	s19 =	sadd.s32 $0x80, s19;
	vm11 =	veq.s32 v17, v3;
	v17 =	vshrl.u32 v16, $0x14;
	(v2sf) =	vpush v15, $0x0  }
0xa6: {  	v20 =	vmpcnt.ones.xlane vm9;
	v21 =	vmpcnt.ones.xlane vm11;
	v19 =	vld [tilespmem:s19+$0xFFFFFFC0];
	vm12 =	veq.s32 v17, v3;
	[tilespmem:s20+$0x10800] =	vst.msk vm4, v4;
	s20 =	spop (v2sf);
	v4 =	vmovc v12  }
0xa7: {  	vm4 =	vmmov vm9;
	v12 =	vld [tilespmem:s19+$0xFFFFFFD0];
	v17 =	vmpcnt.ones.xlane vm12;
	[tilespmem:s20+$0x10800] =	vst.msk vm1, v5;
	s20 =	spop (v2sf);
	v5 =	vmovc v13;
	vm1 =	vmmov vm10  }
0xa8: {  	v15 =	vadd.s32 v15, v20;
	vm9 =	vmmov vm8;
	v13 =	vld [tilespmem:s19+$0xFFFFFFE0];
	[tilespmem:s20+$0x10800] =	vst.msk vm2, v6;
	s20 =	spop (v2sf);
	v6 =	vmovc v14;
	vm2 =	vmmov vm11  }
0xa9: {  	v18 =	vadd.s32 v15, v18;
	v14 =	vld [tilespmem:s19+$0xFFFFFFF0];
	s21 =	spop (v2sf);
	(v2sf) =	vpush v15, $0x0;
	[tilespmem:s20+$0x10800] =	vst.msk vm3, v7;
	v7 =	vmovc v16;
	vm3 =	vmmov vm12  }
0xaa: {  	vm10 =	vmmov vm6;
	v16 =	vadd.s32 v18, v21;
	v15 =	vld [tilespmem:s19+$0x0];
	[tilespmem:s21+$0x10800] =	vst.msk vm5, v10;
	(v2sf) =	vpush v18, $0x0  }
0xab: {  	v17 =	vadd.s32 v16, v17;
	v10 =	vand.u32 $0x7FFFFFFF, v19;
	(v2sf) =	vpush v16, $0x0  }
0xac: {  	v16 =	vshrl.u32 v10, $0x14;
	v18 =	vand.u32 $0x7FFFFFFF, v12;
	(v2sf) =	vpush v17, $0x0  }
0xad: {  	vm5 =	veq.s32 v16, v3;
	v12 =	vshrl.u32 v18, $0x14;
	v13 =	vand.u32 $0x7FFFFFFF, v13;
	v19 =	vld [tilespmem:s19+$0x10]  }
0xae: {  	v16 =	vmpcnt.ones.xlane vm5;
	vm8 =	veq.s32 v12, v3;
	v12 =	vshrl.u32 v13, $0x14;
	s20 =	spop (v2sf)  }
0xaf: {  	v20 =	vmpcnt.ones.xlane vm8;
	vm6 =	veq.s32 v12, v3;
	v12 =	vand.u32 $0x7FFFFFFF, v15;
	v21 =	vld [tilespmem:s19+$0x20];
	[tilespmem:s20+$0x10800] =	vst.msk vm9, v8;
	s20 =	spop (v2sf);
	v8 =	vmovc v18  }
.Ltmp3:
0xb0: {  	v14 =	vand.u32 $0x7FFFFFFF, v14;
	v15 =	vadd.s32 v17, v16;
	v17 =	vmpcnt.ones.xlane vm6;
	[tilespmem:s20+$0x10800] =	vst.msk vm10, v9;
	s20 =	spop (v2sf);
	v9 =	vmovc v13;
	(pc) =	sbr.rel @p0 .LBB2_8-.Ltmp3, $4  }
0xb1: {  	v18 =	vadd.s32 v15, v20;
	v20 =	vshrl.u32 v14, $0x14;
	v16 =	vld [tilespmem:s19+$0x30];
	(v2sf) =	vpush v15, $0x0;
	[tilespmem:s20+$0x10800] =	vst.msk vm7, v11;
	v11 =	vmovc v14  }
0xb2: {  	v15 =	vadd.s32 v18, v17;
	v13 =	vand.u32 $0x7FFFFFFF, v19;
	(v2sf) =	vpush v18, $0x0  }
0xb3: {  	vm7 =	veq.s32 v20, v3;
	v17 =	vshrl.u32 v13, $0x14;
	(v2sf) =	vpush v15, $0x0  }
0xb4: {  	v19 =	vshrl.u32 v12, $0x14;
	v18 =	vmpcnt.ones.xlane vm7;
	v14 =	vand.u32 $0x7FFFFFFF, v21;
	s20 =	spop (v2sf)  }
0xb5: {  	vm10 =	veq.s32 v19, v3  }
0xb6: {  	vm9 =	veq.s32 v17, v3;
	v59 =	vshrl.u32 v14, $0x14;
	v15 =	vadd.s32 v15, v18  }
0xb7: {  	v60 =	vmpcnt.ones.xlane vm9;
	v16 =	vand.u32 $0x7FFFFFFF, v16;
	v19 =	vmpcnt.ones.xlane vm10  }
0xb8: {  	vm11 =	veq.s32 v59, v3;
	v61 =	vshrl.u32 v16, $0x14;
	(v2sf) =	vpush v15, $0x0  }
0xb9: {  	v20 =	vmpcnt.ones.xlane vm11;
	vm12 =	veq.s32 v61, v3;
	v3 =	vadd.s32 v15, v19  }
0xba: {  	v62 =	vmpcnt.ones.xlane vm12;
	v63 =	vadd.s32 v3, v60;
	(v2sf) =	vpush v3, $0x0  }
0xbb: {  	v3 =	vadd.s32 v63, v20;
	(v2sf) =	vpush v63, $0x0  }
0xbc: {  	v15 =	vadd.s32 v3, v62;
	(v2sf) =	vpush v3, $0x0  }
0xbd: {  	(v2sf) =	vpush v15, $0x0;
	_ =	sdelay $0x3  }
0xbe: {  	s18 =	spop (v2sf)  }
0xbf: {  	s19 =	spop (v2sf)  }
0xc0: {  	s21 =	spop (v2sf)  }
0xc1: {  	s22 =	spop (v2sf)  }
0xc2: {  	s24 =	spop (v2sf)  }
0xc3: {  	s25 =	spop (v2sf)  }
0xc4: {  	s26 =	spop (v2sf)  }
0xc5: {  	s28 =	spop (v2sf)  }
0xc6: {  	[tilespmem:s20+$0x10800] =	vst.msk vm4, v4;
	s29 =	spop (v2sf)  }
0xc7: {  	[tilespmem:s18+$0x10800] =	vst.msk vm1, v5;
	s30 =	spop (v2sf)  }
0xc8: {  	[tilespmem:s19+$0x10800] =	vst.msk vm2, v6;
	s23 =	spop (v2sf)  }
0xc9: {  	[tilespmem:s21+$0x10800] =	vst.msk vm3, v7;
	s31 =	spop (v2sf)  }
0xca: {  	vm1 =	vmmov vm8;
	[tilespmem:s22+$0x10800] =	vst.msk vm5, v10;
	s18 =	sadd.s32 $0xF, s31  }
0xcb: {  	vm2 =	vmmov vm6;
	[tilespmem:s24+$0x10800] =	vst.msk vm1, v8;
	s18 =	sshrl.u32 s18, $0x4  }
0xcc: {  	[tilespmem:s25+$0x10800] =	vst.msk vm2, v9;
	p0 =	seq.s32 s18, $0x0  }
.Ltmp4:
0xcd: {  	vm1 =	vmmov vm10;
	[tilespmem:s26+$0x10800] =	vst.msk vm7, v11;
	(pc) =	sbr.rel @p0 .LBB2_13-.Ltmp4, $4  }
0xce: {  	[tilespmem:s28+$0x10800] =	vst.msk vm1, v12;
	vm1 =	vmmov vm9  }
0xcf: {  	[tilespmem:s29+$0x10800] =	vst.msk vm1, v13;
	vm1 =	vmmov vm11  }
0xd0: {  	v3 =	vbroadcast v15, $0x0;
	[tilespmem:s30+$0x10800] =	vst.msk vm1, v14;
	vm1 =	vmmov vm12  }
0xd1: {  	[tilespmem:s23+$0x10800] =	vst.msk vm1, v16  }
0xd2: {  	s20 =	simm.s32 $0x10800  }
0xd3: {  	p1 =	seq.s32 s18, $0x1;
	v4 =	vld [tilespmem:s20+$0x0]  }
.Ltmp5:
0xd4: {  	_ = 	snop;
	(pc) =	sbr.rel @p1 .LBB2_12-.Ltmp5, $4  }
0xd5: {  	_ = 	snop  }
0xd6: {  	s19 =	simm.s32 $0x0  }
0xd7: {  	v5 =	vor.u32 s19, v2  }
0xd8: {  	s21 =	simm.s32 $0x10810;
	s20 =	sadd.s32 $0xFFFFFFFF, s18;
	vm1 =	vlt.s32 v5, v3;
	v4 =	vshrl.u32 v4, $0xA  }
.LBB2_11:
0xd9: {  	v5 =	vld [tilespmem:s21+$0x0];
	p1 =	seq.s32 s20, $0x1;
	s20 =	sadd.s32 $0xFFFFFFFF, s20;
	v6 =	vand.u32 $0x3FF, v4  }
.Ltmp6:
0xda: {  	(pc) =	sbr.rel @!p1 .LBB2_11-.Ltmp6, $4  }
0xdb: {  	_ = 	snop  }
0xdc: {  	s19 =	sadd.s32 $0x10, s19  }
0xdd: {  	v7 =	vor.u32 s19, v2  }
0xde: {  	s21 =	sadd.s32 $0x10, s21;
	v4 =	vshrl.u32 v5, $0xA;
	[tilespmem:v6+s11+$0x0] =	vst.idx.add.s32.msk vm1, v1;
	vm1 =	vlt.s32 v7, v3  }
.LBB2_12:
0xdf: {  	v4 =	vand.u32 $0x3FF, v4;
	_ =	sdelay $0x4  }
0xe0: {  	[tilespmem:v4+s11+$0x0] =	vst.idx.add.s32.msk vm1, v1  }
.LBB2_13:
0xe1: {  	s19 =	simm.s32 $0x10010  }
0xe2: {  	v5 =	vld [tilespmem:s19+$0xFFFFFFF0];
	_ =	sdelay $0x4  }
0xe3: {  	(xrf0) =	vadd.scan.msk.s32 $0xffff, v5;
	_ =	sdelay $0x5  }
0xe4: {  	s23 =	simm.s32 $0x0;
	v5, _, _ =	vpop (xrf0)  }
0xe5: {  	v5 =	vadd.s32 s23, v5  }
0xe6: {  	v6 =	vxor.u32 $0x80000000, v5  }
0xe7: {  	(xrf0) =	vmax.scan.msk.u32 $0xffff, v6;
	_ =	sdelay $0x4  }
0xe8: {  	s17 =	ssub.s32 $0x4000, s17  }
0xe9: {  	v4 =	vmov s17;
	v7, _, _ =	vpop (xrf0)  }
0xea: {  	vm1 =	vlt.s32 v5, v4;
	(v2sf) =	vpush v7, $0xF  }
0xeb: {  	v5 =	vnsel vm1, $0x80000000, v6  }
0xec: {  	(xrf0) =	vmax.scan.msk.u32 $0xffff, v5  }
0xed: {  	v5 =	vsel vm1, $0x1, v0  }
0xee: {  	(xrf0) =	vadd.scan.msk.s32 $0xffff, v5  }
0xef: {  	v5 =	vld [tilespmem:s19+$0x0];
	_ =	sdelay $0x2  }
0xf0: {  	v6, _, _ =	vpop (xrf0)  }
0xf1: {  	(v2sf) =	vpush v6, $0xF  }
0xf2: {  	(xrf0) =	vadd.scan.msk.s32 $0xffff, v5;
	v6, _, _ =	vpop (xrf0)  }
0xf3: {  	(v2sf) =	vpush v6, $0xF;
	_ =	sdelay $0x3  }
0xf4: {  	s20 =	spop (v2sf)  }
0xf5: {  	v5, _, _ =	vpop (xrf0);
	s20 =	sxor.u32 $0x80000000, s20  }
0xf6: {  	v5 =	vadd.s32 s20, v5  }
0xf7: {  	vm1 =	vlt.s32 v5, v4;
	v5 =	vxor.u32 $0x80000000, v5  }
0xf8: {  	v6 =	vnsel vm1, $0x80000000, v5;
	(xrf0) =	vmax.scan.msk.u32 $0xffff, v5  }
0xf9: {  	v5 =	vsel vm1, $0x1, v0;
	(xrf0) =	vmax.scan.msk.u32 $0xffff, v6  }
0xfa: {  	(xrf0) =	vadd.scan.msk.s32 $0xffff, v5;
	_ =	sdelay $0x2  }
0xfb: {  	s31 =	spop (v2sf)  }
0xfc: {  	s21 =	sxor.u32 $0x80000000, s31;
	v5, _, _ =	vpop (xrf0)  }
0xfd: {  	[tilespmem:s19+$0xFFFFFFF0] =	vst v0;
	p1 =	slt.s32 s21, $0x0;
	s22 =	spop (v2sf);
	v6, _, _ =	vpop (xrf0);
	(v2sf) =	vpush v5, $0xF  }
0xfe: {  	[tilespmem:s19+$0x0] =	vst v0;
	s20 =	simm.s32 $0x0;
	s21 =	smov.u32 @p1 s23;
	s22 =	sadd.s32 $0x0, s22;
	v5, _, _ =	vpop (xrf0);
	(v2sf) =	vpush v6, $0xF  }
.LBB2_14:
0xff: {  	s20 =	sadd.s32 $0x2, s20;
	(v2sf) =	vpush v5, $0xF  }
0x100: {  	p1 =	slt.u32 s20, $0x3E  }
0x101: {  	s19 =	sadd.s32 $0x20, s19  }
0x102: {  	v5 =	vld [tilespmem:s19+$0xFFFFFFF0];
	[tilespmem:s19+$0xFFFFFFF0] =	vst v0;
	_ =	sdelay $0x4  }
0x103: {  	(xrf0) =	vadd.scan.msk.s32 $0xffff, v5;
	_ =	sdelay $0x4  }
0x104: {  	s23 =	spop (v2sf)  }
0x105: {  	v5, _, _ =	vpop (xrf0);
	s23 =	sxor.u32 $0x80000000, s23;
	s24 =	spop (v2sf)  }
0x106: {  	v5 =	vadd.s32 s23, v5;
	s23 =	sxor.u32 $0x80000000, s24;
	s24 =	spop (v2sf)  }
0x107: {  	vm1 =	vlt.s32 v5, v4;
	v5 =	vxor.u32 $0x80000000, v5;
	s22 =	sadd.s32 s24, s22;
	p2 =	sgt.s32 s21, s23  }
0x108: {  	v6 =	vsel vm1, $0x1, v0;
	v7 =	vnsel vm1, $0x80000000, v5;
	(xrf0) =	vmax.scan.msk.u32 $0xffff, v5;
	s23 =	smov.u32 @p2 s21  }
0x109: {  	(xrf0) =	vmax.scan.msk.u32 $0xffff, v7  }
0x10a: {  	(xrf0) =	vadd.scan.msk.s32 $0xffff, v6;
	_ =	sdelay $0x3  }
0x10b: {  	v5, _, _ =	vpop (xrf0)  }
0x10c: {  	v6, _, _ =	vpop (xrf0);
	(v2sf) =	vpush v5, $0xF  }
0x10d: {  	v5, _, _ =	vpop (xrf0);
	(v2sf) =	vpush v6, $0xF  }
0x10e: {  	(v2sf) =	vpush v5, $0xF;
	_ =	sdelay $0x2  }
0x10f: {  	v5 =	vld [tilespmem:s19+$0x0];
	[tilespmem:s19+$0x0] =	vst v0;
	_ =	sdelay $0x4  }
0x110: {  	(xrf0) =	vadd.scan.msk.s32 $0xffff, v5;
	_ =	sdelay $0x4  }
0x111: {  	s21 =	spop (v2sf)  }
0x112: {  	s24 =	sxor.u32 $0x80000000, s21;
	s21 =	spop (v2sf);
	v5, _, _ =	vpop (xrf0)  }
0x113: {  	s21 =	sxor.u32 $0x80000000, s21;
	v5 =	vadd.s32 s24, v5;
	s24 =	spop (v2sf)  }
0x114: {  	s22 =	sadd.s32 s22, s24;
	p2 =	sgt.s32 s23, s21;
	vm1 =	vlt.s32 v5, v4;
	v5 =	vxor.u32 $0x80000000, v5  }
0x115: {  	s21 =	smov.u32 @p2 s23;
	v6 =	vsel vm1, $0x1, v0;
	v7 =	vnsel vm1, $0x80000000, v5;
	(xrf0) =	vmax.scan.msk.u32 $0xffff, v5  }
0x116: {  	(xrf0) =	vmax.scan.msk.u32 $0xffff, v7  }
0x117: {  	(xrf0) =	vadd.scan.msk.s32 $0xffff, v6;
	_ =	sdelay $0x1  }
.Ltmp7:
0x118: {  	(pc) =	sbr.rel @p1 .LBB2_14-.Ltmp7, $4  }
0x119: {  	_ = 	snop  }
0x11a: {  	v5, _, _ =	vpop (xrf0)  }
0x11b: {  	v6, _, _ =	vpop (xrf0);
	(v2sf) =	vpush v5, $0xF  }
0x11c: {  	v5, _, _ =	vpop (xrf0);
	(v2sf) =	vpush v6, $0xF  }
0x11d: {  	(v2sf) =	vpush v5, $0xF;
	_ =	sdelay $0xc  }
.Ltmp8:
0x11e: {  	s19 =	spop (v2sf);
	(pc) =	sbr.rel @p0 .LBB2_23-.Ltmp8, $4  }
0x11f: {  	s19 =	spop (v2sf)  }
0x120: {  	s19 =	sxor.u32 $0x80000000, s19;
	s20 =	spop (v2sf)  }
0x121: {  	s16 =	sshll.u32 s16, $0xA;
	s20 =	sadd.s32 s20, s22;
	p1 =	sgt.s32 s21, s19  }
0x122: {  	s19 =	smov.u32 @p1 s21;
	s16 =	sor.u32 s16, s20  }
0x123: {  	s20 =	simm.s32 $0x10800  }
0x124: {  	p1 =	seq.s32 s18, $0x1;
	v9 =	vld [tilespmem:s20+$0x0]  }
.Ltmp9:
0x125: {  	_ = 	snop;
	(pc) =	sbr.rel @p1 .LBB2_17-.Ltmp9, $3  }
0x126: {  	_ =	sdelay $0x1  }
0x127: {  	s21 =	simm.s32 $0x0  }
0x128: {  	v4 =	vmov s16;
	p0 =	por $0x0, $0x0;
	s20 =	sadd.s32 $0xFFFFFFFF, s18;
	v6 =	vor.u32 s21, v2;
	s18 =	simm.s32 $0x10810;
	v7 =	vshrl.u32 v9, $0xA  }
0x129: {  	v8 =	vld [tilespmem:s18+$0x0];
	vm1 =	vlt.s32 v6, v3;
	vm2 =	veq.s32 v7, v4;
	p1 =	seq.s32 s20, $0x1  }
.Ltmp10:
0x12a: {  	vm1 =	vmand vm1, vm2;
	(pc) =	sbr.rel @p1 .LBB2_19-.Ltmp10, $3  }
0x12b: {  	v5 =	vand.u32 $0x3FF, v9;
	_ =	sdelay $0x1  }
0x12c: {  	s18 =	simm.s32 $0x10  }
0x12d: {  	s20 =	sadd.s32 $0xFFFFFFFF, s20;
	s21 =	simm.s32 $0x10820;
	p0 =	por $0x1, $0x1;
	v6 =	vor.u32 s18, v2;
	v7 =	vshrl.u32 v8, $0xA  }
.LBB2_20:
0x12e: {  	v9 =	vld [tilespmem:s21+$0x0];
	p1 =	seq.s32 s20, $0x1;
	s20 =	sadd.s32 $0xFFFFFFFF, s20;
	vm2 =	vlt.s32 v6, v3;
	vm3 =	veq.s32 v7, v4  }
.Ltmp11:
0x12f: {  	[tilespmem:v5+s11+$0x0] =	vst.idx.add.s32.msk vm1, v1;
	vm1 =	vmand vm2, vm3;
	(pc) =	sbr.rel @!p1 .LBB2_20-.Ltmp11, $3  }
0x130: {  	v5 =	vand.u32 $0x3FF, v8;
	_ =	sdelay $0x1  }
0x131: {  	s18 =	sadd.s32 $0x10, s18  }
0x132: {  	s21 =	sadd.s32 $0x10, s21;
	v6 =	vor.u32 s18, v2;
	v7 =	vshrl.u32 v9, $0xA;
	v8 =	vmov v9  }
0x133: {  	v9 =	vmov v8  }
.LBB2_22:
0x134: {  	vm2 =	vlt.s32 v6, v3;
	vm3 =	veq.s32 v7, v4  }
0x135: {  	vm2 =	vmand vm2, vm3  }
0x136: {  	v3 =	vand.u32 $0x3FF, v9;
	_ =	sdelay $0x3  }
0x137: {  	[tilespmem:v5+s11+$0x0] =	vst.idx.add.s32.msk @p0 vm1, v1  }
0x138: {  	[tilespmem:v3+s11+$0x0] =	vst.idx.add.s32.msk vm2, v1  }
.LBB2_23:
0x139: {  	s17 =	ssub.s32 s17, s19  }
0x13a: {  	v3 =	vmov s17;
	s17 =	simm.s32 $0x10010  }
0x13b: {  	v4 =	vld [tilespmem:s17+$0xFFFFFFF0];
	_ =	sdelay $0x4  }
0x13c: {  	(xrf0) =	vadd.scan.msk.s32 $0xffff, v4;
	_ =	sdelay $0x5  }
0x13d: {  	s18 =	simm.s32 $0x0;
	v4, _, _ =	vpop (xrf0)  }
0x13e: {  	v4 =	vadd.s32 s18, v4  }
0x13f: {  	v5 =	vxor.u32 $0x80000000, v4  }
0x140: {  	(xrf0) =	vmax.scan.msk.u32 $0xffff, v5;
	_ =	sdelay $0x5  }
0x141: {  	v5, _, _ =	vpop (xrf0)  }
0x142: {  	(v2sf) =	vpush v5, $0xF;
	_ =	sdelay $0x1  }
0x143: {  	vm1 =	vlt.s32 v4, v3  }
0x144: {  	v4 =	vsel vm1, $0x1, v0  }
0x145: {  	(xrf0) =	vadd.scan.msk.s32 $0xffff, v4  }
0x146: {  	v4 =	vld [tilespmem:s17+$0x0];
	_ =	sdelay $0x4  }
0x147: {  	v5, _, _ =	vpop (xrf0);
	(xrf0) =	vadd.scan.msk.s32 $0xffff, v4  }
0x148: {  	(v2sf) =	vpush v5, $0xF;
	_ =	sdelay $0x3  }
0x149: {  	s30 =	spop (v2sf)  }
0x14a: {  	v4, _, _ =	vpop (xrf0);
	s18 =	sxor.u32 $0x80000000, s30  }
0x14b: {  	v4 =	vadd.s32 s18, v4  }
0x14c: {  	vm1 =	vlt.s32 v4, v3;
	v4 =	vxor.u32 $0x80000000, v4  }
0x14d: {  	v5 =	vsel vm1, $0x1, v0;
	(xrf0) =	vmax.scan.msk.u32 $0xffff, v4  }
0x14e: {  	(xrf0) =	vadd.scan.msk.s32 $0xffff, v5;
	_ =	sdelay $0x4  }
0x14f: {  	v4, _, _ =	vpop (xrf0)  }
0x150: {  	[tilespmem:s17+$0xFFFFFFF0] =	vst v0;
	s31 =	spop (v2sf);
	v5, _, _ =	vpop (xrf0);
	(v2sf) =	vpush v4, $0xF  }
0x151: {  	[tilespmem:s17+$0x0] =	vst v0;
	s18 =	simm.s32 $0x0;
	s19 =	sadd.s32 $0x0, s31;
	(v2sf) =	vpush v5, $0xF  }
.LBB2_24:
0x152: {  	_ =	sdelay $0x1  }
0x153: {  	s18 =	sadd.s32 $0x2, s18;
	s17 =	sadd.s32 $0x20, s17  }
0x154: {  	v4 =	vld [tilespmem:s17+$0xFFFFFFF0];
	[tilespmem:s17+$0xFFFFFFF0] =	vst v0;
	p0 =	slt.u32 s18, $0x3E;
	_ =	sdelay $0x4  }
0x155: {  	(xrf0) =	vadd.scan.msk.s32 $0xffff, v4;
	_ =	sdelay $0x4  }
0x156: {  	s20 =	spop (v2sf)  }
0x157: {  	v4, _, _ =	vpop (xrf0);
	s20 =	sxor.u32 $0x80000000, s20;
	s21 =	spop (v2sf)  }
0x158: {  	v4 =	vadd.s32 s20, v4;
	s19 =	sadd.s32 s21, s19  }
0x159: {  	vm1 =	vlt.s32 v4, v3;
	v4 =	vxor.u32 $0x80000000, v4  }
0x15a: {  	v5 =	vsel vm1, $0x1, v0;
	(xrf0) =	vmax.scan.msk.u32 $0xffff, v4  }
0x15b: {  	(xrf0) =	vadd.scan.msk.s32 $0xffff, v5;
	_ =	sdelay $0x4  }
0x15c: {  	v4, _, _ =	vpop (xrf0)  }
0x15d: {  	v5, _, _ =	vpop (xrf0);
	(v2sf) =	vpush v4, $0xF  }
0x15e: {  	(v2sf) =	vpush v5, $0xF;
	_ =	sdelay $0x3  }
0x15f: {  	v4 =	vld [tilespmem:s17+$0x0];
	[tilespmem:s17+$0x0] =	vst v0;
	_ =	sdelay $0x4  }
0x160: {  	(xrf0) =	vadd.scan.msk.s32 $0xffff, v4;
	_ =	sdelay $0x4  }
0x161: {  	s20 =	spop (v2sf)  }
0x162: {  	s20 =	sxor.u32 $0x80000000, s20;
	s21 =	spop (v2sf);
	v4, _, _ =	vpop (xrf0)  }
0x163: {  	s19 =	sadd.s32 s19, s21;
	v4 =	vadd.s32 s20, v4  }
0x164: {  	vm1 =	vlt.s32 v4, v3;
	v4 =	vxor.u32 $0x80000000, v4  }
0x165: {  	v5 =	vsel vm1, $0x1, v0;
	(xrf0) =	vmax.scan.msk.u32 $0xffff, v4  }
0x166: {  	(xrf0) =	vadd.scan.msk.s32 $0xffff, v5;
	_ =	sdelay $0x2  }
.Ltmp12:
0x167: {  	(pc) =	sbr.rel @p0 .LBB2_24-.Ltmp12, $4  }
0x168: {  	_ = 	snop  }
0x169: {  	v4, _, _ =	vpop (xrf0)  }
0x16a: {  	v5, _, _ =	vpop (xrf0);
	(v2sf) =	vpush v4, $0xF  }
0x16b: {  	(v2sf) =	vpush v5, $0xF  }
0x16c: {  	_ =	sdelay $0xc  }
0x16d: {  	s17 =	spop (v2sf)  }
0x16e: {  	s17 =	spop (v2sf)  }
0x16f: {  	_ =	swait.ge [sflag:s12], $0x8000  }
0x170: {  	[sflag:s12] =	ssyncset.done $0x0  }
0x171: {  	s18 =	simm.s32 $0x8040;
	[sflag:s12] =	ssyncadd.s32 $0xFFFF8000  }
0x172: {  	[tilespmem:s2], [sflag:$0x1] =	stream.linear.gather [hbm4b:s5+s2], $0x8000, $0x38;
	[tilespmem:$0x18880] =	vst v63  }
0x173: {  	v3 =	vld [tilespmem:s18+$0x30]  }
0x174: {  	v4 =	vld [tilespmem:s18+$0xFFFFFFD0]  }
0x175: {  	v5 =	vld [tilespmem:s18+$0xFFFFFFE0]  }
0x176: {  	v6 =	vld [tilespmem:s18+$0xFFFFFFF0]  }
0x177: {  	v7 =	vld [tilespmem:s18+$0x0]  }
0x178: {  	v3 =	vshrl.u32 v3, $0x14  }
0x179: {  	v4 =	vshrl.u32 v4, $0x14;
	v3 =	vand.u32 $0x7FF, v3  }
0x17a: {  	v8 =	vld [tilespmem:s18+$0x10];
	v5 =	vshrl.u32 v5, $0x14;
	v4 =	vand.u32 $0x7FF, v4  }
0x17b: {  	v9 =	vld [tilespmem:s18+$0x20];
	v6 =	vshrl.u32 v6, $0x14;
	v5 =	vand.u32 $0x7FF, v5  }
0x17c: {  	v10 =	vld [tilespmem:s18+$0xFFFFFFC0];
	v7 =	vshrl.u32 v7, $0x14;
	v6 =	vand.u32 $0x7FF, v6  }
0x17d: {  	v7 =	vand.u32 $0x7FF, v7  }
0x17e: {  	[tilespmem:v3+s11+$0x0] =	vst.idx.add.s32.msk $0xffff, v1  }
0x17f: {  	[tilespmem:v4+s11+$0x0] =	vst.idx.add.s32.msk $0xffff, v1  }
0x180: {  	[tilespmem:v5+s11+$0x0] =	vst.idx.add.s32.msk $0xffff, v1  }
0x181: {  	v3 =	vshrl.u32 v8, $0x14;
	v4 =	vshrl.u32 v9, $0x14;
	v5 =	vshrl.u32 v10, $0x14;
	[tilespmem:v6+s11+$0x0] =	vst.idx.add.s32.msk $0xffff, v1  }
0x182: {  	s20 =	simm.s32 $0x80C0;
	s17 =	sadd.s32 s17, s19;
	s19 =	simm.s32 $0x0;
	[tilespmem:v7+s11+$0x0] =	vst.idx.add.s32.msk $0xffff, v1;
	v3 =	vand.u32 $0x7FF, v3;
	v4 =	vand.u32 $0x7FF, v4;
	v5 =	vand.u32 $0x7FF, v5  }
.LBB2_26:
0x183: {  	v6 =	vld [tilespmem:s20+$0x30];
	s19 =	sadd.s32 $0x8, s19  }
0x184: {  	v7 =	vld [tilespmem:s20+$0xFFFFFFD0];
	p0 =	slt.u32 s19, $0x7F8  }
0x185: {  	v8 =	vld [tilespmem:s20+$0xFFFFFFE0]  }
0x186: {  	v9 =	vld [tilespmem:s20+$0xFFFFFFF0]  }
0x187: {  	v10 =	vld [tilespmem:s20+$0x0]  }
0x188: {  	v11 =	vld [tilespmem:s20+$0x10];
	v6 =	vshrl.u32 v6, $0x14  }
0x189: {  	v7 =	vshrl.u32 v7, $0x14;
	v12 =	vld [tilespmem:s20+$0x20];
	v6 =	vand.u32 $0x7FF, v6  }
0x18a: {  	v13 =	vld [tilespmem:s20+$0xFFFFFFC0];
	v7 =	vand.u32 $0x7FF, v7;
	v8 =	vshrl.u32 v8, $0x14  }
0x18b: {  	v8 =	vand.u32 $0x7FF, v8;
	v9 =	vshrl.u32 v9, $0x14;
	[tilespmem:v5+s11+$0x0] =	vst.idx.add.s32.msk $0xffff, v1  }
0x18c: {  	v9 =	vand.u32 $0x7FF, v9;
	v5 =	vshrl.u32 v10, $0x14;
	[tilespmem:v3+s11+$0x0] =	vst.idx.add.s32.msk $0xffff, v1  }
0x18d: {  	v10 =	vand.u32 $0x7FF, v5;
	v3 =	vshrl.u32 v11, $0x14;
	[tilespmem:v4+s11+$0x0] =	vst.idx.add.s32.msk $0xffff, v1  }
.Ltmp13:
0x18e: {  	s22 =	simm.s32 $0x0;
	s18 =	simm.s32 $0x10010;
	v3 =	vand.u32 $0x7FF, v3;
	v4 =	vshrl.u32 v12, $0x14;
	[tilespmem:v6+s11+$0x0] =	vst.idx.add.s32.msk $0xffff, v1;
	(pc) =	sbr.rel @p0 .LBB2_26-.Ltmp13, $4  }
0x18f: {  	v5 =	vshrl.u32 v13, $0x14;
	[tilespmem:v7+s11+$0x0] =	vst.idx.add.s32.msk $0xffff, v1;
	v4 =	vand.u32 $0x7FF, v4  }
0x190: {  	v5 =	vand.u32 $0x7FF, v5;
	[tilespmem:v8+s11+$0x0] =	vst.idx.add.s32.msk $0xffff, v1  }
0x191: {  	[tilespmem:v9+s11+$0x0] =	vst.idx.add.s32.msk $0xffff, v1  }
0x192: {  	s20 =	sadd.s32 $0x80, s20;
	[tilespmem:v10+s11+$0x0] =	vst.idx.add.s32.msk $0xffff, v1  }
0x193: {  	_ =	sdelay $0x3  }
0x194: {  	[tilespmem:v5+s11+$0x0] =	vst.idx.add.s32.msk $0xffff, v1  }
0x195: {  	[tilespmem:v3+s11+$0x0] =	vst.idx.add.s32.msk $0xffff, v1  }
0x196: {  	[tilespmem:v4+s11+$0x0] =	vst.idx.add.s32.msk $0xffff, v1  }
0x197: {  	v3 =	vld [tilespmem:s18+$0xFFFFFFF0];
	_ =	sdelay $0x4  }
0x198: {  	(xrf0) =	vadd.scan.msk.s32 $0xffff, v3;
	_ =	sdelay $0x5  }
0x199: {  	v3, _, _ =	vpop (xrf0)  }
0x19a: {  	v3 =	vadd.s32 s22, v3  }
0x19b: {  	v4 =	vxor.u32 $0x80000000, v3  }
0x19c: {  	(xrf0) =	vmax.scan.msk.u32 $0xffff, v4;
	_ =	sdelay $0x5  }
0x19d: {  	v5, _, _ =	vpop (xrf0)  }
0x19e: {  	vm1 =	vlt.s32 v3, $0x4000;
	(v2sf) =	vpush v5, $0xF  }
0x19f: {  	v3 =	vnsel vm1, $0x80000000, v4  }
0x1a0: {  	(xrf0) =	vmax.scan.msk.u32 $0xffff, v3  }
0x1a1: {  	v3 =	vsel vm1, $0x1, v0  }
0x1a2: {  	(xrf0) =	vadd.scan.msk.s32 $0xffff, v3  }
0x1a3: {  	v3 =	vld [tilespmem:s18+$0x0];
	_ =	sdelay $0x2  }
0x1a4: {  	v4, _, _ =	vpop (xrf0)  }
0x1a5: {  	(v2sf) =	vpush v4, $0xF  }
0x1a6: {  	(xrf0) =	vadd.scan.msk.s32 $0xffff, v3;
	v4, _, _ =	vpop (xrf0)  }
0x1a7: {  	(v2sf) =	vpush v4, $0xF;
	_ =	sdelay $0x3  }
0x1a8: {  	s19 =	spop (v2sf)  }
0x1a9: {  	v3, _, _ =	vpop (xrf0);
	s19 =	sxor.u32 $0x80000000, s19  }
0x1aa: {  	v3 =	vadd.s32 s19, v3  }
0x1ab: {  	vm1 =	vlt.s32 v3, $0x4000;
	v3 =	vxor.u32 $0x80000000, v3  }
0x1ac: {  	v4 =	vnsel vm1, $0x80000000, v3;
	(xrf0) =	vmax.scan.msk.u32 $0xffff, v3  }
0x1ad: {  	v3 =	vsel vm1, $0x1, v0;
	(xrf0) =	vmax.scan.msk.u32 $0xffff, v4  }
0x1ae: {  	(xrf0) =	vadd.scan.msk.s32 $0xffff, v3;
	_ =	sdelay $0x2  }
0x1af: {  	s31 =	spop (v2sf)  }
0x1b0: {  	s19 =	sxor.u32 $0x80000000, s31;
	v3, _, _ =	vpop (xrf0)  }
0x1b1: {  	[tilespmem:s18+$0xFFFFFFF0] =	vst v0;
	p0 =	slt.s32 s19, $0x0;
	s21 =	spop (v2sf);
	v4, _, _ =	vpop (xrf0);
	(v2sf) =	vpush v3, $0xF  }
0x1b2: {  	s20 =	simm.s32 $0x0;
	[tilespmem:s18+$0x0] =	vst v0;
	s19 =	smov.u32 @p0 s22;
	s21 =	sadd.s32 $0x0, s21;
	v3, _, _ =	vpop (xrf0);
	(v2sf) =	vpush v4, $0xF  }
.LBB2_28:
0x1b3: {  	s20 =	sadd.s32 $0x2, s20;
	(v2sf) =	vpush v3, $0xF  }
0x1b4: {  	p0 =	slt.u32 s20, $0x7E  }
0x1b5: {  	s18 =	sadd.s32 $0x20, s18  }
0x1b6: {  	v3 =	vld [tilespmem:s18+$0xFFFFFFF0];
	[tilespmem:s18+$0xFFFFFFF0] =	vst v0;
	_ =	sdelay $0x4  }
0x1b7: {  	(xrf0) =	vadd.scan.msk.s32 $0xffff, v3;
	_ =	sdelay $0x4  }
0x1b8: {  	s22 =	spop (v2sf)  }
0x1b9: {  	v3, _, _ =	vpop (xrf0);
	s22 =	sxor.u32 $0x80000000, s22;
	s23 =	spop (v2sf)  }
0x1ba: {  	v3 =	vadd.s32 s22, v3;
	s22 =	sxor.u32 $0x80000000, s23;
	s23 =	spop (v2sf)  }
0x1bb: {  	vm1 =	vlt.s32 v3, $0x4000;
	v3 =	vxor.u32 $0x80000000, v3;
	s21 =	sadd.s32 s23, s21;
	p1 =	sgt.s32 s19, s22  }
0x1bc: {  	v4 =	vsel vm1, $0x1, v0;
	v5 =	vnsel vm1, $0x80000000, v3;
	(xrf0) =	vmax.scan.msk.u32 $0xffff, v3;
	s22 =	smov.u32 @p1 s19  }
0x1bd: {  	(xrf0) =	vmax.scan.msk.u32 $0xffff, v5  }
0x1be: {  	(xrf0) =	vadd.scan.msk.s32 $0xffff, v4;
	_ =	sdelay $0x3  }
0x1bf: {  	v3, _, _ =	vpop (xrf0)  }
0x1c0: {  	v4, _, _ =	vpop (xrf0);
	(v2sf) =	vpush v3, $0xF  }
0x1c1: {  	v3, _, _ =	vpop (xrf0);
	(v2sf) =	vpush v4, $0xF  }
0x1c2: {  	(v2sf) =	vpush v3, $0xF;
	_ =	sdelay $0x2  }
0x1c3: {  	v3 =	vld [tilespmem:s18+$0x0];
	[tilespmem:s18+$0x0] =	vst v0;
	_ =	sdelay $0x4  }
0x1c4: {  	(xrf0) =	vadd.scan.msk.s32 $0xffff, v3;
	_ =	sdelay $0x4  }
0x1c5: {  	s19 =	spop (v2sf)  }
0x1c6: {  	s23 =	sxor.u32 $0x80000000, s19;
	s19 =	spop (v2sf);
	v3, _, _ =	vpop (xrf0)  }
0x1c7: {  	s19 =	sxor.u32 $0x80000000, s19;
	v3 =	vadd.s32 s23, v3;
	s23 =	spop (v2sf)  }
0x1c8: {  	s21 =	sadd.s32 s21, s23;
	p1 =	sgt.s32 s22, s19;
	vm1 =	vlt.s32 v3, $0x4000;
	v3 =	vxor.u32 $0x80000000, v3  }
0x1c9: {  	s19 =	smov.u32 @p1 s22;
	v4 =	vsel vm1, $0x1, v0;
	v5 =	vnsel vm1, $0x80000000, v3;
	(xrf0) =	vmax.scan.msk.u32 $0xffff, v3  }
0x1ca: {  	(xrf0) =	vmax.scan.msk.u32 $0xffff, v5  }
0x1cb: {  	(xrf0) =	vadd.scan.msk.s32 $0xffff, v4;
	_ =	sdelay $0x1  }
.Ltmp14:
0x1cc: {  	(pc) =	sbr.rel @p0 .LBB2_28-.Ltmp14, $4  }
0x1cd: {  	_ = 	snop  }
0x1ce: {  	v3, _, _ =	vpop (xrf0)  }
0x1cf: {  	v4, _, _ =	vpop (xrf0);
	(v2sf) =	vpush v3, $0xF  }
0x1d0: {  	v3, _, _ =	vpop (xrf0);
	(v2sf) =	vpush v4, $0xF  }
0x1d1: {  	(v2sf) =	vpush v3, $0xF;
	_ =	sdelay $0x7  }
0x1d2: {  	s22 =	simm.s32 $0x8040  }
0x1d3: {  	v5 =	vld [tilespmem:s22+$0xFFFFFFD0];
	_ =	sdelay $0x1  }
0x1d4: {  	v4 =	vld [tilespmem:s22+$0xFFFFFFC0]  }
0x1d5: {  	v6 =	vld [tilespmem:s22+$0xFFFFFFE0]  }
0x1d6: {  	v9 =	vld [tilespmem:s22+$0xFFFFFFF0];
	s18 =	spop (v2sf)  }
0x1d7: {  	v14 =	vand.u32 $0x7FFFFFFF, v5;
	v5 =	vld [tilespmem:s22+$0x10];
	s20 =	spop (v2sf)  }
0x1d8: {  	s18 =	spop (v2sf)  }
0x1d9: {  	v8 =	vimm.s32 $0x0;
	v7 =	vld [tilespmem:s22+$0x0];
	v13 =	vand.u32 $0x7FFFFFFF, v4;
	s18 =	sadd.s32 s18, s21  }
0x1da: {  	(v2sf) =	vpush v8, $0x0;
	v4 =	vshrl.u32 v13, $0x14;
	v3 =	vmov s18  }
0x1db: {  	v16 =	vand.u32 $0x7FFFFFFF, v6;
	vm7 =	veq.s32 v4, v3;
	v4 =	vshrl.u32 v14, $0x14  }
0x1dc: {  	v18 =	vand.u32 $0x7FFFFFFF, v9;
	v5 =	vand.u32 $0x7FFFFFFF, v5;
	vm3 =	veq.s32 v4, v3  }
0x1dd: {  	v6 =	vmpcnt.ones.xlane vm7;
	v4 =	vshrl.u32 v16, $0x14;
	v10 =	vmpcnt.ones.xlane vm3  }
0x1de: {  	vm5 =	veq.s32 v4, v3;
	v4 =	vand.u32 $0x7FFFFFFF, v7;
	vm10 =	vmmov vm3  }
0x1df: {  	v7 =	vld [tilespmem:s22+$0x20];
	v6 =	vadd.s32 v8, v6;
	v8 =	vmpcnt.ones.xlane vm5;
	v12 =	vshrl.u32 v4, $0x14  }
0x1e0: {  	v11 =	vld [tilespmem:s22+$0x30];
	v9 =	vadd.s32 v6, v10;
	v10 =	vshrl.u32 v18, $0x14;
	(v2sf) =	vpush v6, $0x0  }
0x1e1: {  	vm11 =	vmmov vm5;
	(v2sf) =	vpush v9, $0x0;
	vm9 =	veq.s32 v10, v3  }
0x1e2: {  	vm1 =	veq.s32 v12, v3;
	v8 =	vadd.s32 v9, v8;
	v10 =	vmpcnt.ones.xlane vm9  }
0x1e3: {  	v9 =	vshrl.u32 v5, $0x14;
	v12 =	vmpcnt.ones.xlane vm1;
	(v2sf) =	vpush v8, $0x0  }
0x1e4: {  	vm2 =	veq.s32 v9, v3;
	v6 =	vand.u32 $0x7FFFFFFF, v7;
	v8 =	vadd.s32 v8, v10  }
0x1e5: {  	s21 =	simm.s32 $0x80C0;
	v7 =	vand.u32 $0x7FFFFFFF, v11;
	v9 =	vshrl.u32 v6, $0x14;
	(v2sf) =	vpush v8, $0x0  }
0x1e6: {  	vm4 =	vmmov vm1;
	v11 =	vld [tilespmem:s21+$0xFFFFFFC0];
	vm6 =	veq.s32 v9, v3;
	v9 =	vshrl.u32 v7, $0x14  }
0x1e7: {  	vm1 =	vmmov vm2;
	v10 =	vmpcnt.ones.xlane vm2;
	vm8 =	veq.s32 v9, v3;
	v9 =	vld [tilespmem:s21+$0xFFFFFFD0]  }
0x1e8: {  	v19 =	vld [tilespmem:s21+$0xFFFFFFE0];
	v8 =	vadd.s32 v8, v12;
	v15 =	vmpcnt.ones.xlane vm6;
	vm2 =	vmmov vm6  }
0x1e9: {  	v10 =	vadd.s32 v8, v10;
	(v2sf) =	vpush v8, $0x0;
	v17 =	vmpcnt.ones.xlane vm8  }
0x1ea: {  	v12 =	vld [tilespmem:s21+$0x0];
	vm3 =	vmmov vm8;
	(v2sf) =	vpush v10, $0x0;
	v8 =	vadd.s32 v10, v15  }
0x1eb: {  	v15 =	vld [tilespmem:s21+$0xFFFFFFF0];
	v10 =	vand.u32 $0x7FFFFFFF, v11;
	v11 =	vadd.s32 v8, v17;
	(v2sf) =	vpush v8, $0x0  }
0x1ec: {  	v17 =	vshrl.u32 v10, $0x14;
	(v2sf) =	vpush v11, $0x0;
	v8 =	vand.u32 $0x7FFFFFFF, v9  }
0x1ed: {  	vm5 =	veq.s32 v17, v3;
	v9 =	vand.u32 $0x7FFFFFFF, v19;
	v19 =	vld [tilespmem:s21+$0x10];
	v17 =	vshrl.u32 v8, $0x14  }
0x1ee: {  	s28 =	spop (v2sf);
	v20 =	vmpcnt.ones.xlane vm5;
	vm8 =	veq.s32 v17, v3;
	v17 =	vshrl.u32 v9, $0x14  }
0x1ef: {  	v22 =	vld [tilespmem:s21+$0x20];
	v12 =	vand.u32 $0x7FFFFFFF, v12;
	v21 =	vmpcnt.ones.xlane vm8;
	vm6 =	veq.s32 v17, v3;
	s29 =	spop (v2sf)  }
0x1f0: {  	v17 =	vadd.s32 v11, v20;
	v11 =	vand.u32 $0x7FFFFFFF, v15;
	v20 =	vmpcnt.ones.xlane vm6;
	s30 =	spop (v2sf)  }
0x1f1: {  	(v2sf) =	vpush v17, $0x0;
	v21 =	vadd.s32 v17, v21;
	v17 =	vshrl.u32 v11, $0x14;
	[tilespmem:s30+$0x10800] =	vst.msk vm11, v16;
	v16 =	vld [tilespmem:s21+$0x30]  }
0x1f2: {  	s20 =	sxor.u32 $0x80000000, s20;
	[tilespmem:s28+$0x10800] =	vst.msk vm7, v13;
	v13 =	vand.u32 $0x7FFFFFFF, v19;
	v15 =	vadd.s32 v21, v20;
	(v2sf) =	vpush v21, $0x0  }
0x1f3: {  	p0 =	sgt.s32 s19, s20;
	[tilespmem:s29+$0x10800] =	vst.msk vm10, v14;
	v19 =	vshrl.u32 v12, $0x14;
	s31 =	spop (v2sf);
	vm7 =	veq.s32 v17, v3;
	(v2sf) =	vpush v15, $0x0  }
0x1f4: {  	s20 =	smov.u32 @p0 s19;
	s19 =	simm.s32 $0x8;
	v14 =	vand.u32 $0x7FFFFFFF, v22;
	v17 =	vshrl.u32 v13, $0x14;
	[tilespmem:s31+$0x10800] =	vst.msk vm9, v18;
	v18 =	vmpcnt.ones.xlane vm7;
	s22 =	spop (v2sf)  }
.LBB2_30:
0x1f5: {  	s19 =	sadd.s32 $0x8, s19;
	vm9 =	veq.s32 v19, v3;
	vm10 =	veq.s32 v17, v3;
	v17 =	vshrl.u32 v14, $0x14  }
0x1f6: {  	p0 =	slt.u32 s19, $0x7F8;
	v15 =	vadd.s32 v15, v18;
	v18 =	vmpcnt.ones.xlane vm10;
	v16 =	vand.u32 $0x7FFFFFFF, v16  }
0x1f7: {  	s21 =	sadd.s32 $0x80, s21;
	vm11 =	veq.s32 v17, v3;
	v17 =	vshrl.u32 v16, $0x14;
	(v2sf) =	vpush v15, $0x0  }
0x1f8: {  	v20 =	vmpcnt.ones.xlane vm9;
	v21 =	vmpcnt.ones.xlane vm11;
	v19 =	vld [tilespmem:s21+$0xFFFFFFC0];
	vm12 =	veq.s32 v17, v3;
	[tilespmem:s22+$0x10800] =	vst.msk vm4, v4;
	s22 =	spop (v2sf);
	v4 =	vmovc v12  }
0x1f9: {  	vm4 =	vmmov vm9;
	v12 =	vld [tilespmem:s21+$0xFFFFFFD0];
	v17 =	vmpcnt.ones.xlane vm12;
	[tilespmem:s22+$0x10800] =	vst.msk vm1, v5;
	s22 =	spop (v2sf);
	v5 =	vmovc v13;
	vm1 =	vmmov vm10  }
0x1fa: {  	v15 =	vadd.s32 v15, v20;
	vm9 =	vmmov vm8;
	v13 =	vld [tilespmem:s21+$0xFFFFFFE0];
	[tilespmem:s22+$0x10800] =	vst.msk vm2, v6;
	s22 =	spop (v2sf);
	v6 =	vmovc v14;
	vm2 =	vmmov vm11  }
0x1fb: {  	v18 =	vadd.s32 v15, v18;
	v14 =	vld [tilespmem:s21+$0xFFFFFFF0];
	s23 =	spop (v2sf);
	(v2sf) =	vpush v15, $0x0;
	[tilespmem:s22+$0x10800] =	vst.msk vm3, v7;
	v7 =	vmovc v16;
	vm3 =	vmmov vm12  }
0x1fc: {  	vm10 =	vmmov vm6;
	v16 =	vadd.s32 v18, v21;
	v15 =	vld [tilespmem:s21+$0x0];
	[tilespmem:s23+$0x10800] =	vst.msk vm5, v10;
	(v2sf) =	vpush v18, $0x0  }
0x1fd: {  	v17 =	vadd.s32 v16, v17;
	v10 =	vand.u32 $0x7FFFFFFF, v19;
	(v2sf) =	vpush v16, $0x0  }
0x1fe: {  	v16 =	vshrl.u32 v10, $0x14;
	v18 =	vand.u32 $0x7FFFFFFF, v12;
	(v2sf) =	vpush v17, $0x0  }
0x1ff: {  	vm5 =	veq.s32 v16, v3;
	v12 =	vshrl.u32 v18, $0x14;
	v13 =	vand.u32 $0x7FFFFFFF, v13;
	v19 =	vld [tilespmem:s21+$0x10]  }
0x200: {  	v16 =	vmpcnt.ones.xlane vm5;
	vm8 =	veq.s32 v12, v3;
	v12 =	vshrl.u32 v13, $0x14;
	s22 =	spop (v2sf)  }
0x201: {  	v20 =	vmpcnt.ones.xlane vm8;
	vm6 =	veq.s32 v12, v3;
	v12 =	vand.u32 $0x7FFFFFFF, v15;
	v21 =	vld [tilespmem:s21+$0x20];
	[tilespmem:s22+$0x10800] =	vst.msk vm9, v8;
	s22 =	spop (v2sf);
	v8 =	vmovc v18  }
.Ltmp15:
0x202: {  	v14 =	vand.u32 $0x7FFFFFFF, v14;
	v15 =	vadd.s32 v17, v16;
	v17 =	vmpcnt.ones.xlane vm6;
	[tilespmem:s22+$0x10800] =	vst.msk vm10, v9;
	s22 =	spop (v2sf);
	v9 =	vmovc v13;
	(pc) =	sbr.rel @p0 .LBB2_30-.Ltmp15, $4  }
0x203: {  	v18 =	vadd.s32 v15, v20;
	v20 =	vshrl.u32 v14, $0x14;
	v16 =	vld [tilespmem:s21+$0x30];
	(v2sf) =	vpush v15, $0x0;
	[tilespmem:s22+$0x10800] =	vst.msk vm7, v11;
	v11 =	vmovc v14  }
0x204: {  	v15 =	vadd.s32 v18, v17;
	v13 =	vand.u32 $0x7FFFFFFF, v19;
	(v2sf) =	vpush v18, $0x0  }
0x205: {  	vm7 =	veq.s32 v20, v3;
	v17 =	vshrl.u32 v13, $0x14;
	(v2sf) =	vpush v15, $0x0  }
0x206: {  	v19 =	vshrl.u32 v12, $0x14;
	v18 =	vmpcnt.ones.xlane vm7;
	v14 =	vand.u32 $0x7FFFFFFF, v21;
	s22 =	spop (v2sf)  }
0x207: {  	vm10 =	veq.s32 v19, v3  }
0x208: {  	vm9 =	veq.s32 v17, v3;
	v59 =	vshrl.u32 v14, $0x14;
	v15 =	vadd.s32 v15, v18  }
0x209: {  	v60 =	vmpcnt.ones.xlane vm9;
	v16 =	vand.u32 $0x7FFFFFFF, v16;
	v19 =	vmpcnt.ones.xlane vm10  }
0x20a: {  	vm11 =	veq.s32 v59, v3;
	v61 =	vshrl.u32 v16, $0x14;
	(v2sf) =	vpush v15, $0x0  }
0x20b: {  	v20 =	vmpcnt.ones.xlane vm11;
	vm12 =	veq.s32 v61, v3;
	v3 =	vadd.s32 v15, v19  }
0x20c: {  	v62 =	vmpcnt.ones.xlane vm12;
	v63 =	vadd.s32 v3, v60;
	(v2sf) =	vpush v3, $0x0  }
0x20d: {  	v3 =	vadd.s32 v63, v20;
	(v2sf) =	vpush v63, $0x0  }
0x20e: {  	v15 =	vadd.s32 v3, v62;
	(v2sf) =	vpush v3, $0x0  }
0x20f: {  	(v2sf) =	vpush v15, $0x0;
	_ =	sdelay $0x3  }
0x210: {  	s19 =	spop (v2sf)  }
0x211: {  	s21 =	spop (v2sf)  }
0x212: {  	s23 =	spop (v2sf)  }
0x213: {  	s24 =	spop (v2sf)  }
0x214: {  	s31 =	spop (v2sf)  }
0x215: {  	s25 =	spop (v2sf)  }
0x216: {  	s26 =	spop (v2sf)  }
0x217: {  	s28 =	spop (v2sf)  }
0x218: {  	[tilespmem:s19+$0x10800] =	vst.msk vm1, v5;
	s29 =	spop (v2sf)  }
0x219: {  	[tilespmem:s21+$0x10800] =	vst.msk vm2, v6;
	vm2 =	vmmov vm6;
	s30 =	spop (v2sf)  }
0x21a: {  	vm1 =	vmmov vm8;
	[tilespmem:s25+$0x10800] =	vst.msk vm2, v9;
	s25 =	spop (v2sf)  }
0x21b: {  	[tilespmem:s31+$0x10800] =	vst.msk vm1, v8;
	s31 =	spop (v2sf)  }
0x21c: {  	[tilespmem:s22+$0x10800] =	vst.msk vm4, v4;
	s19 =	sadd.s32 $0xF, s31  }
0x21d: {  	[tilespmem:s23+$0x10800] =	vst.msk vm3, v7;
	s19 =	sshrl.u32 s19, $0x4  }
0x21e: {  	[tilespmem:s24+$0x10800] =	vst.msk vm5, v10;
	p0 =	seq.s32 s19, $0x0  }
.Ltmp16:
0x21f: {  	vm1 =	vmmov vm10;
	[tilespmem:s26+$0x10800] =	vst.msk vm7, v11;
	(pc) =	sbr.rel @p0 .LBB2_35-.Ltmp16, $4  }
0x220: {  	[tilespmem:s28+$0x10800] =	vst.msk vm1, v12;
	vm1 =	vmmov vm9  }
0x221: {  	[tilespmem:s29+$0x10800] =	vst.msk vm1, v13;
	vm1 =	vmmov vm11  }
0x222: {  	v4 =	vbroadcast v15, $0x0;
	[tilespmem:s30+$0x10800] =	vst.msk vm1, v14;
	vm1 =	vmmov vm12  }
0x223: {  	[tilespmem:s25+$0x10800] =	vst.msk vm1, v16  }
0x224: {  	s22 =	simm.s32 $0x10800  }
0x225: {  	p1 =	seq.s32 s19, $0x1;
	v3 =	vld [tilespmem:s22+$0x0]  }
.Ltmp17:
0x226: {  	_ = 	snop;
	(pc) =	sbr.rel @p1 .LBB2_34-.Ltmp17, $4  }
0x227: {  	_ = 	snop  }
0x228: {  	s21 =	simm.s32 $0x0  }
0x229: {  	v5 =	vor.u32 s21, v2  }
0x22a: {  	s23 =	simm.s32 $0x10810;
	s22 =	sadd.s32 $0xFFFFFFFF, s19;
	vm1 =	vlt.s32 v5, v4;
	v3 =	vshrl.u32 v3, $0xA  }
.LBB2_33:
0x22b: {  	v5 =	vld [tilespmem:s23+$0x0];
	p1 =	seq.s32 s22, $0x1;
	s22 =	sadd.s32 $0xFFFFFFFF, s22;
	v6 =	vand.u32 $0x3FF, v3  }
.Ltmp18:
0x22c: {  	(pc) =	sbr.rel @!p1 .LBB2_33-.Ltmp18, $4  }
0x22d: {  	_ = 	snop  }
0x22e: {  	s21 =	sadd.s32 $0x10, s21  }
0x22f: {  	v7 =	vor.u32 s21, v2  }
0x230: {  	s23 =	sadd.s32 $0x10, s23;
	v3 =	vshrl.u32 v5, $0xA;
	[tilespmem:v6+s11+$0x0] =	vst.idx.add.s32.msk vm1, v1;
	vm1 =	vlt.s32 v7, v4  }
.LBB2_34:
0x231: {  	v3 =	vand.u32 $0x3FF, v3;
	_ =	sdelay $0x4  }
0x232: {  	[tilespmem:v3+s11+$0x0] =	vst.idx.add.s32.msk vm1, v1  }
.LBB2_35:
0x233: {  	s16 =	sshll.u32 s16, $0xA  }
0x234: {  	s16 =	sor.u32 s16, s17  }
0x235: {  	v3 =	vmov s16;
	s16 =	simm.s32 $0x10010  }
0x236: {  	v6 =	vld [tilespmem:s16+$0xFFFFFFF0];
	_ =	sdelay $0x4  }
0x237: {  	(xrf0) =	vadd.scan.msk.s32 $0xffff, v6;
	_ =	sdelay $0x5  }
0x238: {  	s23 =	simm.s32 $0x0;
	v6, _, _ =	vpop (xrf0)  }
0x239: {  	v6 =	vadd.s32 s23, v6  }
0x23a: {  	v7 =	vxor.u32 $0x80000000, v6  }
0x23b: {  	(xrf0) =	vmax.scan.msk.u32 $0xffff, v7;
	_ =	sdelay $0x4  }
0x23c: {  	s17 =	ssub.s32 $0x4000, s20  }
0x23d: {  	v5 =	vmov s17;
	v8, _, _ =	vpop (xrf0)  }
0x23e: {  	vm1 =	vlt.s32 v6, v5;
	(v2sf) =	vpush v8, $0xF  }
0x23f: {  	v6 =	vnsel vm1, $0x80000000, v7  }
0x240: {  	(xrf0) =	vmax.scan.msk.u32 $0xffff, v6  }
0x241: {  	v6 =	vsel vm1, $0x1, v0  }
0x242: {  	(xrf0) =	vadd.scan.msk.s32 $0xffff, v6  }
0x243: {  	v6 =	vld [tilespmem:s16+$0x0];
	_ =	sdelay $0x2  }
0x244: {  	v7, _, _ =	vpop (xrf0)  }
0x245: {  	(v2sf) =	vpush v7, $0xF  }
0x246: {  	(xrf0) =	vadd.scan.msk.s32 $0xffff, v6;
	v7, _, _ =	vpop (xrf0)  }
0x247: {  	(v2sf) =	vpush v7, $0xF;
	_ =	sdelay $0x3  }
0x248: {  	s30 =	spop (v2sf)  }
0x249: {  	v6, _, _ =	vpop (xrf0);
	s20 =	sxor.u32 $0x80000000, s30  }
0x24a: {  	v6 =	vadd.s32 s20, v6  }
0x24b: {  	vm1 =	vlt.s32 v6, v5;
	v6 =	vxor.u32 $0x80000000, v6  }
0x24c: {  	v7 =	vnsel vm1, $0x80000000, v6;
	(xrf0) =	vmax.scan.msk.u32 $0xffff, v6  }
0x24d: {  	v6 =	vsel vm1, $0x1, v0;
	(xrf0) =	vmax.scan.msk.u32 $0xffff, v7  }
0x24e: {  	(xrf0) =	vadd.scan.msk.s32 $0xffff, v6;
	_ =	sdelay $0x2  }
0x24f: {  	s31 =	spop (v2sf)  }
0x250: {  	s21 =	sxor.u32 $0x80000000, s31;
	v6, _, _ =	vpop (xrf0)  }
0x251: {  	[tilespmem:s16+$0xFFFFFFF0] =	vst v0;
	p1 =	slt.s32 s21, $0x0;
	s22 =	spop (v2sf);
	v7, _, _ =	vpop (xrf0);
	(v2sf) =	vpush v6, $0xF  }
0x252: {  	v3 =	vnsel vm0, $0x0, v3;
	[tilespmem:s16+$0x0] =	vst v0;
	s20 =	simm.s32 $0x0;
	s21 =	smov.u32 @p1 s23;
	s22 =	sadd.s32 $0x0, s22;
	v6, _, _ =	vpop (xrf0);
	(v2sf) =	vpush v7, $0xF  }
.LBB2_36:
0x253: {  	s20 =	sadd.s32 $0x2, s20;
	(v2sf) =	vpush v6, $0xF  }
0x254: {  	p1 =	slt.u32 s20, $0x3E  }
0x255: {  	s16 =	sadd.s32 $0x20, s16  }
0x256: {  	v6 =	vld [tilespmem:s16+$0xFFFFFFF0];
	[tilespmem:s16+$0xFFFFFFF0] =	vst v0;
	_ =	sdelay $0x4  }
0x257: {  	(xrf0) =	vadd.scan.msk.s32 $0xffff, v6;
	_ =	sdelay $0x4  }
0x258: {  	s23 =	spop (v2sf)  }
0x259: {  	v6, _, _ =	vpop (xrf0);
	s23 =	sxor.u32 $0x80000000, s23;
	s24 =	spop (v2sf)  }
0x25a: {  	v6 =	vadd.s32 s23, v6;
	s23 =	sxor.u32 $0x80000000, s24;
	s24 =	spop (v2sf)  }
0x25b: {  	vm1 =	vlt.s32 v6, v5;
	v6 =	vxor.u32 $0x80000000, v6;
	s22 =	sadd.s32 s24, s22;
	p2 =	sgt.s32 s21, s23  }
0x25c: {  	v7 =	vsel vm1, $0x1, v0;
	v8 =	vnsel vm1, $0x80000000, v6;
	(xrf0) =	vmax.scan.msk.u32 $0xffff, v6;
	s23 =	smov.u32 @p2 s21  }
0x25d: {  	(xrf0) =	vmax.scan.msk.u32 $0xffff, v8  }
0x25e: {  	(xrf0) =	vadd.scan.msk.s32 $0xffff, v7;
	_ =	sdelay $0x3  }
0x25f: {  	v6, _, _ =	vpop (xrf0)  }
0x260: {  	v7, _, _ =	vpop (xrf0);
	(v2sf) =	vpush v6, $0xF  }
0x261: {  	v6, _, _ =	vpop (xrf0);
	(v2sf) =	vpush v7, $0xF  }
0x262: {  	(v2sf) =	vpush v6, $0xF;
	_ =	sdelay $0x2  }
0x263: {  	v6 =	vld [tilespmem:s16+$0x0];
	[tilespmem:s16+$0x0] =	vst v0;
	_ =	sdelay $0x4  }
0x264: {  	(xrf0) =	vadd.scan.msk.s32 $0xffff, v6;
	_ =	sdelay $0x4  }
0x265: {  	s21 =	spop (v2sf)  }
0x266: {  	s24 =	sxor.u32 $0x80000000, s21;
	s21 =	spop (v2sf);
	v6, _, _ =	vpop (xrf0)  }
0x267: {  	s21 =	sxor.u32 $0x80000000, s21;
	v6 =	vadd.s32 s24, v6;
	s24 =	spop (v2sf)  }
0x268: {  	s22 =	sadd.s32 s22, s24;
	p2 =	sgt.s32 s23, s21;
	vm1 =	vlt.s32 v6, v5;
	v6 =	vxor.u32 $0x80000000, v6  }
0x269: {  	s21 =	smov.u32 @p2 s23;
	v7 =	vsel vm1, $0x1, v0;
	v8 =	vnsel vm1, $0x80000000, v6;
	(xrf0) =	vmax.scan.msk.u32 $0xffff, v6  }
0x26a: {  	(xrf0) =	vmax.scan.msk.u32 $0xffff, v8  }
0x26b: {  	(xrf0) =	vadd.scan.msk.s32 $0xffff, v7;
	_ =	sdelay $0x1  }
.Ltmp19:
0x26c: {  	(pc) =	sbr.rel @p1 .LBB2_36-.Ltmp19, $4  }
0x26d: {  	_ = 	snop  }
0x26e: {  	v6, _, _ =	vpop (xrf0)  }
0x26f: {  	v7, _, _ =	vpop (xrf0);
	(v2sf) =	vpush v6, $0xF  }
0x270: {  	v6, _, _ =	vpop (xrf0);
	(v2sf) =	vpush v7, $0xF  }
0x271: {  	(v2sf) =	vpush v6, $0xF;
	_ =	sdelay $0xc  }
.Ltmp20:
0x272: {  	s16 =	spop (v2sf);
	(pc) =	sbr.rel @p0 .LBB2_45-.Ltmp20, $4  }
0x273: {  	s16 =	spop (v2sf)  }
0x274: {  	s20 =	sxor.u32 $0x80000000, s16;
	s31 =	spop (v2sf)  }
0x275: {  	s18 =	sshll.u32 s18, $0xA;
	s16 =	sadd.s32 s31, s22;
	p1 =	sgt.s32 s21, s20  }
0x276: {  	s20 =	smov.u32 @p1 s21;
	s16 =	sor.u32 s18, s16  }
0x277: {  	s21 =	simm.s32 $0x10800  }
0x278: {  	p1 =	seq.s32 s19, $0x1;
	v10 =	vld [tilespmem:s21+$0x0]  }
.Ltmp21:
0x279: {  	_ = 	snop;
	(pc) =	sbr.rel @p1 .LBB2_39-.Ltmp21, $3  }
0x27a: {  	_ =	sdelay $0x1  }
0x27b: {  	s18 =	simm.s32 $0x0  }
0x27c: {  	v5 =	vmov s16;
	s19 =	sadd.s32 $0xFFFFFFFF, s19;
	p0 =	por $0x0, $0x0;
	v7 =	vor.u32 s18, v2;
	s18 =	simm.s32 $0x10810;
	v8 =	vshrl.u32 v10, $0xA  }
0x27d: {  	v9 =	vld [tilespmem:s18+$0x0];
	vm1 =	vlt.s32 v7, v4;
	vm2 =	veq.s32 v8, v5;
	p1 =	seq.s32 s19, $0x1  }
.Ltmp22:
0x27e: {  	vm1 =	vmand vm1, vm2;
	(pc) =	sbr.rel @p1 .LBB2_41-.Ltmp22, $3  }
0x27f: {  	v6 =	vand.u32 $0x3FF, v10;
	_ =	sdelay $0x1  }
0x280: {  	s18 =	simm.s32 $0x10  }
0x281: {  	s19 =	sadd.s32 $0xFFFFFFFF, s19;
	s21 =	simm.s32 $0x10820;
	p0 =	por $0x1, $0x1;
	v7 =	vor.u32 s18, v2;
	v8 =	vshrl.u32 v9, $0xA  }
.LBB2_42:
0x282: {  	v10 =	vld [tilespmem:s21+$0x0];
	p1 =	seq.s32 s19, $0x1;
	s19 =	sadd.s32 $0xFFFFFFFF, s19;
	vm2 =	vlt.s32 v7, v4;
	vm3 =	veq.s32 v8, v5  }
.Ltmp23:
0x283: {  	[tilespmem:v6+s11+$0x0] =	vst.idx.add.s32.msk vm1, v1;
	vm1 =	vmand vm2, vm3;
	(pc) =	sbr.rel @!p1 .LBB2_42-.Ltmp23, $3  }
0x284: {  	v6 =	vand.u32 $0x3FF, v9;
	_ =	sdelay $0x1  }
0x285: {  	s18 =	sadd.s32 $0x10, s18  }
0x286: {  	s21 =	sadd.s32 $0x10, s21;
	v7 =	vor.u32 s18, v2;
	v8 =	vshrl.u32 v10, $0xA;
	v9 =	vmov v10  }
0x287: {  	v10 =	vmov v9  }
.LBB2_44:
0x288: {  	vm2 =	vlt.s32 v7, v4;
	vm3 =	veq.s32 v8, v5  }
0x289: {  	vm2 =	vmand vm2, vm3  }
0x28a: {  	v4 =	vand.u32 $0x3FF, v10;
	_ =	sdelay $0x3  }
0x28b: {  	[tilespmem:v6+s11+$0x0] =	vst.idx.add.s32.msk @p0 vm1, v1  }
0x28c: {  	[tilespmem:v4+s11+$0x0] =	vst.idx.add.s32.msk vm2, v1  }
.LBB2_45:
0x28d: {  	s17 =	ssub.s32 s17, s20  }
0x28e: {  	v4 =	vmov s17;
	s17 =	simm.s32 $0x10010  }
0x28f: {  	v5 =	vld [tilespmem:s17+$0xFFFFFFF0];
	_ =	sdelay $0x4  }
0x290: {  	(xrf0) =	vadd.scan.msk.s32 $0xffff, v5;
	_ =	sdelay $0x5  }
0x291: {  	s18 =	simm.s32 $0x0;
	v5, _, _ =	vpop (xrf0)  }
0x292: {  	v5 =	vadd.s32 s18, v5  }
0x293: {  	v6 =	vxor.u32 $0x80000000, v5  }
0x294: {  	(xrf0) =	vmax.scan.msk.u32 $0xffff, v6;
	_ =	sdelay $0x5  }
0x295: {  	v6, _, _ =	vpop (xrf0)  }
0x296: {  	(v2sf) =	vpush v6, $0xF;
	_ =	sdelay $0x1  }
0x297: {  	vm1 =	vlt.s32 v5, v4  }
0x298: {  	v5 =	vsel vm1, $0x1, v0  }
0x299: {  	(xrf0) =	vadd.scan.msk.s32 $0xffff, v5  }
0x29a: {  	v5 =	vld [tilespmem:s17+$0x0];
	_ =	sdelay $0x4  }
0x29b: {  	v6, _, _ =	vpop (xrf0);
	(xrf0) =	vadd.scan.msk.s32 $0xffff, v5  }
0x29c: {  	(v2sf) =	vpush v6, $0xF;
	_ =	sdelay $0x3  }
0x29d: {  	s31 =	spop (v2sf)  }
0x29e: {  	v5, _, _ =	vpop (xrf0);
	s18 =	sxor.u32 $0x80000000, s31  }
0x29f: {  	v5 =	vadd.s32 s18, v5  }
0x2a0: {  	vm1 =	vlt.s32 v5, v4;
	v5 =	vxor.u32 $0x80000000, v5  }
0x2a1: {  	v6 =	vsel vm1, $0x1, v0;
	(xrf0) =	vmax.scan.msk.u32 $0xffff, v5  }
0x2a2: {  	(xrf0) =	vadd.scan.msk.s32 $0xffff, v6;
	_ =	sdelay $0x4  }
0x2a3: {  	v5, _, _ =	vpop (xrf0)  }
0x2a4: {  	[tilespmem:s17+$0xFFFFFFF0] =	vst v0;
	s19 =	spop (v2sf);
	v6, _, _ =	vpop (xrf0);
	(v2sf) =	vpush v5, $0xF  }
0x2a5: {  	[tilespmem:s17+$0x0] =	vst v0;
	s18 =	simm.s32 $0x0;
	s19 =	sadd.s32 $0x0, s19;
	(v2sf) =	vpush v6, $0xF  }
.LBB2_46:
0x2a6: {  	_ =	sdelay $0x1  }
0x2a7: {  	s18 =	sadd.s32 $0x2, s18;
	s17 =	sadd.s32 $0x20, s17  }
0x2a8: {  	v5 =	vld [tilespmem:s17+$0xFFFFFFF0];
	[tilespmem:s17+$0xFFFFFFF0] =	vst v0;
	p0 =	slt.u32 s18, $0x3E;
	_ =	sdelay $0x4  }
0x2a9: {  	(xrf0) =	vadd.scan.msk.s32 $0xffff, v5;
	_ =	sdelay $0x4  }
0x2aa: {  	s20 =	spop (v2sf)  }
0x2ab: {  	v5, _, _ =	vpop (xrf0);
	s20 =	sxor.u32 $0x80000000, s20;
	s21 =	spop (v2sf)  }
0x2ac: {  	v5 =	vadd.s32 s20, v5;
	s19 =	sadd.s32 s21, s19  }
0x2ad: {  	vm1 =	vlt.s32 v5, v4;
	v5 =	vxor.u32 $0x80000000, v5  }
0x2ae: {  	v6 =	vsel vm1, $0x1, v0;
	(xrf0) =	vmax.scan.msk.u32 $0xffff, v5  }
0x2af: {  	(xrf0) =	vadd.scan.msk.s32 $0xffff, v6;
	_ =	sdelay $0x4  }
0x2b0: {  	v5, _, _ =	vpop (xrf0)  }
0x2b1: {  	v6, _, _ =	vpop (xrf0);
	(v2sf) =	vpush v5, $0xF  }
0x2b2: {  	(v2sf) =	vpush v6, $0xF;
	_ =	sdelay $0x3  }
0x2b3: {  	v5 =	vld [tilespmem:s17+$0x0];
	[tilespmem:s17+$0x0] =	vst v0;
	_ =	sdelay $0x4  }
0x2b4: {  	(xrf0) =	vadd.scan.msk.s32 $0xffff, v5;
	_ =	sdelay $0x4  }
0x2b5: {  	s20 =	spop (v2sf)  }
0x2b6: {  	s20 =	sxor.u32 $0x80000000, s20;
	s21 =	spop (v2sf);
	v5, _, _ =	vpop (xrf0)  }
0x2b7: {  	s19 =	sadd.s32 s19, s21;
	v5 =	vadd.s32 s20, v5  }
0x2b8: {  	vm1 =	vlt.s32 v5, v4;
	v5 =	vxor.u32 $0x80000000, v5  }
0x2b9: {  	v6 =	vsel vm1, $0x1, v0;
	(xrf0) =	vmax.scan.msk.u32 $0xffff, v5  }
0x2ba: {  	(xrf0) =	vadd.scan.msk.s32 $0xffff, v6;
	_ =	sdelay $0x2  }
.Ltmp24:
0x2bb: {  	(pc) =	sbr.rel @p0 .LBB2_46-.Ltmp24, $4  }
0x2bc: {  	_ = 	snop  }
0x2bd: {  	v5, _, _ =	vpop (xrf0)  }
0x2be: {  	v6, _, _ =	vpop (xrf0);
	(v2sf) =	vpush v5, $0xF  }
0x2bf: {  	(v2sf) =	vpush v6, $0xF  }
0x2c0: {  	_ =	sdelay $0xc  }
0x2c1: {  	s17 =	spop (v2sf)  }
0x2c2: {  	s17 =	spop (v2sf)  }
0x2c3: {  	_ =	swait.ge [sflag:s9], $0x8000  }
0x2c4: {  	[sflag:s9] =	ssyncset.done $0x0  }
0x2c5: {  	s18 =	simm.s32 $0x40;
	[sflag:s9] =	ssyncadd.s32 $0xFFFF8000  }
0x2c6: {  	[tilespmem:s10], [sflag:$0x2] =	stream.linear.gather [hbm4b:s6+s2], $0x8000, $0x38;
	[tilespmem:$0x18880] =	vst v63  }
0x2c7: {  	v4 =	vld [tilespmem:s18+$0x30]  }
0x2c8: {  	v5 =	vld [tilespmem:s18+$0xFFFFFFD0]  }
0x2c9: {  	v6 =	vld [tilespmem:s18+$0xFFFFFFE0]  }
0x2ca: {  	v7 =	vld [tilespmem:s18+$0xFFFFFFF0]  }
0x2cb: {  	v8 =	vld [tilespmem:s18+$0x0]  }
0x2cc: {  	v4 =	vshrl.u32 v4, $0x14  }
0x2cd: {  	v5 =	vshrl.u32 v5, $0x14;
	v4 =	vand.u32 $0x7FF, v4  }
0x2ce: {  	v9 =	vld [tilespmem:s18+$0x10];
	v6 =	vshrl.u32 v6, $0x14;
	v5 =	vand.u32 $0x7FF, v5  }
0x2cf: {  	v10 =	vld [tilespmem:s18+$0x20];
	v7 =	vshrl.u32 v7, $0x14;
	v6 =	vand.u32 $0x7FF, v6  }
0x2d0: {  	v11 =	vld [tilespmem:s18+$0xFFFFFFC0];
	v8 =	vshrl.u32 v8, $0x14;
	v7 =	vand.u32 $0x7FF, v7  }
0x2d1: {  	v8 =	vand.u32 $0x7FF, v8  }
0x2d2: {  	[tilespmem:v4+s11+$0x0] =	vst.idx.add.s32.msk $0xffff, v1  }
0x2d3: {  	[tilespmem:v5+s11+$0x0] =	vst.idx.add.s32.msk $0xffff, v1  }
0x2d4: {  	[tilespmem:v6+s11+$0x0] =	vst.idx.add.s32.msk $0xffff, v1  }
0x2d5: {  	v4 =	vshrl.u32 v9, $0x14;
	v5 =	vshrl.u32 v10, $0x14;
	v6 =	vshrl.u32 v11, $0x14;
	[tilespmem:v7+s11+$0x0] =	vst.idx.add.s32.msk $0xffff, v1  }
0x2d6: {  	s20 =	simm.s32 $0xC0;
	s17 =	sadd.s32 s17, s19;
	s19 =	simm.s32 $0x0;
	[tilespmem:v8+s11+$0x0] =	vst.idx.add.s32.msk $0xffff, v1;
	v4 =	vand.u32 $0x7FF, v4;
	v5 =	vand.u32 $0x7FF, v5;
	v6 =	vand.u32 $0x7FF, v6  }
.LBB2_48:
0x2d7: {  	v7 =	vld [tilespmem:s20+$0x30];
	s19 =	sadd.s32 $0x8, s19  }
0x2d8: {  	v8 =	vld [tilespmem:s20+$0xFFFFFFD0];
	p0 =	slt.u32 s19, $0x7F8  }
0x2d9: {  	v9 =	vld [tilespmem:s20+$0xFFFFFFE0]  }
0x2da: {  	v10 =	vld [tilespmem:s20+$0xFFFFFFF0]  }
0x2db: {  	v11 =	vld [tilespmem:s20+$0x0]  }
0x2dc: {  	v12 =	vld [tilespmem:s20+$0x10];
	v7 =	vshrl.u32 v7, $0x14  }
0x2dd: {  	v8 =	vshrl.u32 v8, $0x14;
	v13 =	vld [tilespmem:s20+$0x20];
	v7 =	vand.u32 $0x7FF, v7  }
0x2de: {  	v14 =	vld [tilespmem:s20+$0xFFFFFFC0];
	v8 =	vand.u32 $0x7FF, v8;
	v9 =	vshrl.u32 v9, $0x14  }
0x2df: {  	v9 =	vand.u32 $0x7FF, v9;
	v10 =	vshrl.u32 v10, $0x14;
	[tilespmem:v6+s11+$0x0] =	vst.idx.add.s32.msk $0xffff, v1  }
0x2e0: {  	v10 =	vand.u32 $0x7FF, v10;
	v6 =	vshrl.u32 v11, $0x14;
	[tilespmem:v4+s11+$0x0] =	vst.idx.add.s32.msk $0xffff, v1  }
0x2e1: {  	v11 =	vand.u32 $0x7FF, v6;
	v4 =	vshrl.u32 v12, $0x14;
	[tilespmem:v5+s11+$0x0] =	vst.idx.add.s32.msk $0xffff, v1  }
.Ltmp25:
0x2e2: {  	s22 =	simm.s32 $0x0;
	s18 =	simm.s32 $0x10010;
	v4 =	vand.u32 $0x7FF, v4;
	v5 =	vshrl.u32 v13, $0x14;
	[tilespmem:v7+s11+$0x0] =	vst.idx.add.s32.msk $0xffff, v1;
	(pc) =	sbr.rel @p0 .LBB2_48-.Ltmp25, $4  }
0x2e3: {  	v6 =	vshrl.u32 v14, $0x14;
	[tilespmem:v8+s11+$0x0] =	vst.idx.add.s32.msk $0xffff, v1;
	v5 =	vand.u32 $0x7FF, v5  }
0x2e4: {  	v6 =	vand.u32 $0x7FF, v6;
	[tilespmem:v9+s11+$0x0] =	vst.idx.add.s32.msk $0xffff, v1  }
0x2e5: {  	[tilespmem:v10+s11+$0x0] =	vst.idx.add.s32.msk $0xffff, v1  }
0x2e6: {  	s20 =	sadd.s32 $0x80, s20;
	[tilespmem:v11+s11+$0x0] =	vst.idx.add.s32.msk $0xffff, v1  }
0x2e7: {  	_ =	sdelay $0x3  }
0x2e8: {  	[tilespmem:v6+s11+$0x0] =	vst.idx.add.s32.msk $0xffff, v1  }
0x2e9: {  	[tilespmem:v4+s11+$0x0] =	vst.idx.add.s32.msk $0xffff, v1  }
0x2ea: {  	[tilespmem:v5+s11+$0x0] =	vst.idx.add.s32.msk $0xffff, v1  }
0x2eb: {  	v4 =	vld [tilespmem:s18+$0xFFFFFFF0];
	_ =	sdelay $0x4  }
0x2ec: {  	(xrf0) =	vadd.scan.msk.s32 $0xffff, v4;
	_ =	sdelay $0x5  }
0x2ed: {  	v4, _, _ =	vpop (xrf0)  }
0x2ee: {  	v4 =	vadd.s32 s22, v4  }
0x2ef: {  	v5 =	vxor.u32 $0x80000000, v4  }
0x2f0: {  	(xrf0) =	vmax.scan.msk.u32 $0xffff, v5;
	_ =	sdelay $0x5  }
0x2f1: {  	v6, _, _ =	vpop (xrf0)  }
0x2f2: {  	vm1 =	vlt.s32 v4, $0x4000;
	(v2sf) =	vpush v6, $0xF  }
0x2f3: {  	v4 =	vnsel vm1, $0x80000000, v5  }
0x2f4: {  	(xrf0) =	vmax.scan.msk.u32 $0xffff, v4  }
0x2f5: {  	v4 =	vsel vm1, $0x1, v0  }
0x2f6: {  	(xrf0) =	vadd.scan.msk.s32 $0xffff, v4  }
0x2f7: {  	v4 =	vld [tilespmem:s18+$0x0];
	_ =	sdelay $0x2  }
0x2f8: {  	v5, _, _ =	vpop (xrf0)  }
0x2f9: {  	(v2sf) =	vpush v5, $0xF  }
0x2fa: {  	(xrf0) =	vadd.scan.msk.s32 $0xffff, v4;
	v5, _, _ =	vpop (xrf0)  }
0x2fb: {  	(v2sf) =	vpush v5, $0xF;
	_ =	sdelay $0x3  }
0x2fc: {  	s19 =	spop (v2sf)  }
0x2fd: {  	v4, _, _ =	vpop (xrf0);
	s19 =	sxor.u32 $0x80000000, s19  }
0x2fe: {  	v4 =	vadd.s32 s19, v4  }
0x2ff: {  	vm1 =	vlt.s32 v4, $0x4000;
	v4 =	vxor.u32 $0x80000000, v4  }
0x300: {  	v5 =	vnsel vm1, $0x80000000, v4;
	(xrf0) =	vmax.scan.msk.u32 $0xffff, v4  }
0x301: {  	v4 =	vsel vm1, $0x1, v0;
	(xrf0) =	vmax.scan.msk.u32 $0xffff, v5  }
0x302: {  	(xrf0) =	vadd.scan.msk.s32 $0xffff, v4;
	_ =	sdelay $0x2  }
0x303: {  	s31 =	spop (v2sf)  }
0x304: {  	s19 =	sxor.u32 $0x80000000, s31;
	v4, _, _ =	vpop (xrf0)  }
0x305: {  	[tilespmem:s18+$0xFFFFFFF0] =	vst v0;
	p0 =	slt.s32 s19, $0x0;
	s21 =	spop (v2sf);
	v5, _, _ =	vpop (xrf0);
	(v2sf) =	vpush v4, $0xF  }
0x306: {  	s20 =	simm.s32 $0x0;
	[tilespmem:s18+$0x0] =	vst v0;
	s19 =	smov.u32 @p0 s22;
	s21 =	sadd.s32 $0x0, s21;
	v4, _, _ =	vpop (xrf0);
	(v2sf) =	vpush v5, $0xF  }
.LBB2_50:
0x307: {  	s20 =	sadd.s32 $0x2, s20;
	(v2sf) =	vpush v4, $0xF  }
0x308: {  	p0 =	slt.u32 s20, $0x7E  }
0x309: {  	s18 =	sadd.s32 $0x20, s18  }
0x30a: {  	v4 =	vld [tilespmem:s18+$0xFFFFFFF0];
	[tilespmem:s18+$0xFFFFFFF0] =	vst v0;
	_ =	sdelay $0x4  }
0x30b: {  	(xrf0) =	vadd.scan.msk.s32 $0xffff, v4;
	_ =	sdelay $0x4  }
0x30c: {  	s22 =	spop (v2sf)  }
0x30d: {  	v4, _, _ =	vpop (xrf0);
	s22 =	sxor.u32 $0x80000000, s22;
	s23 =	spop (v2sf)  }
0x30e: {  	v4 =	vadd.s32 s22, v4;
	s22 =	sxor.u32 $0x80000000, s23;
	s23 =	spop (v2sf)  }
0x30f: {  	vm1 =	vlt.s32 v4, $0x4000;
	v4 =	vxor.u32 $0x80000000, v4;
	s21 =	sadd.s32 s23, s21;
	p1 =	sgt.s32 s19, s22  }
0x310: {  	v5 =	vsel vm1, $0x1, v0;
	v6 =	vnsel vm1, $0x80000000, v4;
	(xrf0) =	vmax.scan.msk.u32 $0xffff, v4;
	s22 =	smov.u32 @p1 s19  }
0x311: {  	(xrf0) =	vmax.scan.msk.u32 $0xffff, v6  }
0x312: {  	(xrf0) =	vadd.scan.msk.s32 $0xffff, v5;
	_ =	sdelay $0x3  }
0x313: {  	v4, _, _ =	vpop (xrf0)  }
0x314: {  	v5, _, _ =	vpop (xrf0);
	(v2sf) =	vpush v4, $0xF  }
0x315: {  	v4, _, _ =	vpop (xrf0);
	(v2sf) =	vpush v5, $0xF  }
0x316: {  	(v2sf) =	vpush v4, $0xF;
	_ =	sdelay $0x2  }
0x317: {  	v4 =	vld [tilespmem:s18+$0x0];
	[tilespmem:s18+$0x0] =	vst v0;
	_ =	sdelay $0x4  }
0x318: {  	(xrf0) =	vadd.scan.msk.s32 $0xffff, v4;
	_ =	sdelay $0x4  }
0x319: {  	s19 =	spop (v2sf)  }
0x31a: {  	s23 =	sxor.u32 $0x80000000, s19;
	s19 =	spop (v2sf);
	v4, _, _ =	vpop (xrf0)  }
0x31b: {  	s19 =	sxor.u32 $0x80000000, s19;
	v4 =	vadd.s32 s23, v4;
	s23 =	spop (v2sf)  }
0x31c: {  	s21 =	sadd.s32 s21, s23;
	p1 =	sgt.s32 s22, s19;
	vm1 =	vlt.s32 v4, $0x4000;
	v4 =	vxor.u32 $0x80000000, v4  }
0x31d: {  	s19 =	smov.u32 @p1 s22;
	v5 =	vsel vm1, $0x1, v0;
	v6 =	vnsel vm1, $0x80000000, v4;
	(xrf0) =	vmax.scan.msk.u32 $0xffff, v4  }
0x31e: {  	(xrf0) =	vmax.scan.msk.u32 $0xffff, v6  }
0x31f: {  	(xrf0) =	vadd.scan.msk.s32 $0xffff, v5;
	_ =	sdelay $0x1  }
.Ltmp26:
0x320: {  	(pc) =	sbr.rel @p0 .LBB2_50-.Ltmp26, $4  }
0x321: {  	_ = 	snop  }
0x322: {  	v4, _, _ =	vpop (xrf0)  }
0x323: {  	v5, _, _ =	vpop (xrf0);
	(v2sf) =	vpush v4, $0xF  }
0x324: {  	v4, _, _ =	vpop (xrf0);
	(v2sf) =	vpush v5, $0xF  }
0x325: {  	(v2sf) =	vpush v4, $0xF;
	_ =	sdelay $0x7  }
0x326: {  	s22 =	simm.s32 $0x40  }
0x327: {  	v6 =	vld [tilespmem:s22+$0xFFFFFFD0];
	_ =	sdelay $0x1  }
0x328: {  	v5 =	vld [tilespmem:s22+$0xFFFFFFC0]  }
0x329: {  	v7 =	vld [tilespmem:s22+$0xFFFFFFE0]  }
0x32a: {  	v10 =	vld [tilespmem:s22+$0xFFFFFFF0];
	s18 =	spop (v2sf)  }
0x32b: {  	v15 =	vand.u32 $0x7FFFFFFF, v6;
	v6 =	vld [tilespmem:s22+$0x10];
	s20 =	spop (v2sf)  }
0x32c: {  	s18 =	spop (v2sf)  }
0x32d: {  	v9 =	vimm.s32 $0x0;
	v8 =	vld [tilespmem:s22+$0x0];
	v14 =	vand.u32 $0x7FFFFFFF, v5;
	s18 =	sadd.s32 s18, s21  }
0x32e: {  	(v2sf) =	vpush v9, $0x0;
	v5 =	vshrl.u32 v14, $0x14;
	v4 =	vmov s18  }
0x32f: {  	v17 =	vand.u32 $0x7FFFFFFF, v7;
	vm7 =	veq.s32 v5, v4;
	v5 =	vshrl.u32 v15, $0x14  }
0x330: {  	v19 =	vand.u32 $0x7FFFFFFF, v10;
	v6 =	vand.u32 $0x7FFFFFFF, v6;
	vm3 =	veq.s32 v5, v4  }
0x331: {  	v7 =	vmpcnt.ones.xlane vm7;
	v5 =	vshrl.u32 v17, $0x14;
	v11 =	vmpcnt.ones.xlane vm3  }
0x332: {  	vm5 =	veq.s32 v5, v4;
	v5 =	vand.u32 $0x7FFFFFFF, v8;
	vm10 =	vmmov vm3  }
0x333: {  	v8 =	vld [tilespmem:s22+$0x20];
	v7 =	vadd.s32 v9, v7;
	v9 =	vmpcnt.ones.xlane vm5;
	v13 =	vshrl.u32 v5, $0x14  }
0x334: {  	v12 =	vld [tilespmem:s22+$0x30];
	v10 =	vadd.s32 v7, v11;
	v11 =	vshrl.u32 v19, $0x14;
	(v2sf) =	vpush v7, $0x0  }
0x335: {  	vm11 =	vmmov vm5;
	(v2sf) =	vpush v10, $0x0;
	vm9 =	veq.s32 v11, v4  }
0x336: {  	vm1 =	veq.s32 v13, v4;
	v9 =	vadd.s32 v10, v9;
	v11 =	vmpcnt.ones.xlane vm9  }
0x337: {  	v10 =	vshrl.u32 v6, $0x14;
	v13 =	vmpcnt.ones.xlane vm1;
	(v2sf) =	vpush v9, $0x0  }
0x338: {  	vm2 =	veq.s32 v10, v4;
	v7 =	vand.u32 $0x7FFFFFFF, v8;
	v9 =	vadd.s32 v9, v11  }
0x339: {  	s21 =	simm.s32 $0xC0;
	v8 =	vand.u32 $0x7FFFFFFF, v12;
	v10 =	vshrl.u32 v7, $0x14;
	(v2sf) =	vpush v9, $0x0  }
0x33a: {  	vm4 =	vmmov vm1;
	v12 =	vld [tilespmem:s21+$0xFFFFFFC0];
	vm6 =	veq.s32 v10, v4;
	v10 =	vshrl.u32 v8, $0x14  }
0x33b: {  	vm1 =	vmmov vm2;
	v11 =	vmpcnt.ones.xlane vm2;
	vm8 =	veq.s32 v10, v4;
	v10 =	vld [tilespmem:s21+$0xFFFFFFD0]  }
0x33c: {  	v20 =	vld [tilespmem:s21+$0xFFFFFFE0];
	v9 =	vadd.s32 v9, v13;
	v16 =	vmpcnt.ones.xlane vm6;
	vm2 =	vmmov vm6  }
0x33d: {  	v11 =	vadd.s32 v9, v11;
	(v2sf) =	vpush v9, $0x0;
	v18 =	vmpcnt.ones.xlane vm8  }
0x33e: {  	v13 =	vld [tilespmem:s21+$0x0];
	vm3 =	vmmov vm8;
	(v2sf) =	vpush v11, $0x0;
	v9 =	vadd.s32 v11, v16  }
0x33f: {  	v16 =	vld [tilespmem:s21+$0xFFFFFFF0];
	v11 =	vand.u32 $0x7FFFFFFF, v12;
	v12 =	vadd.s32 v9, v18;
	(v2sf) =	vpush v9, $0x0  }
0x340: {  	v18 =	vshrl.u32 v11, $0x14;
	(v2sf) =	vpush v12, $0x0;
	v9 =	vand.u32 $0x7FFFFFFF, v10  }
0x341: {  	vm5 =	veq.s32 v18, v4;
	v10 =	vand.u32 $0x7FFFFFFF, v20;
	v20 =	vld [tilespmem:s21+$0x10];
	v18 =	vshrl.u32 v9, $0x14  }
0x342: {  	s28 =	spop (v2sf);
	v21 =	vmpcnt.ones.xlane vm5;
	vm8 =	veq.s32 v18, v4;
	v18 =	vshrl.u32 v10, $0x14  }
0x343: {  	v23 =	vld [tilespmem:s21+$0x20];
	v13 =	vand.u32 $0x7FFFFFFF, v13;
	v22 =	vmpcnt.ones.xlane vm8;
	vm6 =	veq.s32 v18, v4;
	s29 =	spop (v2sf)  }
0x344: {  	v18 =	vadd.s32 v12, v21;
	v12 =	vand.u32 $0x7FFFFFFF, v16;
	v21 =	vmpcnt.ones.xlane vm6;
	s30 =	spop (v2sf)  }
0x345: {  	(v2sf) =	vpush v18, $0x0;
	v22 =	vadd.s32 v18, v22;
	v18 =	vshrl.u32 v12, $0x14;
	[tilespmem:s30+$0x10800] =	vst.msk vm11, v17;
	v17 =	vld [tilespmem:s21+$0x30]  }
0x346: {  	s20 =	sxor.u32 $0x80000000, s20;
	[tilespmem:s28+$0x10800] =	vst.msk vm7, v14;
	v14 =	vand.u32 $0x7FFFFFFF, v20;
	v16 =	vadd.s32 v22, v21;
	(v2sf) =	vpush v22, $0x0  }
0x347: {  	p0 =	sgt.s32 s19, s20;
	[tilespmem:s29+$0x10800] =	vst.msk vm10, v15;
	v20 =	vshrl.u32 v13, $0x14;
	s31 =	spop (v2sf);
	vm7 =	veq.s32 v18, v4;
	(v2sf) =	vpush v16, $0x0  }
0x348: {  	s20 =	smov.u32 @p0 s19;
	s19 =	simm.s32 $0x8;
	v15 =	vand.u32 $0x7FFFFFFF, v23;
	v18 =	vshrl.u32 v14, $0x14;
	[tilespmem:s31+$0x10800] =	vst.msk vm9, v19;
	v19 =	vmpcnt.ones.xlane vm7;
	s22 =	spop (v2sf)  }
.LBB2_52:
0x349: {  	s19 =	sadd.s32 $0x8, s19;
	vm9 =	veq.s32 v20, v4;
	vm10 =	veq.s32 v18, v4;
	v18 =	vshrl.u32 v15, $0x14  }
0x34a: {  	p0 =	slt.u32 s19, $0x7F8;
	v16 =	vadd.s32 v16, v19;
	v19 =	vmpcnt.ones.xlane vm10;
	v17 =	vand.u32 $0x7FFFFFFF, v17  }
0x34b: {  	s21 =	sadd.s32 $0x80, s21;
	vm11 =	veq.s32 v18, v4;
	v18 =	vshrl.u32 v17, $0x14;
	(v2sf) =	vpush v16, $0x0  }
0x34c: {  	v21 =	vmpcnt.ones.xlane vm9;
	v22 =	vmpcnt.ones.xlane vm11;
	v20 =	vld [tilespmem:s21+$0xFFFFFFC0];
	vm12 =	veq.s32 v18, v4;
	[tilespmem:s22+$0x10800] =	vst.msk vm4, v5;
	s22 =	spop (v2sf);
	v5 =	vmovc v13  }
0x34d: {  	vm4 =	vmmov vm9;
	v13 =	vld [tilespmem:s21+$0xFFFFFFD0];
	v18 =	vmpcnt.ones.xlane vm12;
	[tilespmem:s22+$0x10800] =	vst.msk vm1, v6;
	s22 =	spop (v2sf);
	v6 =	vmovc v14;
	vm1 =	vmmov vm10  }
0x34e: {  	v16 =	vadd.s32 v16, v21;
	vm9 =	vmmov vm8;
	v14 =	vld [tilespmem:s21+$0xFFFFFFE0];
	[tilespmem:s22+$0x10800] =	vst.msk vm2, v7;
	s22 =	spop (v2sf);
	v7 =	vmovc v15;
	vm2 =	vmmov vm11  }
0x34f: {  	v19 =	vadd.s32 v16, v19;
	v15 =	vld [tilespmem:s21+$0xFFFFFFF0];
	s23 =	spop (v2sf);
	(v2sf) =	vpush v16, $0x0;
	[tilespmem:s22+$0x10800] =	vst.msk vm3, v8;
	v8 =	vmovc v17;
	vm3 =	vmmov vm12  }
0x350: {  	vm10 =	vmmov vm6;
	v17 =	vadd.s32 v19, v22;
	v16 =	vld [tilespmem:s21+$0x0];
	[tilespmem:s23+$0x10800] =	vst.msk vm5, v11;
	(v2sf) =	vpush v19, $0x0  }
0x351: {  	v18 =	vadd.s32 v17, v18;
	v11 =	vand.u32 $0x7FFFFFFF, v20;
	(v2sf) =	vpush v17, $0x0  }
0x352: {  	v17 =	vshrl.u32 v11, $0x14;
	v19 =	vand.u32 $0x7FFFFFFF, v13;
	(v2sf) =	vpush v18, $0x0  }
0x353: {  	vm5 =	veq.s32 v17, v4;
	v13 =	vshrl.u32 v19, $0x14;
	v14 =	vand.u32 $0x7FFFFFFF, v14;
	v20 =	vld [tilespmem:s21+$0x10]  }
0x354: {  	v17 =	vmpcnt.ones.xlane vm5;
	vm8 =	veq.s32 v13, v4;
	v13 =	vshrl.u32 v14, $0x14;
	s22 =	spop (v2sf)  }
0x355: {  	v21 =	vmpcnt.ones.xlane vm8;
	vm6 =	veq.s32 v13, v4;
	v13 =	vand.u32 $0x7FFFFFFF, v16;
	v22 =	vld [tilespmem:s21+$0x20];
	[tilespmem:s22+$0x10800] =	vst.msk vm9, v9;
	s22 =	spop (v2sf);
	v9 =	vmovc v19  }
.Ltmp27:
0x356: {  	v15 =	vand.u32 $0x7FFFFFFF, v15;
	v16 =	vadd.s32 v18, v17;
	v18 =	vmpcnt.ones.xlane vm6;
	[tilespmem:s22+$0x10800] =	vst.msk vm10, v10;
	s22 =	spop (v2sf);
	v10 =	vmovc v14;
	(pc) =	sbr.rel @p0 .LBB2_52-.Ltmp27, $4  }
0x357: {  	v19 =	vadd.s32 v16, v21;
	v21 =	vshrl.u32 v15, $0x14;
	v17 =	vld [tilespmem:s21+$0x30];
	(v2sf) =	vpush v16, $0x0;
	[tilespmem:s22+$0x10800] =	vst.msk vm7, v12;
	v12 =	vmovc v15  }
0x358: {  	v16 =	vadd.s32 v19, v18;
	v14 =	vand.u32 $0x7FFFFFFF, v20;
	(v2sf) =	vpush v19, $0x0  }
0x359: {  	vm7 =	veq.s32 v21, v4;
	v18 =	vshrl.u32 v14, $0x14;
	(v2sf) =	vpush v16, $0x0  }
0x35a: {  	v20 =	vshrl.u32 v13, $0x14;
	v19 =	vmpcnt.ones.xlane vm7;
	v15 =	vand.u32 $0x7FFFFFFF, v22;
	s22 =	spop (v2sf)  }
0x35b: {  	vm10 =	veq.s32 v20, v4  }
0x35c: {  	vm9 =	veq.s32 v18, v4;
	v59 =	vshrl.u32 v15, $0x14;
	v16 =	vadd.s32 v16, v19  }
0x35d: {  	v60 =	vmpcnt.ones.xlane vm9;
	v17 =	vand.u32 $0x7FFFFFFF, v17;
	v20 =	vmpcnt.ones.xlane vm10  }
0x35e: {  	vm11 =	veq.s32 v59, v4;
	v61 =	vshrl.u32 v17, $0x14;
	(v2sf) =	vpush v16, $0x0  }
0x35f: {  	v21 =	vmpcnt.ones.xlane vm11;
	vm12 =	veq.s32 v61, v4;
	v4 =	vadd.s32 v16, v20  }
0x360: {  	v62 =	vmpcnt.ones.xlane vm12;
	v63 =	vadd.s32 v4, v60;
	(v2sf) =	vpush v4, $0x0  }
0x361: {  	v4 =	vadd.s32 v63, v21;
	(v2sf) =	vpush v63, $0x0  }
0x362: {  	v16 =	vadd.s32 v4, v62;
	(v2sf) =	vpush v4, $0x0  }
0x363: {  	(v2sf) =	vpush v16, $0x0;
	_ =	sdelay $0x3  }
0x364: {  	s19 =	spop (v2sf)  }
0x365: {  	s21 =	spop (v2sf)  }
0x366: {  	s23 =	spop (v2sf)  }
0x367: {  	s24 =	spop (v2sf)  }
0x368: {  	s31 =	spop (v2sf)  }
0x369: {  	s25 =	spop (v2sf)  }
0x36a: {  	s26 =	spop (v2sf)  }
0x36b: {  	s28 =	spop (v2sf)  }
0x36c: {  	[tilespmem:s19+$0x10800] =	vst.msk vm1, v6;
	s29 =	spop (v2sf)  }
0x36d: {  	[tilespmem:s21+$0x10800] =	vst.msk vm2, v7;
	vm2 =	vmmov vm6;
	s30 =	spop (v2sf)  }
0x36e: {  	vm1 =	vmmov vm8;
	[tilespmem:s25+$0x10800] =	vst.msk vm2, v10;
	s25 =	spop (v2sf)  }
0x36f: {  	[tilespmem:s31+$0x10800] =	vst.msk vm1, v9;
	s31 =	spop (v2sf)  }
0x370: {  	[tilespmem:s22+$0x10800] =	vst.msk vm4, v5;
	s19 =	sadd.s32 $0xF, s31  }
0x371: {  	[tilespmem:s23+$0x10800] =	vst.msk vm3, v8;
	s19 =	sshrl.u32 s19, $0x4  }
0x372: {  	[tilespmem:s24+$0x10800] =	vst.msk vm5, v11;
	p0 =	seq.s32 s19, $0x0  }
.Ltmp28:
0x373: {  	vm1 =	vmmov vm10;
	[tilespmem:s26+$0x10800] =	vst.msk vm7, v12;
	(pc) =	sbr.rel @p0 .LBB2_57-.Ltmp28, $4  }
0x374: {  	[tilespmem:s28+$0x10800] =	vst.msk vm1, v13;
	vm1 =	vmmov vm9  }
0x375: {  	[tilespmem:s29+$0x10800] =	vst.msk vm1, v14;
	vm1 =	vmmov vm11  }
0x376: {  	v4 =	vbroadcast v16, $0x0;
	[tilespmem:s30+$0x10800] =	vst.msk vm1, v15;
	vm1 =	vmmov vm12  }
0x377: {  	[tilespmem:s25+$0x10800] =	vst.msk vm1, v17  }
0x378: {  	s22 =	simm.s32 $0x10800  }
0x379: {  	p1 =	seq.s32 s19, $0x1;
	v5 =	vld [tilespmem:s22+$0x0]  }
.Ltmp29:
0x37a: {  	_ = 	snop;
	(pc) =	sbr.rel @p1 .LBB2_56-.Ltmp29, $4  }
0x37b: {  	_ = 	snop  }
0x37c: {  	s21 =	simm.s32 $0x0  }
0x37d: {  	v6 =	vor.u32 s21, v2  }
0x37e: {  	s23 =	simm.s32 $0x10810;
	s22 =	sadd.s32 $0xFFFFFFFF, s19;
	vm1 =	vlt.s32 v6, v4;
	v5 =	vshrl.u32 v5, $0xA  }
.LBB2_55:
0x37f: {  	v6 =	vld [tilespmem:s23+$0x0];
	p1 =	seq.s32 s22, $0x1;
	s22 =	sadd.s32 $0xFFFFFFFF, s22;
	v7 =	vand.u32 $0x3FF, v5  }
.Ltmp30:
0x380: {  	(pc) =	sbr.rel @!p1 .LBB2_55-.Ltmp30, $4  }
0x381: {  	_ = 	snop  }
0x382: {  	s21 =	sadd.s32 $0x10, s21  }
0x383: {  	v8 =	vor.u32 s21, v2  }
0x384: {  	s23 =	sadd.s32 $0x10, s23;
	v5 =	vshrl.u32 v6, $0xA;
	[tilespmem:v7+s11+$0x0] =	vst.idx.add.s32.msk vm1, v1;
	vm1 =	vlt.s32 v8, v4  }
.LBB2_56:
0x385: {  	v5 =	vand.u32 $0x3FF, v5;
	_ =	sdelay $0x4  }
0x386: {  	[tilespmem:v5+s11+$0x0] =	vst.idx.add.s32.msk vm1, v1  }
.LBB2_57:
0x387: {  	s16 =	sshll.u32 s16, $0xA  }
0x388: {  	vm1 =	veq.s32 v2, $0x1;
	s16 =	sor.u32 s16, s17  }
0x389: {  	v3 =	vsel vm1, s16, v3;
	s16 =	simm.s32 $0x10010  }
0x38a: {  	v6 =	vld [tilespmem:s16+$0xFFFFFFF0];
	_ =	sdelay $0x4  }
0x38b: {  	(xrf0) =	vadd.scan.msk.s32 $0xffff, v6;
	_ =	sdelay $0x5  }
0x38c: {  	s23 =	simm.s32 $0x0;
	v6, _, _ =	vpop (xrf0)  }
0x38d: {  	v6 =	vadd.s32 s23, v6  }
0x38e: {  	v7 =	vxor.u32 $0x80000000, v6  }
0x38f: {  	(xrf0) =	vmax.scan.msk.u32 $0xffff, v7;
	_ =	sdelay $0x4  }
0x390: {  	s17 =	ssub.s32 $0x4000, s20  }
0x391: {  	v5 =	vmov s17;
	v8, _, _ =	vpop (xrf0)  }
0x392: {  	vm1 =	vlt.s32 v6, v5;
	(v2sf) =	vpush v8, $0xF  }
0x393: {  	v6 =	vnsel vm1, $0x80000000, v7  }
0x394: {  	(xrf0) =	vmax.scan.msk.u32 $0xffff, v6  }
0x395: {  	v6 =	vsel vm1, $0x1, v0  }
0x396: {  	(xrf0) =	vadd.scan.msk.s32 $0xffff, v6  }
0x397: {  	v6 =	vld [tilespmem:s16+$0x0];
	_ =	sdelay $0x2  }
0x398: {  	v7, _, _ =	vpop (xrf0)  }
0x399: {  	(v2sf) =	vpush v7, $0xF  }
0x39a: {  	(xrf0) =	vadd.scan.msk.s32 $0xffff, v6;
	v7, _, _ =	vpop (xrf0)  }
0x39b: {  	(v2sf) =	vpush v7, $0xF;
	_ =	sdelay $0x3  }
0x39c: {  	s30 =	spop (v2sf)  }
0x39d: {  	v6, _, _ =	vpop (xrf0);
	s20 =	sxor.u32 $0x80000000, s30  }
0x39e: {  	v6 =	vadd.s32 s20, v6  }
0x39f: {  	vm1 =	vlt.s32 v6, v5;
	v6 =	vxor.u32 $0x80000000, v6  }
0x3a0: {  	v7 =	vnsel vm1, $0x80000000, v6;
	(xrf0) =	vmax.scan.msk.u32 $0xffff, v6  }
0x3a1: {  	v6 =	vsel vm1, $0x1, v0;
	(xrf0) =	vmax.scan.msk.u32 $0xffff, v7  }
0x3a2: {  	(xrf0) =	vadd.scan.msk.s32 $0xffff, v6;
	_ =	sdelay $0x2  }
0x3a3: {  	s31 =	spop (v2sf)  }
0x3a4: {  	s21 =	sxor.u32 $0x80000000, s31;
	v6, _, _ =	vpop (xrf0)  }
0x3a5: {  	[tilespmem:s16+$0xFFFFFFF0] =	vst v0;
	p1 =	slt.s32 s21, $0x0;
	s22 =	spop (v2sf);
	v7, _, _ =	vpop (xrf0);
	(v2sf) =	vpush v6, $0xF  }
0x3a6: {  	[tilespmem:s16+$0x0] =	vst v0;
	s20 =	simm.s32 $0x0;
	s21 =	smov.u32 @p1 s23;
	s22 =	sadd.s32 $0x0, s22;
	v6, _, _ =	vpop (xrf0);
	(v2sf) =	vpush v7, $0xF  }
.LBB2_58:
0x3a7: {  	s20 =	sadd.s32 $0x2, s20;
	(v2sf) =	vpush v6, $0xF  }
0x3a8: {  	p1 =	slt.u32 s20, $0x3E  }
0x3a9: {  	s16 =	sadd.s32 $0x20, s16  }
0x3aa: {  	v6 =	vld [tilespmem:s16+$0xFFFFFFF0];
	[tilespmem:s16+$0xFFFFFFF0] =	vst v0;
	_ =	sdelay $0x4  }
0x3ab: {  	(xrf0) =	vadd.scan.msk.s32 $0xffff, v6;
	_ =	sdelay $0x4  }
0x3ac: {  	s23 =	spop (v2sf)  }
0x3ad: {  	v6, _, _ =	vpop (xrf0);
	s23 =	sxor.u32 $0x80000000, s23;
	s24 =	spop (v2sf)  }
0x3ae: {  	v6 =	vadd.s32 s23, v6;
	s23 =	sxor.u32 $0x80000000, s24;
	s24 =	spop (v2sf)  }
0x3af: {  	vm1 =	vlt.s32 v6, v5;
	v6 =	vxor.u32 $0x80000000, v6;
	s22 =	sadd.s32 s24, s22;
	p2 =	sgt.s32 s21, s23  }
0x3b0: {  	v7 =	vsel vm1, $0x1, v0;
	v8 =	vnsel vm1, $0x80000000, v6;
	(xrf0) =	vmax.scan.msk.u32 $0xffff, v6;
	s23 =	smov.u32 @p2 s21  }
0x3b1: {  	(xrf0) =	vmax.scan.msk.u32 $0xffff, v8  }
0x3b2: {  	(xrf0) =	vadd.scan.msk.s32 $0xffff, v7;
	_ =	sdelay $0x3  }
0x3b3: {  	v6, _, _ =	vpop (xrf0)  }
0x3b4: {  	v7, _, _ =	vpop (xrf0);
	(v2sf) =	vpush v6, $0xF  }
0x3b5: {  	v6, _, _ =	vpop (xrf0);
	(v2sf) =	vpush v7, $0xF  }
0x3b6: {  	(v2sf) =	vpush v6, $0xF;
	_ =	sdelay $0x2  }
0x3b7: {  	v6 =	vld [tilespmem:s16+$0x0];
	[tilespmem:s16+$0x0] =	vst v0;
	_ =	sdelay $0x4  }
0x3b8: {  	(xrf0) =	vadd.scan.msk.s32 $0xffff, v6;
	_ =	sdelay $0x4  }
0x3b9: {  	s21 =	spop (v2sf)  }
0x3ba: {  	s24 =	sxor.u32 $0x80000000, s21;
	s21 =	spop (v2sf);
	v6, _, _ =	vpop (xrf0)  }
0x3bb: {  	s21 =	sxor.u32 $0x80000000, s21;
	v6 =	vadd.s32 s24, v6;
	s24 =	spop (v2sf)  }
0x3bc: {  	s22 =	sadd.s32 s22, s24;
	p2 =	sgt.s32 s23, s21;
	vm1 =	vlt.s32 v6, v5;
	v6 =	vxor.u32 $0x80000000, v6  }
0x3bd: {  	s21 =	smov.u32 @p2 s23;
	v7 =	vsel vm1, $0x1, v0;
	v8 =	vnsel vm1, $0x80000000, v6;
	(xrf0) =	vmax.scan.msk.u32 $0xffff, v6  }
0x3be: {  	(xrf0) =	vmax.scan.msk.u32 $0xffff, v8  }
0x3bf: {  	(xrf0) =	vadd.scan.msk.s32 $0xffff, v7;
	_ =	sdelay $0x1  }
.Ltmp31:
0x3c0: {  	(pc) =	sbr.rel @p1 .LBB2_58-.Ltmp31, $4  }
0x3c1: {  	_ = 	snop  }
0x3c2: {  	v6, _, _ =	vpop (xrf0)  }
0x3c3: {  	v7, _, _ =	vpop (xrf0);
	(v2sf) =	vpush v6, $0xF  }
0x3c4: {  	v6, _, _ =	vpop (xrf0);
	(v2sf) =	vpush v7, $0xF  }
0x3c5: {  	(v2sf) =	vpush v6, $0xF;
	_ =	sdelay $0xc  }
.Ltmp32:
0x3c6: {  	s16 =	spop (v2sf);
	(pc) =	sbr.rel @p0 .LBB2_67-.Ltmp32, $4  }
0x3c7: {  	s16 =	spop (v2sf)  }
0x3c8: {  	s20 =	sxor.u32 $0x80000000, s16;
	s31 =	spop (v2sf)  }
0x3c9: {  	s18 =	sshll.u32 s18, $0xA;
	s16 =	sadd.s32 s31, s22;
	p1 =	sgt.s32 s21, s20  }
0x3ca: {  	s20 =	smov.u32 @p1 s21;
	s16 =	sor.u32 s18, s16  }
0x3cb: {  	s21 =	simm.s32 $0x10800  }
0x3cc: {  	p1 =	seq.s32 s19, $0x1;
	v10 =	vld [tilespmem:s21+$0x0]  }
.Ltmp33:
0x3cd: {  	_ = 	snop;
	(pc) =	sbr.rel @p1 .LBB2_61-.Ltmp33, $3  }
0x3ce: {  	_ =	sdelay $0x1  }
0x3cf: {  	s18 =	simm.s32 $0x0  }
0x3d0: {  	v5 =	vmov s16;
	s19 =	sadd.s32 $0xFFFFFFFF, s19;
	p0 =	por $0x0, $0x0;
	v7 =	vor.u32 s18, v2;
	s18 =	simm.s32 $0x10810;
	v8 =	vshrl.u32 v10, $0xA  }
0x3d1: {  	v9 =	vld [tilespmem:s18+$0x0];
	vm1 =	vlt.s32 v7, v4;
	vm2 =	veq.s32 v8, v5;
	p1 =	seq.s32 s19, $0x1  }
.Ltmp34:
0x3d2: {  	vm1 =	vmand vm1, vm2;
	(pc) =	sbr.rel @p1 .LBB2_63-.Ltmp34, $3  }
0x3d3: {  	v6 =	vand.u32 $0x3FF, v10;
	_ =	sdelay $0x1  }
0x3d4: {  	s18 =	simm.s32 $0x10  }
0x3d5: {  	s19 =	sadd.s32 $0xFFFFFFFF, s19;
	s21 =	simm.s32 $0x10820;
	p0 =	por $0x1, $0x1;
	v7 =	vor.u32 s18, v2;
	v8 =	vshrl.u32 v9, $0xA  }
.LBB2_64:
0x3d6: {  	v10 =	vld [tilespmem:s21+$0x0];
	p1 =	seq.s32 s19, $0x1;
	s19 =	sadd.s32 $0xFFFFFFFF, s19;
	vm2 =	vlt.s32 v7, v4;
	vm3 =	veq.s32 v8, v5  }
.Ltmp35:
0x3d7: {  	[tilespmem:v6+s11+$0x0] =	vst.idx.add.s32.msk vm1, v1;
	vm1 =	vmand vm2, vm3;
	(pc) =	sbr.rel @!p1 .LBB2_64-.Ltmp35, $3  }
0x3d8: {  	v6 =	vand.u32 $0x3FF, v9;
	_ =	sdelay $0x1  }
0x3d9: {  	s18 =	sadd.s32 $0x10, s18  }
0x3da: {  	s21 =	sadd.s32 $0x10, s21;
	v7 =	vor.u32 s18, v2;
	v8 =	vshrl.u32 v10, $0xA;
	v9 =	vmov v10  }
0x3db: {  	v10 =	vmov v9  }
.LBB2_66:
0x3dc: {  	vm2 =	vlt.s32 v7, v4;
	vm3 =	veq.s32 v8, v5  }
0x3dd: {  	vm2 =	vmand vm2, vm3  }
0x3de: {  	v4 =	vand.u32 $0x3FF, v10;
	_ =	sdelay $0x3  }
0x3df: {  	[tilespmem:v6+s11+$0x0] =	vst.idx.add.s32.msk @p0 vm1, v1  }
0x3e0: {  	[tilespmem:v4+s11+$0x0] =	vst.idx.add.s32.msk vm2, v1  }
.LBB2_67:
0x3e1: {  	s17 =	ssub.s32 s17, s20  }
0x3e2: {  	v4 =	vmov s17;
	s17 =	simm.s32 $0x10010  }
0x3e3: {  	v5 =	vld [tilespmem:s17+$0xFFFFFFF0];
	_ =	sdelay $0x4  }
0x3e4: {  	(xrf0) =	vadd.scan.msk.s32 $0xffff, v5;
	_ =	sdelay $0x5  }
0x3e5: {  	s18 =	simm.s32 $0x0;
	v5, _, _ =	vpop (xrf0)  }
0x3e6: {  	v5 =	vadd.s32 s18, v5  }
0x3e7: {  	v6 =	vxor.u32 $0x80000000, v5  }
0x3e8: {  	(xrf0) =	vmax.scan.msk.u32 $0xffff, v6;
	_ =	sdelay $0x5  }
0x3e9: {  	v6, _, _ =	vpop (xrf0)  }
0x3ea: {  	(v2sf) =	vpush v6, $0xF;
	_ =	sdelay $0x1  }
0x3eb: {  	vm1 =	vlt.s32 v5, v4  }
0x3ec: {  	v5 =	vsel vm1, $0x1, v0  }
0x3ed: {  	(xrf0) =	vadd.scan.msk.s32 $0xffff, v5  }
0x3ee: {  	v5 =	vld [tilespmem:s17+$0x0];
	_ =	sdelay $0x4  }
0x3ef: {  	v6, _, _ =	vpop (xrf0);
	(xrf0) =	vadd.scan.msk.s32 $0xffff, v5  }
0x3f0: {  	(v2sf) =	vpush v6, $0xF;
	_ =	sdelay $0x3  }
0x3f1: {  	s31 =	spop (v2sf)  }
0x3f2: {  	v5, _, _ =	vpop (xrf0);
	s18 =	sxor.u32 $0x80000000, s31  }
0x3f3: {  	v5 =	vadd.s32 s18, v5  }
0x3f4: {  	vm1 =	vlt.s32 v5, v4;
	v5 =	vxor.u32 $0x80000000, v5  }
0x3f5: {  	v6 =	vsel vm1, $0x1, v0;
	(xrf0) =	vmax.scan.msk.u32 $0xffff, v5  }
0x3f6: {  	(xrf0) =	vadd.scan.msk.s32 $0xffff, v6;
	_ =	sdelay $0x4  }
0x3f7: {  	v5, _, _ =	vpop (xrf0)  }
0x3f8: {  	[tilespmem:s17+$0xFFFFFFF0] =	vst v0;
	s19 =	spop (v2sf);
	v6, _, _ =	vpop (xrf0);
	(v2sf) =	vpush v5, $0xF  }
0x3f9: {  	[tilespmem:s17+$0x0] =	vst v0;
	s18 =	simm.s32 $0x0;
	s19 =	sadd.s32 $0x0, s19;
	(v2sf) =	vpush v6, $0xF  }
.LBB2_68:
0x3fa: {  	_ =	sdelay $0x1  }
0x3fb: {  	s18 =	sadd.s32 $0x2, s18;
	s17 =	sadd.s32 $0x20, s17  }
0x3fc: {  	v5 =	vld [tilespmem:s17+$0xFFFFFFF0];
	[tilespmem:s17+$0xFFFFFFF0] =	vst v0;
	p0 =	slt.u32 s18, $0x3E;
	_ =	sdelay $0x4  }
0x3fd: {  	(xrf0) =	vadd.scan.msk.s32 $0xffff, v5;
	_ =	sdelay $0x4  }
0x3fe: {  	s20 =	spop (v2sf)  }
0x3ff: {  	v5, _, _ =	vpop (xrf0);
	s20 =	sxor.u32 $0x80000000, s20;
	s21 =	spop (v2sf)  }
0x400: {  	v5 =	vadd.s32 s20, v5;
	s19 =	sadd.s32 s21, s19  }
0x401: {  	vm1 =	vlt.s32 v5, v4;
	v5 =	vxor.u32 $0x80000000, v5  }
0x402: {  	v6 =	vsel vm1, $0x1, v0;
	(xrf0) =	vmax.scan.msk.u32 $0xffff, v5  }
0x403: {  	(xrf0) =	vadd.scan.msk.s32 $0xffff, v6;
	_ =	sdelay $0x4  }
0x404: {  	v5, _, _ =	vpop (xrf0)  }
0x405: {  	v6, _, _ =	vpop (xrf0);
	(v2sf) =	vpush v5, $0xF  }
0x406: {  	(v2sf) =	vpush v6, $0xF;
	_ =	sdelay $0x3  }
0x407: {  	v5 =	vld [tilespmem:s17+$0x0];
	[tilespmem:s17+$0x0] =	vst v0;
	_ =	sdelay $0x4  }
0x408: {  	(xrf0) =	vadd.scan.msk.s32 $0xffff, v5;
	_ =	sdelay $0x4  }
0x409: {  	s20 =	spop (v2sf)  }
0x40a: {  	s20 =	sxor.u32 $0x80000000, s20;
	s21 =	spop (v2sf);
	v5, _, _ =	vpop (xrf0)  }
0x40b: {  	s19 =	sadd.s32 s19, s21;
	v5 =	vadd.s32 s20, v5  }
0x40c: {  	vm1 =	vlt.s32 v5, v4;
	v5 =	vxor.u32 $0x80000000, v5  }
0x40d: {  	v6 =	vsel vm1, $0x1, v0;
	(xrf0) =	vmax.scan.msk.u32 $0xffff, v5  }
0x40e: {  	(xrf0) =	vadd.scan.msk.s32 $0xffff, v6;
	_ =	sdelay $0x2  }
.Ltmp36:
0x40f: {  	(pc) =	sbr.rel @p0 .LBB2_68-.Ltmp36, $4  }
0x410: {  	_ = 	snop  }
0x411: {  	v5, _, _ =	vpop (xrf0)  }
0x412: {  	v6, _, _ =	vpop (xrf0);
	(v2sf) =	vpush v5, $0xF  }
0x413: {  	(v2sf) =	vpush v6, $0xF  }
0x414: {  	_ =	sdelay $0xc  }
0x415: {  	s17 =	spop (v2sf)  }
0x416: {  	s17 =	spop (v2sf)  }
0x417: {  	_ =	swait.ge [sflag:s12], $0x8000  }
0x418: {  	[sflag:s12] =	ssyncset.done $0x0  }
0x419: {  	s18 =	simm.s32 $0x8040;
	[sflag:s12] =	ssyncadd.s32 $0xFFFF8000  }
0x41a: {  	v4 =	vld [tilespmem:s18+$0x30]  }
0x41b: {  	v5 =	vld [tilespmem:s18+$0xFFFFFFD0]  }
0x41c: {  	v6 =	vld [tilespmem:s18+$0xFFFFFFE0]  }
0x41d: {  	v7 =	vld [tilespmem:s18+$0xFFFFFFF0]  }
0x41e: {  	v8 =	vld [tilespmem:s18+$0x0]  }
0x41f: {  	v4 =	vshrl.u32 v4, $0x14  }
0x420: {  	v5 =	vshrl.u32 v5, $0x14;
	v4 =	vand.u32 $0x7FF, v4  }
0x421: {  	v9 =	vld [tilespmem:s18+$0x10];
	v6 =	vshrl.u32 v6, $0x14;
	v5 =	vand.u32 $0x7FF, v5  }
0x422: {  	v10 =	vld [tilespmem:s18+$0x20];
	v7 =	vshrl.u32 v7, $0x14;
	v6 =	vand.u32 $0x7FF, v6  }
0x423: {  	v11 =	vld [tilespmem:s18+$0xFFFFFFC0];
	v8 =	vshrl.u32 v8, $0x14;
	v7 =	vand.u32 $0x7FF, v7  }
0x424: {  	v8 =	vand.u32 $0x7FF, v8  }
0x425: {  	[tilespmem:v4+s11+$0x0] =	vst.idx.add.s32.msk $0xffff, v1  }
0x426: {  	[tilespmem:v5+s11+$0x0] =	vst.idx.add.s32.msk $0xffff, v1  }
0x427: {  	[tilespmem:v6+s11+$0x0] =	vst.idx.add.s32.msk $0xffff, v1  }
0x428: {  	v4 =	vshrl.u32 v9, $0x14;
	v5 =	vshrl.u32 v10, $0x14;
	v6 =	vshrl.u32 v11, $0x14;
	[tilespmem:v7+s11+$0x0] =	vst.idx.add.s32.msk $0xffff, v1  }
0x429: {  	s20 =	simm.s32 $0x80C0;
	s17 =	sadd.s32 s17, s19;
	s19 =	simm.s32 $0x0;
	[tilespmem:v8+s11+$0x0] =	vst.idx.add.s32.msk $0xffff, v1;
	v4 =	vand.u32 $0x7FF, v4;
	v5 =	vand.u32 $0x7FF, v5;
	v6 =	vand.u32 $0x7FF, v6  }
.LBB2_70:
0x42a: {  	v7 =	vld [tilespmem:s20+$0x30];
	s19 =	sadd.s32 $0x8, s19  }
0x42b: {  	v8 =	vld [tilespmem:s20+$0xFFFFFFD0];
	p0 =	slt.u32 s19, $0x7F8  }
0x42c: {  	v9 =	vld [tilespmem:s20+$0xFFFFFFE0]  }
0x42d: {  	v10 =	vld [tilespmem:s20+$0xFFFFFFF0]  }
0x42e: {  	v11 =	vld [tilespmem:s20+$0x0]  }
0x42f: {  	v12 =	vld [tilespmem:s20+$0x10];
	v7 =	vshrl.u32 v7, $0x14  }
0x430: {  	v8 =	vshrl.u32 v8, $0x14;
	v13 =	vld [tilespmem:s20+$0x20];
	v7 =	vand.u32 $0x7FF, v7  }
0x431: {  	v14 =	vld [tilespmem:s20+$0xFFFFFFC0];
	v8 =	vand.u32 $0x7FF, v8;
	v9 =	vshrl.u32 v9, $0x14  }
0x432: {  	v9 =	vand.u32 $0x7FF, v9;
	v10 =	vshrl.u32 v10, $0x14;
	[tilespmem:v6+s11+$0x0] =	vst.idx.add.s32.msk $0xffff, v1  }
0x433: {  	v10 =	vand.u32 $0x7FF, v10;
	v6 =	vshrl.u32 v11, $0x14;
	[tilespmem:v4+s11+$0x0] =	vst.idx.add.s32.msk $0xffff, v1  }
0x434: {  	v11 =	vand.u32 $0x7FF, v6;
	v4 =	vshrl.u32 v12, $0x14;
	[tilespmem:v5+s11+$0x0] =	vst.idx.add.s32.msk $0xffff, v1  }
.Ltmp37:
0x435: {  	s22 =	simm.s32 $0x0;
	s18 =	simm.s32 $0x10010;
	v4 =	vand.u32 $0x7FF, v4;
	v5 =	vshrl.u32 v13, $0x14;
	[tilespmem:v7+s11+$0x0] =	vst.idx.add.s32.msk $0xffff, v1;
	(pc) =	sbr.rel @p0 .LBB2_70-.Ltmp37, $4  }
0x436: {  	v6 =	vshrl.u32 v14, $0x14;
	[tilespmem:v8+s11+$0x0] =	vst.idx.add.s32.msk $0xffff, v1;
	v5 =	vand.u32 $0x7FF, v5  }
0x437: {  	v6 =	vand.u32 $0x7FF, v6;
	[tilespmem:v9+s11+$0x0] =	vst.idx.add.s32.msk $0xffff, v1  }
0x438: {  	[tilespmem:v10+s11+$0x0] =	vst.idx.add.s32.msk $0xffff, v1  }
0x439: {  	s20 =	sadd.s32 $0x80, s20;
	[tilespmem:v11+s11+$0x0] =	vst.idx.add.s32.msk $0xffff, v1  }
0x43a: {  	_ =	sdelay $0x3  }
0x43b: {  	[tilespmem:v6+s11+$0x0] =	vst.idx.add.s32.msk $0xffff, v1  }
0x43c: {  	[tilespmem:v4+s11+$0x0] =	vst.idx.add.s32.msk $0xffff, v1  }
0x43d: {  	[tilespmem:v5+s11+$0x0] =	vst.idx.add.s32.msk $0xffff, v1  }
0x43e: {  	v4 =	vld [tilespmem:s18+$0xFFFFFFF0];
	_ =	sdelay $0x4  }
0x43f: {  	(xrf0) =	vadd.scan.msk.s32 $0xffff, v4;
	_ =	sdelay $0x5  }
0x440: {  	v4, _, _ =	vpop (xrf0)  }
0x441: {  	v4 =	vadd.s32 s22, v4  }
0x442: {  	v5 =	vxor.u32 $0x80000000, v4  }
0x443: {  	(xrf0) =	vmax.scan.msk.u32 $0xffff, v5;
	_ =	sdelay $0x5  }
0x444: {  	v6, _, _ =	vpop (xrf0)  }
0x445: {  	vm1 =	vlt.s32 v4, $0x4000;
	(v2sf) =	vpush v6, $0xF  }
0x446: {  	v4 =	vnsel vm1, $0x80000000, v5  }
0x447: {  	(xrf0) =	vmax.scan.msk.u32 $0xffff, v4  }
0x448: {  	v4 =	vsel vm1, $0x1, v0  }
0x449: {  	(xrf0) =	vadd.scan.msk.s32 $0xffff, v4  }
0x44a: {  	v4 =	vld [tilespmem:s18+$0x0];
	_ =	sdelay $0x2  }
0x44b: {  	v5, _, _ =	vpop (xrf0)  }
0x44c: {  	(v2sf) =	vpush v5, $0xF  }
0x44d: {  	(xrf0) =	vadd.scan.msk.s32 $0xffff, v4;
	v5, _, _ =	vpop (xrf0)  }
0x44e: {  	(v2sf) =	vpush v5, $0xF;
	_ =	sdelay $0x3  }
0x44f: {  	s19 =	spop (v2sf)  }
0x450: {  	v4, _, _ =	vpop (xrf0);
	s19 =	sxor.u32 $0x80000000, s19  }
0x451: {  	v4 =	vadd.s32 s19, v4  }
0x452: {  	vm1 =	vlt.s32 v4, $0x4000;
	v4 =	vxor.u32 $0x80000000, v4  }
0x453: {  	v5 =	vnsel vm1, $0x80000000, v4;
	(xrf0) =	vmax.scan.msk.u32 $0xffff, v4  }
0x454: {  	v4 =	vsel vm1, $0x1, v0;
	(xrf0) =	vmax.scan.msk.u32 $0xffff, v5  }
0x455: {  	(xrf0) =	vadd.scan.msk.s32 $0xffff, v4;
	_ =	sdelay $0x2  }
0x456: {  	s31 =	spop (v2sf)  }
0x457: {  	s19 =	sxor.u32 $0x80000000, s31;
	v4, _, _ =	vpop (xrf0)  }
0x458: {  	[tilespmem:s18+$0xFFFFFFF0] =	vst v0;
	p0 =	slt.s32 s19, $0x0;
	s21 =	spop (v2sf);
	v5, _, _ =	vpop (xrf0);
	(v2sf) =	vpush v4, $0xF  }
0x459: {  	s20 =	simm.s32 $0x0;
	[tilespmem:s18+$0x0] =	vst v0;
	s19 =	smov.u32 @p0 s22;
	s21 =	sadd.s32 $0x0, s21;
	v4, _, _ =	vpop (xrf0);
	(v2sf) =	vpush v5, $0xF  }
.LBB2_72:
0x45a: {  	s20 =	sadd.s32 $0x2, s20;
	(v2sf) =	vpush v4, $0xF  }
0x45b: {  	p0 =	slt.u32 s20, $0x7E  }
0x45c: {  	s18 =	sadd.s32 $0x20, s18  }
0x45d: {  	v4 =	vld [tilespmem:s18+$0xFFFFFFF0];
	[tilespmem:s18+$0xFFFFFFF0] =	vst v0;
	_ =	sdelay $0x4  }
0x45e: {  	(xrf0) =	vadd.scan.msk.s32 $0xffff, v4;
	_ =	sdelay $0x4  }
0x45f: {  	s22 =	spop (v2sf)  }
0x460: {  	v4, _, _ =	vpop (xrf0);
	s22 =	sxor.u32 $0x80000000, s22;
	s23 =	spop (v2sf)  }
0x461: {  	v4 =	vadd.s32 s22, v4;
	s22 =	sxor.u32 $0x80000000, s23;
	s23 =	spop (v2sf)  }
0x462: {  	vm1 =	vlt.s32 v4, $0x4000;
	v4 =	vxor.u32 $0x80000000, v4;
	s21 =	sadd.s32 s23, s21;
	p1 =	sgt.s32 s19, s22  }
0x463: {  	v5 =	vsel vm1, $0x1, v0;
	v6 =	vnsel vm1, $0x80000000, v4;
	(xrf0) =	vmax.scan.msk.u32 $0xffff, v4;
	s22 =	smov.u32 @p1 s19  }
0x464: {  	(xrf0) =	vmax.scan.msk.u32 $0xffff, v6  }
0x465: {  	(xrf0) =	vadd.scan.msk.s32 $0xffff, v5;
	_ =	sdelay $0x3  }
0x466: {  	v4, _, _ =	vpop (xrf0)  }
0x467: {  	v5, _, _ =	vpop (xrf0);
	(v2sf) =	vpush v4, $0xF  }
0x468: {  	v4, _, _ =	vpop (xrf0);
	(v2sf) =	vpush v5, $0xF  }
0x469: {  	(v2sf) =	vpush v4, $0xF;
	_ =	sdelay $0x2  }
0x46a: {  	v4 =	vld [tilespmem:s18+$0x0];
	[tilespmem:s18+$0x0] =	vst v0;
	_ =	sdelay $0x4  }
0x46b: {  	(xrf0) =	vadd.scan.msk.s32 $0xffff, v4;
	_ =	sdelay $0x4  }
0x46c: {  	s19 =	spop (v2sf)  }
0x46d: {  	s23 =	sxor.u32 $0x80000000, s19;
	s19 =	spop (v2sf);
	v4, _, _ =	vpop (xrf0)  }
0x46e: {  	s19 =	sxor.u32 $0x80000000, s19;
	v4 =	vadd.s32 s23, v4;
	s23 =	spop (v2sf)  }
0x46f: {  	s21 =	sadd.s32 s21, s23;
	p1 =	sgt.s32 s22, s19;
	vm1 =	vlt.s32 v4, $0x4000;
	v4 =	vxor.u32 $0x80000000, v4  }
0x470: {  	s19 =	smov.u32 @p1 s22;
	v5 =	vsel vm1, $0x1, v0;
	v6 =	vnsel vm1, $0x80000000, v4;
	(xrf0) =	vmax.scan.msk.u32 $0xffff, v4  }
0x471: {  	(xrf0) =	vmax.scan.msk.u32 $0xffff, v6  }
0x472: {  	(xrf0) =	vadd.scan.msk.s32 $0xffff, v5;
	_ =	sdelay $0x1  }
.Ltmp38:
0x473: {  	(pc) =	sbr.rel @p0 .LBB2_72-.Ltmp38, $4  }
0x474: {  	_ = 	snop  }
0x475: {  	v4, _, _ =	vpop (xrf0)  }
0x476: {  	v5, _, _ =	vpop (xrf0);
	(v2sf) =	vpush v4, $0xF  }
0x477: {  	v4, _, _ =	vpop (xrf0);
	(v2sf) =	vpush v5, $0xF  }
0x478: {  	(v2sf) =	vpush v4, $0xF;
	_ =	sdelay $0x7  }
0x479: {  	s22 =	simm.s32 $0x8040  }
0x47a: {  	v6 =	vld [tilespmem:s22+$0xFFFFFFD0];
	_ =	sdelay $0x1  }
0x47b: {  	v5 =	vld [tilespmem:s22+$0xFFFFFFC0]  }
0x47c: {  	v7 =	vld [tilespmem:s22+$0xFFFFFFE0]  }
0x47d: {  	v10 =	vld [tilespmem:s22+$0xFFFFFFF0];
	s18 =	spop (v2sf)  }
0x47e: {  	v15 =	vand.u32 $0x7FFFFFFF, v6;
	v6 =	vld [tilespmem:s22+$0x10];
	s20 =	spop (v2sf)  }
0x47f: {  	s18 =	spop (v2sf)  }
0x480: {  	v9 =	vimm.s32 $0x0;
	v8 =	vld [tilespmem:s22+$0x0];
	v14 =	vand.u32 $0x7FFFFFFF, v5;
	s18 =	sadd.s32 s18, s21  }
0x481: {  	(v2sf) =	vpush v9, $0x0;
	v5 =	vshrl.u32 v14, $0x14;
	v4 =	vmov s18  }
0x482: {  	v17 =	vand.u32 $0x7FFFFFFF, v7;
	vm7 =	veq.s32 v5, v4;
	v5 =	vshrl.u32 v15, $0x14  }
0x483: {  	v19 =	vand.u32 $0x7FFFFFFF, v10;
	v6 =	vand.u32 $0x7FFFFFFF, v6;
	vm3 =	veq.s32 v5, v4  }
0x484: {  	v7 =	vmpcnt.ones.xlane vm7;
	v5 =	vshrl.u32 v17, $0x14;
	v11 =	vmpcnt.ones.xlane vm3  }
0x485: {  	vm5 =	veq.s32 v5, v4;
	v5 =	vand.u32 $0x7FFFFFFF, v8;
	vm10 =	vmmov vm3  }
0x486: {  	v8 =	vld [tilespmem:s22+$0x20];
	v7 =	vadd.s32 v9, v7;
	v9 =	vmpcnt.ones.xlane vm5;
	v13 =	vshrl.u32 v5, $0x14  }
0x487: {  	v12 =	vld [tilespmem:s22+$0x30];
	v10 =	vadd.s32 v7, v11;
	v11 =	vshrl.u32 v19, $0x14;
	(v2sf) =	vpush v7, $0x0  }
0x488: {  	vm11 =	vmmov vm5;
	(v2sf) =	vpush v10, $0x0;
	vm9 =	veq.s32 v11, v4  }
0x489: {  	vm1 =	veq.s32 v13, v4;
	v9 =	vadd.s32 v10, v9;
	v11 =	vmpcnt.ones.xlane vm9  }
0x48a: {  	v10 =	vshrl.u32 v6, $0x14;
	v13 =	vmpcnt.ones.xlane vm1;
	(v2sf) =	vpush v9, $0x0  }
0x48b: {  	vm2 =	veq.s32 v10, v4;
	v7 =	vand.u32 $0x7FFFFFFF, v8;
	v9 =	vadd.s32 v9, v11  }
0x48c: {  	s21 =	simm.s32 $0x80C0;
	v8 =	vand.u32 $0x7FFFFFFF, v12;
	v10 =	vshrl.u32 v7, $0x14;
	(v2sf) =	vpush v9, $0x0  }
0x48d: {  	vm4 =	vmmov vm1;
	v12 =	vld [tilespmem:s21+$0xFFFFFFC0];
	vm6 =	veq.s32 v10, v4;
	v10 =	vshrl.u32 v8, $0x14  }
0x48e: {  	vm1 =	vmmov vm2;
	v11 =	vmpcnt.ones.xlane vm2;
	vm8 =	veq.s32 v10, v4;
	v10 =	vld [tilespmem:s21+$0xFFFFFFD0]  }
0x48f: {  	v20 =	vld [tilespmem:s21+$0xFFFFFFE0];
	v9 =	vadd.s32 v9, v13;
	v16 =	vmpcnt.ones.xlane vm6;
	vm2 =	vmmov vm6  }
0x490: {  	v11 =	vadd.s32 v9, v11;
	(v2sf) =	vpush v9, $0x0;
	v18 =	vmpcnt.ones.xlane vm8  }
0x491: {  	v13 =	vld [tilespmem:s21+$0x0];
	vm3 =	vmmov vm8;
	(v2sf) =	vpush v11, $0x0;
	v9 =	vadd.s32 v11, v16  }
0x492: {  	v16 =	vld [tilespmem:s21+$0xFFFFFFF0];
	v11 =	vand.u32 $0x7FFFFFFF, v12;
	v12 =	vadd.s32 v9, v18;
	(v2sf) =	vpush v9, $0x0  }
0x493: {  	v18 =	vshrl.u32 v11, $0x14;
	(v2sf) =	vpush v12, $0x0;
	v9 =	vand.u32 $0x7FFFFFFF, v10  }
0x494: {  	vm5 =	veq.s32 v18, v4;
	v10 =	vand.u32 $0x7FFFFFFF, v20;
	v20 =	vld [tilespmem:s21+$0x10];
	v18 =	vshrl.u32 v9, $0x14  }
0x495: {  	s28 =	spop (v2sf);
	v21 =	vmpcnt.ones.xlane vm5;
	vm8 =	veq.s32 v18, v4;
	v18 =	vshrl.u32 v10, $0x14  }
0x496: {  	v23 =	vld [tilespmem:s21+$0x20];
	v13 =	vand.u32 $0x7FFFFFFF, v13;
	v22 =	vmpcnt.ones.xlane vm8;
	vm6 =	veq.s32 v18, v4;
	s29 =	spop (v2sf)  }
0x497: {  	v18 =	vadd.s32 v12, v21;
	v12 =	vand.u32 $0x7FFFFFFF, v16;
	v21 =	vmpcnt.ones.xlane vm6;
	s30 =	spop (v2sf)  }
0x498: {  	(v2sf) =	vpush v18, $0x0;
	v22 =	vadd.s32 v18, v22;
	v18 =	vshrl.u32 v12, $0x14;
	[tilespmem:s30+$0x10800] =	vst.msk vm11, v17;
	v17 =	vld [tilespmem:s21+$0x30]  }
0x499: {  	s20 =	sxor.u32 $0x80000000, s20;
	[tilespmem:s28+$0x10800] =	vst.msk vm7, v14;
	v14 =	vand.u32 $0x7FFFFFFF, v20;
	v16 =	vadd.s32 v22, v21;
	(v2sf) =	vpush v22, $0x0  }
0x49a: {  	p0 =	sgt.s32 s19, s20;
	[tilespmem:s29+$0x10800] =	vst.msk vm10, v15;
	v20 =	vshrl.u32 v13, $0x14;
	s31 =	spop (v2sf);
	vm7 =	veq.s32 v18, v4;
	(v2sf) =	vpush v16, $0x0  }
0x49b: {  	s20 =	smov.u32 @p0 s19;
	s19 =	simm.s32 $0x8;
	v15 =	vand.u32 $0x7FFFFFFF, v23;
	v18 =	vshrl.u32 v14, $0x14;
	[tilespmem:s31+$0x10800] =	vst.msk vm9, v19;
	v19 =	vmpcnt.ones.xlane vm7;
	s22 =	spop (v2sf)  }
.LBB2_74:
0x49c: {  	s19 =	sadd.s32 $0x8, s19;
	vm9 =	veq.s32 v20, v4;
	vm10 =	veq.s32 v18, v4;
	v18 =	vshrl.u32 v15, $0x14  }
0x49d: {  	p0 =	slt.u32 s19, $0x7F8;
	v16 =	vadd.s32 v16, v19;
	v19 =	vmpcnt.ones.xlane vm10;
	v17 =	vand.u32 $0x7FFFFFFF, v17  }
0x49e: {  	s21 =	sadd.s32 $0x80, s21;
	vm11 =	veq.s32 v18, v4;
	v18 =	vshrl.u32 v17, $0x14;
	(v2sf) =	vpush v16, $0x0  }
0x49f: {  	v21 =	vmpcnt.ones.xlane vm9;
	v22 =	vmpcnt.ones.xlane vm11;
	v20 =	vld [tilespmem:s21+$0xFFFFFFC0];
	vm12 =	veq.s32 v18, v4;
	[tilespmem:s22+$0x10800] =	vst.msk vm4, v5;
	s22 =	spop (v2sf);
	v5 =	vmovc v13  }
0x4a0: {  	vm4 =	vmmov vm9;
	v13 =	vld [tilespmem:s21+$0xFFFFFFD0];
	v18 =	vmpcnt.ones.xlane vm12;
	[tilespmem:s22+$0x10800] =	vst.msk vm1, v6;
	s22 =	spop (v2sf);
	v6 =	vmovc v14;
	vm1 =	vmmov vm10  }
0x4a1: {  	v16 =	vadd.s32 v16, v21;
	vm9 =	vmmov vm8;
	v14 =	vld [tilespmem:s21+$0xFFFFFFE0];
	[tilespmem:s22+$0x10800] =	vst.msk vm2, v7;
	s22 =	spop (v2sf);
	v7 =	vmovc v15;
	vm2 =	vmmov vm11  }
0x4a2: {  	v19 =	vadd.s32 v16, v19;
	v15 =	vld [tilespmem:s21+$0xFFFFFFF0];
	s23 =	spop (v2sf);
	(v2sf) =	vpush v16, $0x0;
	[tilespmem:s22+$0x10800] =	vst.msk vm3, v8;
	v8 =	vmovc v17;
	vm3 =	vmmov vm12  }
0x4a3: {  	vm10 =	vmmov vm6;
	v17 =	vadd.s32 v19, v22;
	v16 =	vld [tilespmem:s21+$0x0];
	[tilespmem:s23+$0x10800] =	vst.msk vm5, v11;
	(v2sf) =	vpush v19, $0x0  }
0x4a4: {  	v18 =	vadd.s32 v17, v18;
	v11 =	vand.u32 $0x7FFFFFFF, v20;
	(v2sf) =	vpush v17, $0x0  }
0x4a5: {  	v17 =	vshrl.u32 v11, $0x14;
	v19 =	vand.u32 $0x7FFFFFFF, v13;
	(v2sf) =	vpush v18, $0x0  }
0x4a6: {  	vm5 =	veq.s32 v17, v4;
	v13 =	vshrl.u32 v19, $0x14;
	v14 =	vand.u32 $0x7FFFFFFF, v14;
	v20 =	vld [tilespmem:s21+$0x10]  }
0x4a7: {  	v17 =	vmpcnt.ones.xlane vm5;
	vm8 =	veq.s32 v13, v4;
	v13 =	vshrl.u32 v14, $0x14;
	s22 =	spop (v2sf)  }
0x4a8: {  	v21 =	vmpcnt.ones.xlane vm8;
	vm6 =	veq.s32 v13, v4;
	v13 =	vand.u32 $0x7FFFFFFF, v16;
	v22 =	vld [tilespmem:s21+$0x20];
	[tilespmem:s22+$0x10800] =	vst.msk vm9, v9;
	s22 =	spop (v2sf);
	v9 =	vmovc v19  }
.Ltmp39:
0x4a9: {  	v15 =	vand.u32 $0x7FFFFFFF, v15;
	v16 =	vadd.s32 v18, v17;
	v18 =	vmpcnt.ones.xlane vm6;
	[tilespmem:s22+$0x10800] =	vst.msk vm10, v10;
	s22 =	spop (v2sf);
	v10 =	vmovc v14;
	(pc) =	sbr.rel @p0 .LBB2_74-.Ltmp39, $4  }
0x4aa: {  	v19 =	vadd.s32 v16, v21;
	v21 =	vshrl.u32 v15, $0x14;
	v17 =	vld [tilespmem:s21+$0x30];
	(v2sf) =	vpush v16, $0x0;
	[tilespmem:s22+$0x10800] =	vst.msk vm7, v12;
	v12 =	vmovc v15  }
0x4ab: {  	v16 =	vadd.s32 v19, v18;
	v14 =	vand.u32 $0x7FFFFFFF, v20;
	(v2sf) =	vpush v19, $0x0  }
0x4ac: {  	vm7 =	veq.s32 v21, v4;
	v18 =	vshrl.u32 v14, $0x14;
	(v2sf) =	vpush v16, $0x0  }
0x4ad: {  	v20 =	vshrl.u32 v13, $0x14;
	v19 =	vmpcnt.ones.xlane vm7;
	v15 =	vand.u32 $0x7FFFFFFF, v22;
	s22 =	spop (v2sf)  }
0x4ae: {  	vm10 =	veq.s32 v20, v4  }
0x4af: {  	vm9 =	veq.s32 v18, v4;
	v59 =	vshrl.u32 v15, $0x14;
	v16 =	vadd.s32 v16, v19  }
0x4b0: {  	v60 =	vmpcnt.ones.xlane vm9;
	v17 =	vand.u32 $0x7FFFFFFF, v17;
	v20 =	vmpcnt.ones.xlane vm10  }
0x4b1: {  	vm11 =	veq.s32 v59, v4;
	v61 =	vshrl.u32 v17, $0x14;
	(v2sf) =	vpush v16, $0x0  }
0x4b2: {  	v21 =	vmpcnt.ones.xlane vm11;
	vm12 =	veq.s32 v61, v4;
	v4 =	vadd.s32 v16, v20  }
0x4b3: {  	v62 =	vmpcnt.ones.xlane vm12;
	v63 =	vadd.s32 v4, v60;
	(v2sf) =	vpush v4, $0x0  }
0x4b4: {  	v4 =	vadd.s32 v63, v21;
	(v2sf) =	vpush v63, $0x0  }
0x4b5: {  	v16 =	vadd.s32 v4, v62;
	(v2sf) =	vpush v4, $0x0  }
0x4b6: {  	(v2sf) =	vpush v16, $0x0;
	_ =	sdelay $0x3  }
0x4b7: {  	s19 =	spop (v2sf)  }
0x4b8: {  	s21 =	spop (v2sf)  }
0x4b9: {  	s23 =	spop (v2sf)  }
0x4ba: {  	s24 =	spop (v2sf)  }
0x4bb: {  	s31 =	spop (v2sf)  }
0x4bc: {  	s25 =	spop (v2sf)  }
0x4bd: {  	s26 =	spop (v2sf)  }
0x4be: {  	s28 =	spop (v2sf)  }
0x4bf: {  	[tilespmem:s19+$0x10800] =	vst.msk vm1, v6;
	s29 =	spop (v2sf)  }
0x4c0: {  	[tilespmem:s21+$0x10800] =	vst.msk vm2, v7;
	vm2 =	vmmov vm6;
	s30 =	spop (v2sf)  }
0x4c1: {  	vm1 =	vmmov vm8;
	[tilespmem:s25+$0x10800] =	vst.msk vm2, v10;
	s25 =	spop (v2sf)  }
0x4c2: {  	[tilespmem:s31+$0x10800] =	vst.msk vm1, v9;
	s31 =	spop (v2sf)  }
0x4c3: {  	[tilespmem:s22+$0x10800] =	vst.msk vm4, v5;
	s19 =	sadd.s32 $0xF, s31  }
0x4c4: {  	[tilespmem:s23+$0x10800] =	vst.msk vm3, v8;
	s19 =	sshrl.u32 s19, $0x4  }
0x4c5: {  	[tilespmem:s24+$0x10800] =	vst.msk vm5, v11;
	p0 =	seq.s32 s19, $0x0  }
.Ltmp40:
0x4c6: {  	vm1 =	vmmov vm10;
	[tilespmem:s26+$0x10800] =	vst.msk vm7, v12;
	(pc) =	sbr.rel @p0 .LBB2_79-.Ltmp40, $4  }
0x4c7: {  	[tilespmem:s28+$0x10800] =	vst.msk vm1, v13;
	vm1 =	vmmov vm9  }
0x4c8: {  	[tilespmem:s29+$0x10800] =	vst.msk vm1, v14;
	vm1 =	vmmov vm11  }
0x4c9: {  	v4 =	vbroadcast v16, $0x0;
	[tilespmem:s30+$0x10800] =	vst.msk vm1, v15;
	vm1 =	vmmov vm12  }
0x4ca: {  	[tilespmem:s25+$0x10800] =	vst.msk vm1, v17  }
0x4cb: {  	s22 =	simm.s32 $0x10800  }
0x4cc: {  	p1 =	seq.s32 s19, $0x1;
	v5 =	vld [tilespmem:s22+$0x0]  }
.Ltmp41:
0x4cd: {  	_ = 	snop;
	(pc) =	sbr.rel @p1 .LBB2_78-.Ltmp41, $4  }
0x4ce: {  	_ = 	snop  }
0x4cf: {  	s21 =	simm.s32 $0x0  }
0x4d0: {  	v6 =	vor.u32 s21, v2  }
0x4d1: {  	s23 =	simm.s32 $0x10810;
	s22 =	sadd.s32 $0xFFFFFFFF, s19;
	vm1 =	vlt.s32 v6, v4;
	v5 =	vshrl.u32 v5, $0xA  }
.LBB2_77:
0x4d2: {  	v6 =	vld [tilespmem:s23+$0x0];
	p1 =	seq.s32 s22, $0x1;
	s22 =	sadd.s32 $0xFFFFFFFF, s22;
	v7 =	vand.u32 $0x3FF, v5  }
.Ltmp42:
0x4d3: {  	(pc) =	sbr.rel @!p1 .LBB2_77-.Ltmp42, $4  }
0x4d4: {  	_ = 	snop  }
0x4d5: {  	s21 =	sadd.s32 $0x10, s21  }
0x4d6: {  	v8 =	vor.u32 s21, v2  }
0x4d7: {  	s23 =	sadd.s32 $0x10, s23;
	v5 =	vshrl.u32 v6, $0xA;
	[tilespmem:v7+s11+$0x0] =	vst.idx.add.s32.msk vm1, v1;
	vm1 =	vlt.s32 v8, v4  }
.LBB2_78:
0x4d8: {  	v5 =	vand.u32 $0x3FF, v5;
	_ =	sdelay $0x4  }
0x4d9: {  	[tilespmem:v5+s11+$0x0] =	vst.idx.add.s32.msk vm1, v1  }
.LBB2_79:
0x4da: {  	s16 =	sshll.u32 s16, $0xA  }
0x4db: {  	vm1 =	veq.s32 v2, $0x2;
	s17 =	sor.u32 s16, s17  }
0x4dc: {  	v3 =	vsel vm1, s17, v3;
	s17 =	simm.s32 $0x10010  }
0x4dd: {  	v6 =	vld [tilespmem:s17+$0xFFFFFFF0];
	_ =	sdelay $0x4  }
0x4de: {  	(xrf0) =	vadd.scan.msk.s32 $0xffff, v6;
	_ =	sdelay $0x5  }
0x4df: {  	s23 =	simm.s32 $0x0;
	v6, _, _ =	vpop (xrf0)  }
0x4e0: {  	v6 =	vadd.s32 s23, v6  }
0x4e1: {  	v7 =	vxor.u32 $0x80000000, v6  }
0x4e2: {  	(xrf0) =	vmax.scan.msk.u32 $0xffff, v7;
	_ =	sdelay $0x4  }
0x4e3: {  	s16 =	ssub.s32 $0x4000, s20  }
0x4e4: {  	v5 =	vmov s16;
	v8, _, _ =	vpop (xrf0)  }
0x4e5: {  	vm1 =	vlt.s32 v6, v5;
	(v2sf) =	vpush v8, $0xF  }
0x4e6: {  	v6 =	vnsel vm1, $0x80000000, v7  }
0x4e7: {  	(xrf0) =	vmax.scan.msk.u32 $0xffff, v6  }
0x4e8: {  	v6 =	vsel vm1, $0x1, v0  }
0x4e9: {  	(xrf0) =	vadd.scan.msk.s32 $0xffff, v6  }
0x4ea: {  	v6 =	vld [tilespmem:s17+$0x0];
	_ =	sdelay $0x2  }
0x4eb: {  	v7, _, _ =	vpop (xrf0)  }
0x4ec: {  	(v2sf) =	vpush v7, $0xF  }
0x4ed: {  	(xrf0) =	vadd.scan.msk.s32 $0xffff, v6;
	v7, _, _ =	vpop (xrf0)  }
0x4ee: {  	(v2sf) =	vpush v7, $0xF;
	_ =	sdelay $0x3  }
0x4ef: {  	s30 =	spop (v2sf)  }
0x4f0: {  	v6, _, _ =	vpop (xrf0);
	s20 =	sxor.u32 $0x80000000, s30  }
0x4f1: {  	v6 =	vadd.s32 s20, v6  }
0x4f2: {  	vm1 =	vlt.s32 v6, v5;
	v6 =	vxor.u32 $0x80000000, v6  }
0x4f3: {  	v7 =	vnsel vm1, $0x80000000, v6;
	(xrf0) =	vmax.scan.msk.u32 $0xffff, v6  }
0x4f4: {  	v6 =	vsel vm1, $0x1, v0;
	(xrf0) =	vmax.scan.msk.u32 $0xffff, v7  }
0x4f5: {  	(xrf0) =	vadd.scan.msk.s32 $0xffff, v6;
	_ =	sdelay $0x2  }
0x4f6: {  	s31 =	spop (v2sf)  }
0x4f7: {  	s21 =	sxor.u32 $0x80000000, s31;
	v6, _, _ =	vpop (xrf0)  }
0x4f8: {  	[tilespmem:s17+$0xFFFFFFF0] =	vst v0;
	p1 =	slt.s32 s21, $0x0;
	s22 =	spop (v2sf);
	v7, _, _ =	vpop (xrf0);
	(v2sf) =	vpush v6, $0xF  }
0x4f9: {  	[tilespmem:s17+$0x0] =	vst v0;
	s20 =	simm.s32 $0x0;
	s21 =	smov.u32 @p1 s23;
	s22 =	sadd.s32 $0x0, s22;
	v6, _, _ =	vpop (xrf0);
	(v2sf) =	vpush v7, $0xF  }
.LBB2_80:
0x4fa: {  	s20 =	sadd.s32 $0x2, s20;
	(v2sf) =	vpush v6, $0xF  }
0x4fb: {  	p1 =	slt.u32 s20, $0x3E  }
0x4fc: {  	s17 =	sadd.s32 $0x20, s17  }
0x4fd: {  	v6 =	vld [tilespmem:s17+$0xFFFFFFF0];
	[tilespmem:s17+$0xFFFFFFF0] =	vst v0;
	_ =	sdelay $0x4  }
0x4fe: {  	(xrf0) =	vadd.scan.msk.s32 $0xffff, v6;
	_ =	sdelay $0x4  }
0x4ff: {  	s23 =	spop (v2sf)  }
0x500: {  	v6, _, _ =	vpop (xrf0);
	s23 =	sxor.u32 $0x80000000, s23;
	s24 =	spop (v2sf)  }
0x501: {  	v6 =	vadd.s32 s23, v6;
	s23 =	sxor.u32 $0x80000000, s24;
	s24 =	spop (v2sf)  }
0x502: {  	vm1 =	vlt.s32 v6, v5;
	v6 =	vxor.u32 $0x80000000, v6;
	s22 =	sadd.s32 s24, s22;
	p2 =	sgt.s32 s21, s23  }
0x503: {  	v7 =	vsel vm1, $0x1, v0;
	v8 =	vnsel vm1, $0x80000000, v6;
	(xrf0) =	vmax.scan.msk.u32 $0xffff, v6;
	s23 =	smov.u32 @p2 s21  }
0x504: {  	(xrf0) =	vmax.scan.msk.u32 $0xffff, v8  }
0x505: {  	(xrf0) =	vadd.scan.msk.s32 $0xffff, v7;
	_ =	sdelay $0x3  }
0x506: {  	v6, _, _ =	vpop (xrf0)  }
0x507: {  	v7, _, _ =	vpop (xrf0);
	(v2sf) =	vpush v6, $0xF  }
0x508: {  	v6, _, _ =	vpop (xrf0);
	(v2sf) =	vpush v7, $0xF  }
0x509: {  	(v2sf) =	vpush v6, $0xF;
	_ =	sdelay $0x2  }
0x50a: {  	v6 =	vld [tilespmem:s17+$0x0];
	[tilespmem:s17+$0x0] =	vst v0;
	_ =	sdelay $0x4  }
0x50b: {  	(xrf0) =	vadd.scan.msk.s32 $0xffff, v6;
	_ =	sdelay $0x4  }
0x50c: {  	s21 =	spop (v2sf)  }
0x50d: {  	s24 =	sxor.u32 $0x80000000, s21;
	s21 =	spop (v2sf);
	v6, _, _ =	vpop (xrf0)  }
0x50e: {  	s21 =	sxor.u32 $0x80000000, s21;
	v6 =	vadd.s32 s24, v6;
	s24 =	spop (v2sf)  }
0x50f: {  	s22 =	sadd.s32 s22, s24;
	p2 =	sgt.s32 s23, s21;
	vm1 =	vlt.s32 v6, v5;
	v6 =	vxor.u32 $0x80000000, v6  }
0x510: {  	s21 =	smov.u32 @p2 s23;
	v7 =	vsel vm1, $0x1, v0;
	v8 =	vnsel vm1, $0x80000000, v6;
	(xrf0) =	vmax.scan.msk.u32 $0xffff, v6  }
0x511: {  	(xrf0) =	vmax.scan.msk.u32 $0xffff, v8  }
0x512: {  	(xrf0) =	vadd.scan.msk.s32 $0xffff, v7;
	_ =	sdelay $0x1  }
.Ltmp43:
0x513: {  	(pc) =	sbr.rel @p1 .LBB2_80-.Ltmp43, $4  }
0x514: {  	_ = 	snop  }
0x515: {  	v6, _, _ =	vpop (xrf0)  }
0x516: {  	v7, _, _ =	vpop (xrf0);
	(v2sf) =	vpush v6, $0xF  }
0x517: {  	v6, _, _ =	vpop (xrf0);
	(v2sf) =	vpush v7, $0xF  }
0x518: {  	(v2sf) =	vpush v6, $0xF;
	_ =	sdelay $0xc  }
.Ltmp44:
0x519: {  	s17 =	spop (v2sf);
	(pc) =	sbr.rel @p0 .LBB2_89-.Ltmp44, $4  }
0x51a: {  	s17 =	spop (v2sf)  }
0x51b: {  	s20 =	sxor.u32 $0x80000000, s17;
	s31 =	spop (v2sf)  }
0x51c: {  	s18 =	sshll.u32 s18, $0xA;
	s17 =	sadd.s32 s31, s22;
	p1 =	sgt.s32 s21, s20  }
0x51d: {  	s20 =	smov.u32 @p1 s21;
	s17 =	sor.u32 s18, s17  }
0x51e: {  	s21 =	simm.s32 $0x10800  }
0x51f: {  	p1 =	seq.s32 s19, $0x1;
	v10 =	vld [tilespmem:s21+$0x0]  }
.Ltmp45:
0x520: {  	_ = 	snop;
	(pc) =	sbr.rel @p1 .LBB2_83-.Ltmp45, $3  }
0x521: {  	_ =	sdelay $0x1  }
0x522: {  	s18 =	simm.s32 $0x0  }
0x523: {  	v5 =	vmov s17;
	s19 =	sadd.s32 $0xFFFFFFFF, s19;
	p0 =	por $0x0, $0x0;
	v7 =	vor.u32 s18, v2;
	s18 =	simm.s32 $0x10810;
	v8 =	vshrl.u32 v10, $0xA  }
0x524: {  	v9 =	vld [tilespmem:s18+$0x0];
	vm1 =	vlt.s32 v7, v4;
	vm2 =	veq.s32 v8, v5;
	p1 =	seq.s32 s19, $0x1  }
.Ltmp46:
0x525: {  	vm1 =	vmand vm1, vm2;
	(pc) =	sbr.rel @p1 .LBB2_85-.Ltmp46, $3  }
0x526: {  	v6 =	vand.u32 $0x3FF, v10;
	_ =	sdelay $0x1  }
0x527: {  	s18 =	simm.s32 $0x10  }
0x528: {  	s19 =	sadd.s32 $0xFFFFFFFF, s19;
	s21 =	simm.s32 $0x10820;
	p0 =	por $0x1, $0x1;
	v7 =	vor.u32 s18, v2;
	v8 =	vshrl.u32 v9, $0xA  }
.LBB2_86:
0x529: {  	v10 =	vld [tilespmem:s21+$0x0];
	p1 =	seq.s32 s19, $0x1;
	s19 =	sadd.s32 $0xFFFFFFFF, s19;
	vm2 =	vlt.s32 v7, v4;
	vm3 =	veq.s32 v8, v5  }
.Ltmp47:
0x52a: {  	[tilespmem:v6+s11+$0x0] =	vst.idx.add.s32.msk vm1, v1;
	vm1 =	vmand vm2, vm3;
	(pc) =	sbr.rel @!p1 .LBB2_86-.Ltmp47, $3  }
0x52b: {  	v6 =	vand.u32 $0x3FF, v9;
	_ =	sdelay $0x1  }
0x52c: {  	s18 =	sadd.s32 $0x10, s18  }
0x52d: {  	s21 =	sadd.s32 $0x10, s21;
	v7 =	vor.u32 s18, v2;
	v8 =	vshrl.u32 v10, $0xA;
	v9 =	vmov v10  }
0x52e: {  	v10 =	vmov v9  }
.LBB2_88:
0x52f: {  	vm2 =	vlt.s32 v7, v4;
	vm3 =	veq.s32 v8, v5  }
0x530: {  	vm2 =	vmand vm2, vm3  }
0x531: {  	v4 =	vand.u32 $0x3FF, v10;
	_ =	sdelay $0x3  }
0x532: {  	[tilespmem:v6+s11+$0x0] =	vst.idx.add.s32.msk @p0 vm1, v1  }
0x533: {  	[tilespmem:v4+s11+$0x0] =	vst.idx.add.s32.msk vm2, v1  }
.LBB2_89:
0x534: {  	s16 =	ssub.s32 s16, s20  }
0x535: {  	v4 =	vmov s16;
	s16 =	simm.s32 $0x10010  }
0x536: {  	v5 =	vld [tilespmem:s16+$0xFFFFFFF0];
	_ =	sdelay $0x4  }
0x537: {  	(xrf0) =	vadd.scan.msk.s32 $0xffff, v5;
	_ =	sdelay $0x5  }
0x538: {  	s18 =	simm.s32 $0x0;
	v5, _, _ =	vpop (xrf0)  }
0x539: {  	v5 =	vadd.s32 s18, v5  }
0x53a: {  	v6 =	vxor.u32 $0x80000000, v5  }
0x53b: {  	(xrf0) =	vmax.scan.msk.u32 $0xffff, v6;
	_ =	sdelay $0x5  }
0x53c: {  	v6, _, _ =	vpop (xrf0)  }
0x53d: {  	(v2sf) =	vpush v6, $0xF;
	_ =	sdelay $0x1  }
0x53e: {  	vm1 =	vlt.s32 v5, v4  }
0x53f: {  	v5 =	vsel vm1, $0x1, v0  }
0x540: {  	(xrf0) =	vadd.scan.msk.s32 $0xffff, v5  }
0x541: {  	v5 =	vld [tilespmem:s16+$0x0];
	_ =	sdelay $0x4  }
0x542: {  	v6, _, _ =	vpop (xrf0);
	(xrf0) =	vadd.scan.msk.s32 $0xffff, v5  }
0x543: {  	(v2sf) =	vpush v6, $0xF;
	_ =	sdelay $0x3  }
0x544: {  	s31 =	spop (v2sf)  }
0x545: {  	v5, _, _ =	vpop (xrf0);
	s18 =	sxor.u32 $0x80000000, s31  }
0x546: {  	v5 =	vadd.s32 s18, v5  }
0x547: {  	vm1 =	vlt.s32 v5, v4;
	v5 =	vxor.u32 $0x80000000, v5  }
0x548: {  	v6 =	vsel vm1, $0x1, v0;
	(xrf0) =	vmax.scan.msk.u32 $0xffff, v5  }
0x549: {  	(xrf0) =	vadd.scan.msk.s32 $0xffff, v6;
	_ =	sdelay $0x4  }
0x54a: {  	v5, _, _ =	vpop (xrf0)  }
0x54b: {  	[tilespmem:s16+$0xFFFFFFF0] =	vst v0;
	s19 =	spop (v2sf);
	v6, _, _ =	vpop (xrf0);
	(v2sf) =	vpush v5, $0xF  }
0x54c: {  	[tilespmem:s16+$0x0] =	vst v0;
	s18 =	simm.s32 $0x0;
	s19 =	sadd.s32 $0x0, s19;
	(v2sf) =	vpush v6, $0xF  }
.LBB2_90:
0x54d: {  	_ =	sdelay $0x1  }
0x54e: {  	s18 =	sadd.s32 $0x2, s18;
	s16 =	sadd.s32 $0x20, s16  }
0x54f: {  	v5 =	vld [tilespmem:s16+$0xFFFFFFF0];
	[tilespmem:s16+$0xFFFFFFF0] =	vst v0;
	p0 =	slt.u32 s18, $0x3E;
	_ =	sdelay $0x4  }
0x550: {  	(xrf0) =	vadd.scan.msk.s32 $0xffff, v5;
	_ =	sdelay $0x4  }
0x551: {  	s20 =	spop (v2sf)  }
0x552: {  	v5, _, _ =	vpop (xrf0);
	s20 =	sxor.u32 $0x80000000, s20;
	s21 =	spop (v2sf)  }
0x553: {  	v5 =	vadd.s32 s20, v5;
	s19 =	sadd.s32 s21, s19  }
0x554: {  	vm1 =	vlt.s32 v5, v4;
	v5 =	vxor.u32 $0x80000000, v5  }
0x555: {  	v6 =	vsel vm1, $0x1, v0;
	(xrf0) =	vmax.scan.msk.u32 $0xffff, v5  }
0x556: {  	(xrf0) =	vadd.scan.msk.s32 $0xffff, v6;
	_ =	sdelay $0x4  }
0x557: {  	v5, _, _ =	vpop (xrf0)  }
0x558: {  	v6, _, _ =	vpop (xrf0);
	(v2sf) =	vpush v5, $0xF  }
0x559: {  	(v2sf) =	vpush v6, $0xF;
	_ =	sdelay $0x3  }
0x55a: {  	v5 =	vld [tilespmem:s16+$0x0];
	[tilespmem:s16+$0x0] =	vst v0;
	_ =	sdelay $0x4  }
0x55b: {  	(xrf0) =	vadd.scan.msk.s32 $0xffff, v5;
	_ =	sdelay $0x4  }
0x55c: {  	s20 =	spop (v2sf)  }
0x55d: {  	s20 =	sxor.u32 $0x80000000, s20;
	s21 =	spop (v2sf);
	v5, _, _ =	vpop (xrf0)  }
0x55e: {  	s19 =	sadd.s32 s19, s21;
	v5 =	vadd.s32 s20, v5  }
0x55f: {  	vm1 =	vlt.s32 v5, v4;
	v5 =	vxor.u32 $0x80000000, v5  }
0x560: {  	v6 =	vsel vm1, $0x1, v0;
	(xrf0) =	vmax.scan.msk.u32 $0xffff, v5  }
0x561: {  	(xrf0) =	vadd.scan.msk.s32 $0xffff, v6;
	_ =	sdelay $0x2  }
.Ltmp48:
0x562: {  	(pc) =	sbr.rel @p0 .LBB2_90-.Ltmp48, $4  }
0x563: {  	_ = 	snop  }
0x564: {  	v5, _, _ =	vpop (xrf0)  }
0x565: {  	v6, _, _ =	vpop (xrf0);
	(v2sf) =	vpush v5, $0xF  }
0x566: {  	(v2sf) =	vpush v6, $0xF  }
0x567: {  	_ =	sdelay $0xc  }
0x568: {  	s16 =	spop (v2sf)  }
0x569: {  	s16 =	spop (v2sf)  }
0x56a: {  	s17 =	sshll.u32 s17, $0xA;
	s16 =	sadd.s32 s16, s19  }
0x56b: {  	vm1 =	veq.s32 v2, $0x3;
	s16 =	sor.u32 s17, s16  }
0x56c: {  	s15 =	sadd.s32 $0x1, s15;
	v3 =	vsel vm1, s16, v3  }
0x56d: {  	p0 =	sne.s32 s15, s8;
	[tilespmem:$0x18800] =	vst v3  }
0x56e: {  	[hbm4b:s7+s2] =	stream.linear.scatter [tilespmem:s13], [sflag:$0x3], $0x10, $0x38;
	[tilespmem:$0x18880] =	vst v63  }
.Ltmp49:
0x56f: {  	_ = 	snop;
	(pc) =	sbr.rel @p0 .LBB2_1-.Ltmp49, $4  }
.Ltmp50:
0x570: {  	_ = 	snop;
	(pc) =	sbr.rel @!p0 .LBB2_92-.Ltmp50, $4  }
0x571: {  	_ =	swait.ge [sflag:s14], $0x10  }
0x572: {  	[sflag:s14] =	ssyncset.done $0x0  }
0x573: {  	[sflag:s14] =	ssyncadd.s32 $0xFFFFFFF0  }
0x574: {  	_ = 	snop  }
.LBB2_17:
.Ltmp51:
0x575: {  	(pc) =	sbr.rel .LBB2_22-.Ltmp51, $2  }
0x576: {  	_ =	sdelay $0x2  }
0x577: {  	_ = 	snop  }
.LBB2_39:
.Ltmp52:
0x578: {  	(pc) =	sbr.rel .LBB2_44-.Ltmp52, $2  }
0x579: {  	_ =	sdelay $0x2  }
0x57a: {  	_ = 	snop  }
.LBB2_61:
.Ltmp53:
0x57b: {  	(pc) =	sbr.rel .LBB2_66-.Ltmp53, $2  }
0x57c: {  	_ =	sdelay $0x2  }
0x57d: {  	_ = 	snop  }
.LBB2_83:
.Ltmp54:
0x57e: {  	(pc) =	sbr.rel .LBB2_88-.Ltmp54, $2  }
0x57f: {  	_ =	sdelay $0x2  }
0x580: {  	_ = 	snop  }
.LBB2_19:
.Ltmp55:
0x581: {  	(pc) =	sbr.rel .LBB2_22-.Ltmp55, $2  }
0x582: {  	_ =	sdelay $0x2  }
0x583: {  	v9 =	vmov v8  }
.LBB2_41:
.Ltmp56:
0x584: {  	(pc) =	sbr.rel .LBB2_44-.Ltmp56, $2  }
0x585: {  	_ =	sdelay $0x2  }
0x586: {  	v10 =	vmov v9  }
.LBB2_63:
.Ltmp57:
0x587: {  	(pc) =	sbr.rel .LBB2_66-.Ltmp57, $2  }
0x588: {  	_ =	sdelay $0x2  }
0x589: {  	v10 =	vmov v9  }
.LBB2_85:
.Ltmp58:
0x58a: {  	(pc) =	sbr.rel .LBB2_88-.Ltmp58, $2  }
0x58b: {  	_ =	sdelay $0x2  }
0x58c: {  	v10 =	vmov v9  }
.LBB2_92:
0x58d: {  	_ =	sfence.sel $0x180000  }
0x58e: {  	[bflag:$0x0] =	sbarrier.arrive $0xFFFF  }
0x58f: {  	p0 =	sne.s32 s0, $0x0;
	_ =	strace $0x90000047  }
0x590: {  	s0 =	sadd.s32 @!p0 $0x100000, s1;
	[bflag:$0x2] =	sbarrier.arrive $0xFFFF  }
0x591: {  	[sflag:s0] =	ssyncadd.tile.s32 @!p0 $0x1;
	_ =	shalt  }
.Lfunc_end2:
_tile_overlayer_lowered:
.L_overlay_start_2:
0x592: {  	(tag) =	ssettag $0x2  }
0x593: {  	s0 =	rddreg [dreg:$0x0];
	s2 =	stileid.u32  }
0x594: {  	s1 =	rddreg [dreg:$0x1];
	p0 =	sne.s32 s2, $0x0  }
0x595: {  	s3 =	rddreg [dreg:$0x2];
	[bflag:$0x3] =	sbarrier.arrive $0xFFFF;
	s2 =	simm.s32 @!p0 $0x1C03  }
0x596: {  	[timem:s3], [sflag:s2] =	dma.local @!p0 [hbm:s0], s1  }
0x597: {  	s0 =	simm.s32 @!p0 $0x3  }
0x598: {  	_ =	swait.ge @!p0 [sflag:s0], s1  }
0x599: {  	s1 =	ssub.s32 @!p0 $0x0, s1;
	[sflag:s0] =	ssyncset.done @!p0 $0x0  }
0x59a: {  	[sflag:s0] =	ssyncadd.s32 @!p0 s1  }
0x59b: {  	[bflag:$0x3] =	sbarrier.arrive $0xFFFF  }
0x59c: {  	_ =	shalt  }

</sc_bundles>
